<compile_context>
chip_gen: v7x
topology: tpu7x:2x2x1
jax: 0.10.2.dev20260603
libtpu: 0.0.44.dev20260713+nightly
codegen_flags: <defaults>
</compile_context>

<pallas_src>
import functools

import jax
import jax.numpy as jnp
from jax import lax
from jax.experimental import pallas as pl
from jax.experimental.pallas import tpu as pltpu, tpu_sc as plsc

_NW = 32
_C = 2048
_U = 4


@functools.lru_cache(maxsize=None)
def _build(n):
    per_w = n // _NW
    n_chunks = per_w // _C
    groups = _C // 16
    plane = n * 8
    cplane = _C * 8

    mesh = plsc.VectorSubcoreMesh(core_axis_name="c", subcore_axis_name="s")

    @functools.partial(
        pl.kernel,
        mesh=mesh,
        out_type=jax.ShapeDtypeStruct((n * 16,), jnp.float32),
        compiler_params=pltpu.CompilerParams(needs_layout_passes=False),
        scratch_types=[
            pltpu.VMEM((16 * 16,), jnp.float32),
            pltpu.VMEM((_C,), jnp.float32),
            pltpu.VMEM((_C,), jnp.float32),
            pltpu.VMEM((_C * 16,), jnp.float32),
            pltpu.VMEM((_C * 16,), jnp.float32),
            pltpu.SemaphoreType.DMA,
            pltpu.SemaphoreType.DMA,
            pltpu.SemaphoreType.DMA,
            pltpu.SemaphoreType.DMA,
        ],
    )
    def sc_kernel(
        x_hbm, thr_hbm, out_hbm, thr_v, x_v0, x_v1, o_v0, o_v1, so0, so1, sx0, sx1
    ):
        wid = lax.axis_index("s") * 2 + lax.axis_index("c")
        base = wid * per_w
        pltpu.sync_copy(thr_hbm, thr_v)

        ones = jnp.ones((16,), jnp.float32)
        tsplat = [thr_v[pl.ds(j * 16, 16)] for j in range(15)]

        def x_slice(ci):
            return x_hbm.at[pl.ds(base + ci * _C, _C)]

        def do_chunk(ci, x_v, o_v, so, x_nv, sx, sx_n):
            pltpu.make_async_copy(x_slice(ci), x_v, sx).wait()

            @pl.when(ci + 1 < n_chunks)
            def _():
                pltpu.async_copy(x_slice(ci + 1), x_nv, sx_n)

            @pl.when(ci >= 2)
            def _():
                off8 = (base + (ci - 2) * _C) * 8
                pltpu.make_async_copy(
                    o_v.at[pl.ds(0, cplane)], out_hbm.at[pl.ds(off8, cplane)], so
                ).wait()
                pltpu.make_async_copy(
                    o_v.at[pl.ds(cplane, cplane)],
                    out_hbm.at[pl.ds(plane + off8, cplane)],
                    so,
                ).wait()

            def group(gi, carry):
                for u in range(_U):
                    g = gi * _U + u
                    xv = x_v[pl.ds(g * 16, 16)]
                    b = [jnp.where(t < xv, 1.0, 0.0) for t in tsplat]
                    cols = (
                        [ones - b[0]]
                        + [b[j - 1] - b[j] for j in range(1, 15)]
                        + [b[14]]
                    )
                    gbase = (g // 8) * 1024 + (g % 8) * 16
                    for j in range(16):
                        addr = (j // 8) * cplane + (j % 8) * 128 + gbase
                        o_v[pl.ds(addr, 16)] = cols[j]
                return carry

            lax.fori_loop(0, groups // _U, group, 0)
            off8 = (base + ci * _C) * 8
            pltpu.async_copy(
                o_v.at[pl.ds(0, cplane)], out_hbm.at[pl.ds(off8, cplane)], so
            )
            pltpu.async_copy(
                o_v.at[pl.ds(cplane, cplane)],
                out_hbm.at[pl.ds(plane + off8, cplane)],
                so,
            )

        pltpu.async_copy(x_slice(0), x_v0, sx0)

        def outer(i, carry):
            do_chunk(2 * i, x_v0, o_v0, so0, x_v1, sx0, sx1)
            do_chunk(2 * i + 1, x_v1, o_v1, so1, x_v0, sx1, sx0)
            return carry

        lax.fori_loop(0, n_chunks // 2, outer, 0)

        for o_v, so, ci in ((o_v0, so0, n_chunks - 2), (o_v1, so1, n_chunks - 1)):
            off8 = (base + ci * _C) * 8
            pltpu.make_async_copy(
                o_v.at[pl.ds(0, cplane)], out_hbm.at[pl.ds(off8, cplane)], so
            ).wait()
            pltpu.make_async_copy(
                o_v.at[pl.ds(cplane, cplane)],
                out_hbm.at[pl.ds(plane + off8, cplane)],
                so,
            ).wait()

    return sc_kernel


def kernel(x, thresholds):
    n = x.shape[0]
    x_flat = x.reshape(n)
    thr_rep = jnp.concatenate(
        [
            jnp.repeat(thresholds.astype(jnp.float32), 16),
            jnp.full((16,), jnp.inf, jnp.float32),
        ]
    )
    out_lin = _build(n)(x_flat, thr_rep)
    out = (
        out_lin.reshape(2, n // 128, 8, 128)
        .transpose(1, 3, 0, 2)
        .reshape(n, 16)
    )
    return out

# --- scband reference (transcript-rebuilt; emitter-appended) ---
"""Pipeline reference for scband-fixed-quantization-88184268521647 (READ-ONLY COPY).

The authoritative reference and input builder live on the scoring server;
editing this copy changes nothing except your own understanding.
"""

import jax, jax.numpy as jnp
import numpy as np

THRESHOLDS = jnp.asarray([-1.75, -1.5, -1.25, -1.0, -0.75, -0.5, -0.25, 0.0, 0.25, 0.5, 0.75, 1.0, 1.25, 1.5, 1.75], dtype=jnp.float32)
INPUT_DIM = 1


def setup_inputs(seed: int = 0) -> dict:
    key = jax.random.key(seed)
    x = jax.random.normal(key, (1048576, INPUT_DIM), dtype=jnp.float32)
    return {"x": x, "thresholds": THRESHOLDS}


def reference(x, thresholds):
    input_dim = x.shape[-1]
    n_bins = (thresholds.shape[0] + 1) ** input_dim  # 16
    # torch.bucketize(x, thresholds) with right=False == searchsorted side='left'
    bins = jnp.searchsorted(thresholds, x, side="left")
    # (bins * (float(n_bins) ** arange(input_dim))).sum(-1)
    factors = jnp.asarray([n_bins], dtype=jnp.float32) ** jnp.arange(input_dim, dtype=jnp.float32)
    flat_bins = (bins.astype(jnp.float32) * factors).sum(-1)
    out = jax.nn.one_hot(flat_bins.astype(jnp.int32), n_bins, dtype=jnp.float32)
    return out

if __name__ == "__main__":
    import jax
    _d = setup_inputs()
    print(jax.jit(kernel)(*tuple(_d.values())))

</pallas_src>

<mosaic_0001>
#map = affine_map<(d0, d1) -> (0)>
module attributes {stable_mosaic.version = 14 : i64} {
  func.func @sc_kernel(%arg0: i32, %arg1: i32, %arg2: memref<1048576xf32, #tpu.memory_space<hbm>>, %arg3: memref<256xf32, #tpu.memory_space<hbm>>, %arg4: memref<16777216xf32, #tpu.memory_space<hbm>>, %arg5: memref<256xf32, #tpu.memory_space<vmem>>, %arg6: memref<2048xf32, #tpu.memory_space<vmem>>, %arg7: memref<2048xf32, #tpu.memory_space<vmem>>, %arg8: memref<32768xf32, #tpu.memory_space<vmem>>, %arg9: memref<32768xf32, #tpu.memory_space<vmem>>, %arg10: memref<!tpu.dma_semaphore, #tpu.memory_space<semaphore_mem>>, %arg11: memref<!tpu.dma_semaphore, #tpu.memory_space<semaphore_mem>>, %arg12: memref<!tpu.dma_semaphore, #tpu.memory_space<semaphore_mem>>, %arg13: memref<!tpu.dma_semaphore, #tpu.memory_space<semaphore_mem>>) attributes {dimension_semantics = [#tpu.dimension_semantics<core_parallel>, #tpu.dimension_semantics<subcore_parallel>], iteration_bounds = array<i64: 2, 16>, scalar_prefetch = 0 : i64, scratch_operands = 9 : i64, tpu.core_type = #tpu.core_type<sc_vector_subcore>, window_params = [{transform_indices = #map}, {transform_indices = #map}, {transform_indices = #map}]} {
    %mul3A = arith.constant 2 : i32
    %mul3A_0 = arith.muli %arg1, %mul3A : i32
    %add3A = arith.addi %mul3A_0, %arg0 : i32
    %mul3A_1 = arith.constant 32768 : i32
    %mul3A_2 = arith.muli %add3A, %mul3A_1 : i32
    "tpu.region"() ({
      %run_scoped3A = tpu.sem_alloc : memref<!tpu.dma_semaphore, #tpu.memory_space<semaphore_mem>>
      tpu.enqueue_dma source(%arg3 : memref<256xf32, #tpu.memory_space<hbm>>) target(%arg5 : memref<256xf32, #tpu.memory_space<vmem>>) target_semaphore(%run_scoped3A : memref<!tpu.dma_semaphore, #tpu.memory_space<semaphore_mem>>)
      tpu.wait_dma2 semaphore(%run_scoped3A : memref<!tpu.dma_semaphore, #tpu.memory_space<semaphore_mem>>) src(%arg3 : memref<256xf32, #tpu.memory_space<hbm>>) dst(%arg5 : memref<256xf32, #tpu.memory_space<vmem>>)
      tpu.yield
    }) : () -> ()
    %broadcast_in_dim3A = arith.constant 1.000000e+00 : f32
    %broadcast_in_dim3A_3 = vector.broadcast %broadcast_in_dim3A : f32 to vector<16xf32>
    %get3A = arith.constant 0 : index
    %get3A_4 = tpu.vector_load %arg5[%get3A] {strides = array<i32>} : memref<256xf32, #tpu.memory_space<vmem>>, vector<16xf32>,
    %get3A_5 = arith.constant 16 : index
    %get3A_6 = tpu.vector_load %arg5[%get3A_5] {strides = array<i32>} : memref<256xf32, #tpu.memory_space<vmem>>, vector<16xf32>,
    %get3A_7 = arith.constant 32 : index
    %get3A_8 = tpu.vector_load %arg5[%get3A_7] {strides = array<i32>} : memref<256xf32, #tpu.memory_space<vmem>>, vector<16xf32>,
    %get3A_9 = arith.constant 48 : index
    %get3A_10 = tpu.vector_load %arg5[%get3A_9] {strides = array<i32>} : memref<256xf32, #tpu.memory_space<vmem>>, vector<16xf32>,
    %get3A_11 = arith.constant 64 : index
    %get3A_12 = tpu.vector_load %arg5[%get3A_11] {strides = array<i32>} : memref<256xf32, #tpu.memory_space<vmem>>, vector<16xf32>,
    %get3A_13 = arith.constant 80 : index
    %get3A_14 = tpu.vector_load %arg5[%get3A_13] {strides = array<i32>} : memref<256xf32, #tpu.memory_space<vmem>>, vector<16xf32>,
    %get3A_15 = arith.constant 96 : index
    %get3A_16 = tpu.vector_load %arg5[%get3A_15] {strides = array<i32>} : memref<256xf32, #tpu.memory_space<vmem>>, vector<16xf32>,
    %get3A_17 = arith.constant 112 : index
    %get3A_18 = tpu.vector_load %arg5[%get3A_17] {strides = array<i32>} : memref<256xf32, #tpu.memory_space<vmem>>, vector<16xf32>,
    %get3A_19 = arith.constant 128 : index
    %get3A_20 = tpu.vector_load %arg5[%get3A_19] {strides = array<i32>} : memref<256xf32, #tpu.memory_space<vmem>>, vector<16xf32>,
    %get3A_21 = arith.constant 144 : index
    %get3A_22 = tpu.vector_load %arg5[%get3A_21] {strides = array<i32>} : memref<256xf32, #tpu.memory_space<vmem>>, vector<16xf32>,
    %get3A_23 = arith.constant 160 : index
    %get3A_24 = tpu.vector_load %arg5[%get3A_23] {strides = array<i32>} : memref<256xf32, #tpu.memory_space<vmem>>, vector<16xf32>,
    %get3A_25 = arith.constant 176 : index
    %get3A_26 = tpu.vector_load %arg5[%get3A_25] {strides = array<i32>} : memref<256xf32, #tpu.memory_space<vmem>>, vector<16xf32>,
    %get3A_27 = arith.constant 192 : index
    %get3A_28 = tpu.vector_load %arg5[%get3A_27] {strides = array<i32>} : memref<256xf32, #tpu.memory_space<vmem>>, vector<16xf32>,
    %get3A_29 = arith.constant 208 : index
    %get3A_30 = tpu.vector_load %arg5[%get3A_29] {strides = array<i32>} : memref<256xf32, #tpu.memory_space<vmem>>, vector<16xf32>,
    %get3A_31 = arith.constant 224 : index
    %get3A_32 = tpu.vector_load %arg5[%get3A_31] {strides = array<i32>} : memref<256xf32, #tpu.memory_space<vmem>>, vector<16xf32>,
    %add3A_33 = arith.constant 0 : i32
    %add3A_34 = arith.addi %mul3A_2, %add3A_33 : i32
    %dma_start3A = tpu.memref_slice %arg2[%add3A_34] : memref<1048576xf32, #tpu.memory_space<hbm>> -> memref<2048xf32, #tpu.memory_space<hbm>>
    %dma_start3A_35 = tpu.memref_slice %arg2[%add3A_34] : memref<1048576xf32, #tpu.memory_space<hbm>> -> memref<2048xf32, #tpu.memory_space<hbm>>
    tpu.enqueue_dma source(%dma_start3A_35 : memref<2048xf32, #tpu.memory_space<hbm>>) target(%arg6 : memref<2048xf32, #tpu.memory_space<vmem>>) target_semaphore(%arg12 : memref<!tpu.dma_semaphore, #tpu.memory_space<semaphore_mem>>)
    %scan3A = arith.constant 0 : i32
    %scan3A_36 = arith.constant 0 : i32
    %scan3A_37 = arith.constant 8 : i32
    %scan3A_38 = arith.addi %scan3A_36, %scan3A_37 : i32
    %scan3A_39 = arith.constant 1 : i32
    scf.for %scan3A_76 = %scan3A_36 to %scan3A_38 step %scan3A_39  : i32 {
      %mul3A_77 = arith.constant 2 : i32
      %mul3A_78 = arith.muli %mul3A_77, %scan3A_76 : i32
      %mul3A_79 = arith.constant 2048 : i32
      %mul3A_80 = arith.muli %mul3A_78, %mul3A_79 : i32
      %add3A_81 = arith.addi %mul3A_2, %mul3A_80 : i32
      %dma_wait3A_82 = tpu.memref_slice %arg2[%add3A_81] : memref<1048576xf32, #tpu.memory_space<hbm>> -> memref<2048xf32, #tpu.memory_space<hbm>>
      %dma_wait3A_83 = tpu.memref_slice %arg2[%add3A_81] : memref<1048576xf32, #tpu.memory_space<hbm>> -> memref<2048xf32, #tpu.memory_space<hbm>>
      tpu.wait_dma2 semaphore(%arg12 : memref<!tpu.dma_semaphore, #tpu.memory_space<semaphore_mem>>) src(%dma_wait3A_83 : memref<2048xf32, #tpu.memory_space<hbm>>) dst(%arg6 : memref<2048xf32, #tpu.memory_space<vmem>>)
      %add3A_84 = arith.constant 1 : i32
      %add3A_85 = arith.addi %mul3A_78, %add3A_84 : i32
      %lt3A = arith.constant 16 : i32
      %lt3A_86 = arith.cmpi slt, %add3A_85, %lt3A : i32
      %convert_element_type3A = arith.extui %lt3A_86 : i1 to i32
      %cond3A = arith.constant 0 : i32
      %cond3A_87 = arith.cmpi ne, %convert_element_type3A, %cond3A : i32
      scf.if %cond3A_87 {
        %add3A_163 = arith.constant 1 : i32
        %add3A_164 = arith.addi %mul3A_78, %add3A_163 : i32
        %mul3A_165 = arith.constant 2048 : i32
        %mul3A_166 = arith.muli %add3A_164, %mul3A_165 : i32
        %add3A_167 = arith.addi %mul3A_2, %mul3A_166 : i32
        %dma_start3A_168 = tpu.memref_slice %arg2[%add3A_167] : memref<1048576xf32, #tpu.memory_space<hbm>> -> memref<2048xf32, #tpu.memory_space<hbm>>
        %dma_start3A_169 = tpu.memref_slice %arg2[%add3A_167] : memref<1048576xf32, #tpu.memory_space<hbm>> -> memref<2048xf32, #tpu.memory_space<hbm>>
        tpu.enqueue_dma source(%dma_start3A_169 : memref<2048xf32, #tpu.memory_space<hbm>>) target(%arg7 : memref<2048xf32, #tpu.memory_space<vmem>>) target_semaphore(%arg13 : memref<!tpu.dma_semaphore, #tpu.memory_space<semaphore_mem>>)
      } else {
      }
      %ge3A = arith.constant 2 : i32
      %ge3A_88 = arith.cmpi sge, %mul3A_78, %ge3A : i32
      %convert_element_type3A_89 = arith.extui %ge3A_88 : i1 to i32
      %cond3A_90 = arith.constant 0 : i32
      %cond3A_91 = arith.cmpi ne, %convert_element_type3A_89, %cond3A_90 : i32
      scf.if %cond3A_91 {
        %sub3A = arith.constant 2 : i32
        %sub3A_163 = arith.subi %mul3A_78, %sub3A : i32
        %mul3A_164 = arith.constant 2048 : i32
        %mul3A_165 = arith.muli %sub3A_163, %mul3A_164 : i32
        %add3A_166 = arith.addi %mul3A_2, %mul3A_165 : i32
        %mul3A_167 = arith.constant 8 : i32
        %mul3A_168 = arith.muli %add3A_166, %mul3A_167 : i32
        %dma_wait3A_169 = arith.constant 0 : i32
        %dma_wait3A_170 = tpu.memref_slice %arg8[%dma_wait3A_169] : memref<32768xf32, #tpu.memory_space<vmem>> -> memref<16384xf32, #tpu.memory_space<vmem>>
        %dma_wait3A_171 = tpu.memref_slice %arg4[%mul3A_168] : memref<16777216xf32, #tpu.memory_space<hbm>> -> memref<16384xf32, #tpu.memory_space<hbm>>
        %dma_wait3A_172 = tpu.memref_slice %arg4[%mul3A_168] : memref<16777216xf32, #tpu.memory_space<hbm>> -> memref<16384xf32, #tpu.memory_space<hbm>>
        %dma_wait3A_173 = arith.constant 0 : i32
        %dma_wait3A_174 = tpu.memref_slice %arg8[%dma_wait3A_173] : memref<32768xf32, #tpu.memory_space<vmem>> -> memref<16384xf32, #tpu.memory_space<vmem>>
        tpu.wait_dma2 semaphore(%arg10 : memref<!tpu.dma_semaphore, #tpu.memory_space<semaphore_mem>>) src(%dma_wait3A_174 : memref<16384xf32, #tpu.memory_space<vmem>>) dst(%dma_wait3A_172 : memref<16384xf32, #tpu.memory_space<hbm>>)
        %add3A_175 = arith.constant 8388608 : i32
        %add3A_176 = arith.addi %add3A_175, %mul3A_168 : i32
        %dma_wait3A_177 = arith.constant 16384 : i32
        %dma_wait3A_178 = tpu.memref_slice %arg8[%dma_wait3A_177] : memref<32768xf32, #tpu.memory_space<vmem>> -> memref<16384xf32, #tpu.memory_space<vmem>>
        %dma_wait3A_179 = tpu.memref_slice %arg4[%add3A_176] : memref<16777216xf32, #tpu.memory_space<hbm>> -> memref<16384xf32, #tpu.memory_space<hbm>>
        %dma_wait3A_180 = tpu.memref_slice %arg4[%add3A_176] : memref<16777216xf32, #tpu.memory_space<hbm>> -> memref<16384xf32, #tpu.memory_space<hbm>>
        %dma_wait3A_181 = arith.constant 16384 : i32
        %dma_wait3A_182 = tpu.memref_slice %arg8[%dma_wait3A_181] : memref<32768xf32, #tpu.memory_space<vmem>> -> memref<16384xf32, #tpu.memory_space<vmem>>
        tpu.wait_dma2 semaphore(%arg10 : memref<!tpu.dma_semaphore, #tpu.memory_space<semaphore_mem>>) src(%dma_wait3A_182 : memref<16384xf32, #tpu.memory_space<vmem>>) dst(%dma_wait3A_180 : memref<16384xf32, #tpu.memory_space<hbm>>)
      } else {
      }
      %scan3A_92 = arith.constant 0 : i32
      %scan3A_93 = arith.constant 0 : i32
      %scan3A_94 = arith.constant 32 : i32
      %scan3A_95 = arith.addi %scan3A_93, %scan3A_94 : i32
      %scan3A_96 = arith.constant 1 : i32
      scf.for %scan3A_163 = %scan3A_93 to %scan3A_95 step %scan3A_96  : i32 {
        %mul3A_164 = arith.constant 4 : i32
        %mul3A_165 = arith.muli %scan3A_163, %mul3A_164 : i32
        %add3A_166 = arith.constant 0 : i32
        %add3A_167 = arith.addi %mul3A_165, %add3A_166 : i32
        %mul3A_168 = arith.constant 16 : i32
        %mul3A_169 = arith.muli %add3A_167, %mul3A_168 : i32
        %get3A_170 = arith.index_cast %mul3A_169 : i32 to index
        %get3A_171 = tpu.vector_load %arg6[%get3A_170] {strides = array<i32>} : memref<2048xf32, #tpu.memory_space<vmem>>, vector<16xf32>,
        %lt3A_172 = arith.cmpf olt, %get3A_4, %get3A_171 : vector<16xf32>
        %jit3A = arith.constant 1.000000e+00 : f32
        %jit3A_173 = arith.constant 0.000000e+00 : f32
        %broadcast_in_dim3A_174 = vector.broadcast %jit3A : f32 to vector<16xf32>
        %broadcast_in_dim3A_175 = vector.broadcast %jit3A_173 : f32 to vector<16xf32>
        %select_n3A = arith.select %lt3A_172, %broadcast_in_dim3A_174, %broadcast_in_dim3A_175 : vector<16xi1>, vector<16xf32>
        %lt3A_176 = arith.cmpf olt, %get3A_6, %get3A_171 : vector<16xf32>
        %jit3A_177 = arith.constant 1.000000e+00 : f32
        %jit3A_178 = arith.constant 0.000000e+00 : f32
        %broadcast_in_dim3A_179 = vector.broadcast %jit3A_177 : f32 to vector<16xf32>
        %broadcast_in_dim3A_180 = vector.broadcast %jit3A_178 : f32 to vector<16xf32>
        %select_n3A_181 = arith.select %lt3A_176, %broadcast_in_dim3A_179, %broadcast_in_dim3A_180 : vector<16xi1>, vector<16xf32>
        %lt3A_182 = arith.cmpf olt, %get3A_8, %get3A_171 : vector<16xf32>
        %jit3A_183 = arith.constant 1.000000e+00 : f32
        %jit3A_184 = arith.constant 0.000000e+00 : f32
        %broadcast_in_dim3A_185 = vector.broadcast %jit3A_183 : f32 to vector<16xf32>
        %broadcast_in_dim3A_186 = vector.broadcast %jit3A_184 : f32 to vector<16xf32>
        %select_n3A_187 = arith.select %lt3A_182, %broadcast_in_dim3A_185, %broadcast_in_dim3A_186 : vector<16xi1>, vector<16xf32>
        %lt3A_188 = arith.cmpf olt, %get3A_10, %get3A_171 : vector<16xf32>
        %jit3A_189 = arith.constant 1.000000e+00 : f32
        %jit3A_190 = arith.constant 0.000000e+00 : f32
        %broadcast_in_dim3A_191 = vector.broadcast %jit3A_189 : f32 to vector<16xf32>
        %broadcast_in_dim3A_192 = vector.broadcast %jit3A_190 : f32 to vector<16xf32>
        %select_n3A_193 = arith.select %lt3A_188, %broadcast_in_dim3A_191, %broadcast_in_dim3A_192 : vector<16xi1>, vector<16xf32>
        %lt3A_194 = arith.cmpf olt, %get3A_12, %get3A_171 : vector<16xf32>
        %jit3A_195 = arith.constant 1.000000e+00 : f32
        %jit3A_196 = arith.constant 0.000000e+00 : f32
        %broadcast_in_dim3A_197 = vector.broadcast %jit3A_195 : f32 to vector<16xf32>
        %broadcast_in_dim3A_198 = vector.broadcast %jit3A_196 : f32 to vector<16xf32>
        %select_n3A_199 = arith.select %lt3A_194, %broadcast_in_dim3A_197, %broadcast_in_dim3A_198 : vector<16xi1>, vector<16xf32>
        %lt3A_200 = arith.cmpf olt, %get3A_14, %get3A_171 : vector<16xf32>
        %jit3A_201 = arith.constant 1.000000e+00 : f32
        %jit3A_202 = arith.constant 0.000000e+00 : f32
        %broadcast_in_dim3A_203 = vector.broadcast %jit3A_201 : f32 to vector<16xf32>
        %broadcast_in_dim3A_204 = vector.broadcast %jit3A_202 : f32 to vector<16xf32>
        %select_n3A_205 = arith.select %lt3A_200, %broadcast_in_dim3A_203, %broadcast_in_dim3A_204 : vector<16xi1>, vector<16xf32>
        %lt3A_206 = arith.cmpf olt, %get3A_16, %get3A_171 : vector<16xf32>
        %jit3A_207 = arith.constant 1.000000e+00 : f32
        %jit3A_208 = arith.constant 0.000000e+00 : f32
        %broadcast_in_dim3A_209 = vector.broadcast %jit3A_207 : f32 to vector<16xf32>
        %broadcast_in_dim3A_210 = vector.broadcast %jit3A_208 : f32 to vector<16xf32>
        %select_n3A_211 = arith.select %lt3A_206, %broadcast_in_dim3A_209, %broadcast_in_dim3A_210 : vector<16xi1>, vector<16xf32>
        %lt3A_212 = arith.cmpf olt, %get3A_18, %get3A_171 : vector<16xf32>
        %jit3A_213 = arith.constant 1.000000e+00 : f32
        %jit3A_214 = arith.constant 0.000000e+00 : f32
        %broadcast_in_dim3A_215 = vector.broadcast %jit3A_213 : f32 to vector<16xf32>
        %broadcast_in_dim3A_216 = vector.broadcast %jit3A_214 : f32 to vector<16xf32>
        %select_n3A_217 = arith.select %lt3A_212, %broadcast_in_dim3A_215, %broadcast_in_dim3A_216 : vector<16xi1>, vector<16xf32>
        %lt3A_218 = arith.cmpf olt, %get3A_20, %get3A_171 : vector<16xf32>
        %jit3A_219 = arith.constant 1.000000e+00 : f32
        %jit3A_220 = arith.constant 0.000000e+00 : f32
        %broadcast_in_dim3A_221 = vector.broadcast %jit3A_219 : f32 to vector<16xf32>
        %broadcast_in_dim3A_222 = vector.broadcast %jit3A_220 : f32 to vector<16xf32>
        %select_n3A_223 = arith.select %lt3A_218, %broadcast_in_dim3A_221, %broadcast_in_dim3A_222 : vector<16xi1>, vector<16xf32>
        %lt3A_224 = arith.cmpf olt, %get3A_22, %get3A_171 : vector<16xf32>
        %jit3A_225 = arith.constant 1.000000e+00 : f32
        %jit3A_226 = arith.constant 0.000000e+00 : f32
        %broadcast_in_dim3A_227 = vector.broadcast %jit3A_225 : f32 to vector<16xf32>
        %broadcast_in_dim3A_228 = vector.broadcast %jit3A_226 : f32 to vector<16xf32>
        %select_n3A_229 = arith.select %lt3A_224, %broadcast_in_dim3A_227, %broadcast_in_dim3A_228 : vector<16xi1>, vector<16xf32>
        %lt3A_230 = arith.cmpf olt, %get3A_24, %get3A_171 : vector<16xf32>
        %jit3A_231 = arith.constant 1.000000e+00 : f32
        %jit3A_232 = arith.constant 0.000000e+00 : f32
        %broadcast_in_dim3A_233 = vector.broadcast %jit3A_231 : f32 to vector<16xf32>
        %broadcast_in_dim3A_234 = vector.broadcast %jit3A_232 : f32 to vector<16xf32>
        %select_n3A_235 = arith.select %lt3A_230, %broadcast_in_dim3A_233, %broadcast_in_dim3A_234 : vector<16xi1>, vector<16xf32>
        %lt3A_236 = arith.cmpf olt, %get3A_26, %get3A_171 : vector<16xf32>
        %jit3A_237 = arith.constant 1.000000e+00 : f32
        %jit3A_238 = arith.constant 0.000000e+00 : f32
        %broadcast_in_dim3A_239 = vector.broadcast %jit3A_237 : f32 to vector<16xf32>
        %broadcast_in_dim3A_240 = vector.broadcast %jit3A_238 : f32 to vector<16xf32>
        %select_n3A_241 = arith.select %lt3A_236, %broadcast_in_dim3A_239, %broadcast_in_dim3A_240 : vector<16xi1>, vector<16xf32>
        %lt3A_242 = arith.cmpf olt, %get3A_28, %get3A_171 : vector<16xf32>
        %jit3A_243 = arith.constant 1.000000e+00 : f32
        %jit3A_244 = arith.constant 0.000000e+00 : f32
        %broadcast_in_dim3A_245 = vector.broadcast %jit3A_243 : f32 to vector<16xf32>
        %broadcast_in_dim3A_246 = vector.broadcast %jit3A_244 : f32 to vector<16xf32>
        %select_n3A_247 = arith.select %lt3A_242, %broadcast_in_dim3A_245, %broadcast_in_dim3A_246 : vector<16xi1>, vector<16xf32>
        %lt3A_248 = arith.cmpf olt, %get3A_30, %get3A_171 : vector<16xf32>
        %jit3A_249 = arith.constant 1.000000e+00 : f32
        %jit3A_250 = arith.constant 0.000000e+00 : f32
        %broadcast_in_dim3A_251 = vector.broadcast %jit3A_249 : f32 to vector<16xf32>
        %broadcast_in_dim3A_252 = vector.broadcast %jit3A_250 : f32 to vector<16xf32>
        %select_n3A_253 = arith.select %lt3A_248, %broadcast_in_dim3A_251, %broadcast_in_dim3A_252 : vector<16xi1>, vector<16xf32>
        %lt3A_254 = arith.cmpf olt, %get3A_32, %get3A_171 : vector<16xf32>
        %jit3A_255 = arith.constant 1.000000e+00 : f32
        %jit3A_256 = arith.constant 0.000000e+00 : f32
        %broadcast_in_dim3A_257 = vector.broadcast %jit3A_255 : f32 to vector<16xf32>
        %broadcast_in_dim3A_258 = vector.broadcast %jit3A_256 : f32 to vector<16xf32>
        %select_n3A_259 = arith.select %lt3A_254, %broadcast_in_dim3A_257, %broadcast_in_dim3A_258 : vector<16xi1>, vector<16xf32>
        %sub3A = arith.subf %broadcast_in_dim3A_3, %select_n3A : vector<16xf32>
        %sub3A_260 = arith.subf %select_n3A, %select_n3A_181 : vector<16xf32>
        %sub3A_261 = arith.subf %select_n3A_181, %select_n3A_187 : vector<16xf32>
        %sub3A_262 = arith.subf %select_n3A_187, %select_n3A_193 : vector<16xf32>
        %sub3A_263 = arith.subf %select_n3A_193, %select_n3A_199 : vector<16xf32>
        %sub3A_264 = arith.subf %select_n3A_199, %select_n3A_205 : vector<16xf32>
        %sub3A_265 = arith.subf %select_n3A_205, %select_n3A_211 : vector<16xf32>
        %sub3A_266 = arith.subf %select_n3A_211, %select_n3A_217 : vector<16xf32>
        %sub3A_267 = arith.subf %select_n3A_217, %select_n3A_223 : vector<16xf32>
        %sub3A_268 = arith.subf %select_n3A_223, %select_n3A_229 : vector<16xf32>
        %sub3A_269 = arith.subf %select_n3A_229, %select_n3A_235 : vector<16xf32>
        %sub3A_270 = arith.subf %select_n3A_235, %select_n3A_241 : vector<16xf32>
        %sub3A_271 = arith.subf %select_n3A_241, %select_n3A_247 : vector<16xf32>
        %sub3A_272 = arith.subf %select_n3A_247, %select_n3A_253 : vector<16xf32>
        %sub3A_273 = arith.subf %select_n3A_253, %select_n3A_259 : vector<16xf32>
        %jit3A_274 = arith.constant 8 : i32
        %div3A = arith.divsi %add3A_167, %jit3A_274 : i32
        %sign3A = arith.constant 0 : i32
        %sign3A_275 = arith.cmpi sgt, %add3A_167, %sign3A : i32
        %sign3A_276 = arith.extui %sign3A_275 : i1 to i32
        %sign3A_277 = arith.constant 0 : i32
        %sign3A_278 = arith.cmpi slt, %add3A_167, %sign3A_277 : i32
        %sign3A_279 = arith.extui %sign3A_278 : i1 to i32
        %sign3A_280 = arith.subi %sign3A_276, %sign3A_279 : i32
        %sign3A_281 = arith.constant 0 : i32
        %sign3A_282 = arith.cmpi sgt, %jit3A_274, %sign3A_281 : i32
        %sign3A_283 = arith.extui %sign3A_282 : i1 to i32
        %sign3A_284 = arith.constant 0 : i32
        %sign3A_285 = arith.cmpi slt, %jit3A_274, %sign3A_284 : i32
        %sign3A_286 = arith.extui %sign3A_285 : i1 to i32
        %sign3A_287 = arith.subi %sign3A_283, %sign3A_286 : i32
        %ne3A = arith.cmpi ne, %sign3A_280, %sign3A_287 : i32
        %rem3A = arith.remsi %add3A_167, %jit3A_274 : i32
        %ne3A_288 = arith.constant 0 : i32
        %ne3A_289 = arith.cmpi ne, %rem3A, %ne3A_288 : i32
        %and3A = arith.andi %ne3A, %ne3A_289 : i1
        %sub3A_290 = arith.constant 1 : i32
        %sub3A_291 = arith.subi %div3A, %sub3A_290 : i32
        %select_n3A_292 = arith.select %and3A, %sub3A_291, %div3A : i32
        %mul3A_293 = arith.constant 1024 : i32
        %mul3A_294 = arith.muli %select_n3A_292, %mul3A_293 : i32
        %jit3A_295 = arith.constant 8 : i32
        %eq3A = arith.constant 0 : i32
        %eq3A_296 = arith.cmpi eq, %jit3A_295, %eq3A : i32
        %jit3A_297 = arith.constant 1 : i32
        %select_n3A_298 = arith.select %eq3A_296, %jit3A_297, %jit3A_295 : i32
        %rem3A_299 = arith.remsi %add3A_167, %select_n3A_298 : i32
        %ne3A_300 = arith.constant 0 : i32
        %ne3A_301 = arith.cmpi ne, %rem3A_299, %ne3A_300 : i32
        %lt3A_302 = arith.constant 0 : i32
        %lt3A_303 = arith.cmpi slt, %rem3A_299, %lt3A_302 : i32
        %lt3A_304 = arith.constant 0 : i32
        %lt3A_305 = arith.cmpi slt, %select_n3A_298, %lt3A_304 : i32
        %ne3A_306 = arith.xori %lt3A_303, %lt3A_305 : i1
        %and3A_307 = arith.andi %ne3A_306, %ne3A_301 : i1
        %add3A_308 = arith.addi %rem3A_299, %select_n3A_298 : i32
        %select_n3A_309 = arith.select %and3A_307, %add3A_308, %rem3A_299 : i32
        %mul3A_310 = arith.constant 16 : i32
        %mul3A_311 = arith.muli %select_n3A_309, %mul3A_310 : i32
        %add3A_312 = arith.addi %mul3A_294, %mul3A_311 : i32
        %add3A_313 = arith.constant 0 : i32
        %add3A_314 = arith.addi %add3A_313, %add3A_312 : i32
        %swap3A = arith.index_cast %add3A_314 : i32 to index
        %swap3A_315 = tpu.vector_load %arg8[%swap3A] {strides = array<i32>} : memref<32768xf32, #tpu.memory_space<vmem>>, vector<16xf32>,
        tpu.vector_store %arg8[%swap3A], %sub3A {strides = array<i32>} : memref<32768xf32, #tpu.memory_space<vmem>>, vector<16xf32>,
        %add3A_316 = arith.constant 128 : i32
        %add3A_317 = arith.addi %add3A_316, %add3A_312 : i32
        %swap3A_318 = arith.index_cast %add3A_317 : i32 to index
        %swap3A_319 = tpu.vector_load %arg8[%swap3A_318] {strides = array<i32>} : memref<32768xf32, #tpu.memory_space<vmem>>, vector<16xf32>,
        tpu.vector_store %arg8[%swap3A_318], %sub3A_260 {strides = array<i32>} : memref<32768xf32, #tpu.memory_space<vmem>>, vector<16xf32>,
        %add3A_320 = arith.constant 256 : i32
        %add3A_321 = arith.addi %add3A_320, %add3A_312 : i32
        %swap3A_322 = arith.index_cast %add3A_321 : i32 to index
        %swap3A_323 = tpu.vector_load %arg8[%swap3A_322] {strides = array<i32>} : memref<32768xf32, #tpu.memory_space<vmem>>, vector<16xf32>,
        tpu.vector_store %arg8[%swap3A_322], %sub3A_261 {strides = array<i32>} : memref<32768xf32, #tpu.memory_space<vmem>>, vector<16xf32>,
        %add3A_324 = arith.constant 384 : i32
        %add3A_325 = arith.addi %add3A_324, %add3A_312 : i32
        %swap3A_326 = arith.index_cast %add3A_325 : i32 to index
        %swap3A_327 = tpu.vector_load %arg8[%swap3A_326] {strides = array<i32>} : memref<32768xf32, #tpu.memory_space<vmem>>, vector<16xf32>,
        tpu.vector_store %arg8[%swap3A_326], %sub3A_262 {strides = array<i32>} : memref<32768xf32, #tpu.memory_space<vmem>>, vector<16xf32>,
        %add3A_328 = arith.constant 512 : i32
        %add3A_329 = arith.addi %add3A_328, %add3A_312 : i32
        %swap3A_330 = arith.index_cast %add3A_329 : i32 to index
        %swap3A_331 = tpu.vector_load %arg8[%swap3A_330] {strides = array<i32>} : memref<32768xf32, #tpu.memory_space<vmem>>, vector<16xf32>,
        tpu.vector_store %arg8[%swap3A_330], %sub3A_263 {strides = array<i32>} : memref<32768xf32, #tpu.memory_space<vmem>>, vector<16xf32>,
        %add3A_332 = arith.constant 640 : i32
        %add3A_333 = arith.addi %add3A_332, %add3A_312 : i32
        %swap3A_334 = arith.index_cast %add3A_333 : i32 to index
        %swap3A_335 = tpu.vector_load %arg8[%swap3A_334] {strides = array<i32>} : memref<32768xf32, #tpu.memory_space<vmem>>, vector<16xf32>,
        tpu.vector_store %arg8[%swap3A_334], %sub3A_264 {strides = array<i32>} : memref<32768xf32, #tpu.memory_space<vmem>>, vector<16xf32>,
        %add3A_336 = arith.constant 768 : i32
        %add3A_337 = arith.addi %add3A_336, %add3A_312 : i32
        %swap3A_338 = arith.index_cast %add3A_337 : i32 to index
        %swap3A_339 = tpu.vector_load %arg8[%swap3A_338] {strides = array<i32>} : memref<32768xf32, #tpu.memory_space<vmem>>, vector<16xf32>,
        tpu.vector_store %arg8[%swap3A_338], %sub3A_265 {strides = array<i32>} : memref<32768xf32, #tpu.memory_space<vmem>>, vector<16xf32>,
        %add3A_340 = arith.constant 896 : i32
        %add3A_341 = arith.addi %add3A_340, %add3A_312 : i32
        %swap3A_342 = arith.index_cast %add3A_341 : i32 to index
        %swap3A_343 = tpu.vector_load %arg8[%swap3A_342] {strides = array<i32>} : memref<32768xf32, #tpu.memory_space<vmem>>, vector<16xf32>,
        tpu.vector_store %arg8[%swap3A_342], %sub3A_266 {strides = array<i32>} : memref<32768xf32, #tpu.memory_space<vmem>>, vector<16xf32>,
        %add3A_344 = arith.constant 16384 : i32
        %add3A_345 = arith.addi %add3A_344, %add3A_312 : i32
        %swap3A_346 = arith.index_cast %add3A_345 : i32 to index
        %swap3A_347 = tpu.vector_load %arg8[%swap3A_346] {strides = array<i32>} : memref<32768xf32, #tpu.memory_space<vmem>>, vector<16xf32>,
        tpu.vector_store %arg8[%swap3A_346], %sub3A_267 {strides = array<i32>} : memref<32768xf32, #tpu.memory_space<vmem>>, vector<16xf32>,
        %add3A_348 = arith.constant 16512 : i32
        %add3A_349 = arith.addi %add3A_348, %add3A_312 : i32
        %swap3A_350 = arith.index_cast %add3A_349 : i32 to index
        %swap3A_351 = tpu.vector_load %arg8[%swap3A_350] {strides = array<i32>} : memref<32768xf32, #tpu.memory_space<vmem>>, vector<16xf32>,
        tpu.vector_store %arg8[%swap3A_350], %sub3A_268 {strides = array<i32>} : memref<32768xf32, #tpu.memory_space<vmem>>, vector<16xf32>,
        %add3A_352 = arith.constant 16640 : i32
        %add3A_353 = arith.addi %add3A_352, %add3A_312 : i32
        %swap3A_354 = arith.index_cast %add3A_353 : i32 to index
        %swap3A_355 = tpu.vector_load %arg8[%swap3A_354] {strides = array<i32>} : memref<32768xf32, #tpu.memory_space<vmem>>, vector<16xf32>,
        tpu.vector_store %arg8[%swap3A_354], %sub3A_269 {strides = array<i32>} : memref<32768xf32, #tpu.memory_space<vmem>>, vector<16xf32>,
        %add3A_356 = arith.constant 16768 : i32
        %add3A_357 = arith.addi %add3A_356, %add3A_312 : i32
        %swap3A_358 = arith.index_cast %add3A_357 : i32 to index
        %swap3A_359 = tpu.vector_load %arg8[%swap3A_358] {strides = array<i32>} : memref<32768xf32, #tpu.memory_space<vmem>>, vector<16xf32>,
        tpu.vector_store %arg8[%swap3A_358], %sub3A_270 {strides = array<i32>} : memref<32768xf32, #tpu.memory_space<vmem>>, vector<16xf32>,
        %add3A_360 = arith.constant 16896 : i32
        %add3A_361 = arith.addi %add3A_360, %add3A_312 : i32
        %swap3A_362 = arith.index_cast %add3A_361 : i32 to index
        %swap3A_363 = tpu.vector_load %arg8[%swap3A_362] {strides = array<i32>} : memref<32768xf32, #tpu.memory_space<vmem>>, vector<16xf32>,
        tpu.vector_store %arg8[%swap3A_362], %sub3A_271 {strides = array<i32>} : memref<32768xf32, #tpu.memory_space<vmem>>, vector<16xf32>,
        %add3A_364 = arith.constant 17024 : i32
        %add3A_365 = arith.addi %add3A_364, %add3A_312 : i32
        %swap3A_366 = arith.index_cast %add3A_365 : i32 to index
        %swap3A_367 = tpu.vector_load %arg8[%swap3A_366] {strides = array<i32>} : memref<32768xf32, #tpu.memory_space<vmem>>, vector<16xf32>,
        tpu.vector_store %arg8[%swap3A_366], %sub3A_272 {strides = array<i32>} : memref<32768xf32, #tpu.memory_space<vmem>>, vector<16xf32>,
        %add3A_368 = arith.constant 17152 : i32
        %add3A_369 = arith.addi %add3A_368, %add3A_312 : i32
        %swap3A_370 = arith.index_cast %add3A_369 : i32 to index
        %swap3A_371 = tpu.vector_load %arg8[%swap3A_370] {strides = array<i32>} : memref<32768xf32, #tpu.memory_space<vmem>>, vector<16xf32>,
        tpu.vector_store %arg8[%swap3A_370], %sub3A_273 {strides = array<i32>} : memref<32768xf32, #tpu.memory_space<vmem>>, vector<16xf32>,
        %add3A_372 = arith.constant 17280 : i32
        %add3A_373 = arith.addi %add3A_372, %add3A_312 : i32
        %swap3A_374 = arith.index_cast %add3A_373 : i32 to index
        %swap3A_375 = tpu.vector_load %arg8[%swap3A_374] {strides = array<i32>} : memref<32768xf32, #tpu.memory_space<vmem>>, vector<16xf32>,
        tpu.vector_store %arg8[%swap3A_374], %select_n3A_259 {strides = array<i32>} : memref<32768xf32, #tpu.memory_space<vmem>>, vector<16xf32>,
        %mul3A_376 = arith.constant 4 : i32
        %mul3A_377 = arith.muli %scan3A_163, %mul3A_376 : i32
        %add3A_378 = arith.constant 1 : i32
        %add3A_379 = arith.addi %mul3A_377, %add3A_378 : i32
        %mul3A_380 = arith.constant 16 : i32
        %mul3A_381 = arith.muli %add3A_379, %mul3A_380 : i32
        %get3A_382 = arith.index_cast %mul3A_381 : i32 to index
        %get3A_383 = tpu.vector_load %arg6[%get3A_382] {strides = array<i32>} : memref<2048xf32, #tpu.memory_space<vmem>>, vector<16xf32>,
        %lt3A_384 = arith.cmpf olt, %get3A_4, %get3A_383 : vector<16xf32>
        %jit3A_385 = arith.constant 1.000000e+00 : f32
        %jit3A_386 = arith.constant 0.000000e+00 : f32
        %broadcast_in_dim3A_387 = vector.broadcast %jit3A_385 : f32 to vector<16xf32>
        %broadcast_in_dim3A_388 = vector.broadcast %jit3A_386 : f32 to vector<16xf32>
        %select_n3A_389 = arith.select %lt3A_384, %broadcast_in_dim3A_387, %broadcast_in_dim3A_388 : vector<16xi1>, vector<16xf32>
        %lt3A_390 = arith.cmpf olt, %get3A_6, %get3A_383 : vector<16xf32>
        %jit3A_391 = arith.constant 1.000000e+00 : f32
        %jit3A_392 = arith.constant 0.000000e+00 : f32
        %broadcast_in_dim3A_393 = vector.broadcast %jit3A_391 : f32 to vector<16xf32>
        %broadcast_in_dim3A_394 = vector.broadcast %jit3A_392 : f32 to vector<16xf32>
        %select_n3A_395 = arith.select %lt3A_390, %broadcast_in_dim3A_393, %broadcast_in_dim3A_394 : vector<16xi1>, vector<16xf32>
        %lt3A_396 = arith.cmpf olt, %get3A_8, %get3A_383 : vector<16xf32>
        %jit3A_397 = arith.constant 1.000000e+00 : f32
        %jit3A_398 = arith.constant 0.000000e+00 : f32
        %broadcast_in_dim3A_399 = vector.broadcast %jit3A_397 : f32 to vector<16xf32>
        %broadcast_in_dim3A_400 = vector.broadcast %jit3A_398 : f32 to vector<16xf32>
        %select_n3A_401 = arith.select %lt3A_396, %broadcast_in_dim3A_399, %broadcast_in_dim3A_400 : vector<16xi1>, vector<16xf32>
        %lt3A_402 = arith.cmpf olt, %get3A_10, %get3A_383 : vector<16xf32>
        %jit3A_403 = arith.constant 1.000000e+00 : f32
        %jit3A_404 = arith.constant 0.000000e+00 : f32
        %broadcast_in_dim3A_405 = vector.broadcast %jit3A_403 : f32 to vector<16xf32>
        %broadcast_in_dim3A_406 = vector.broadcast %jit3A_404 : f32 to vector<16xf32>
        %select_n3A_407 = arith.select %lt3A_402, %broadcast_in_dim3A_405, %broadcast_in_dim3A_406 : vector<16xi1>, vector<16xf32>
        %lt3A_408 = arith.cmpf olt, %get3A_12, %get3A_383 : vector<16xf32>
        %jit3A_409 = arith.constant 1.000000e+00 : f32
        %jit3A_410 = arith.constant 0.000000e+00 : f32
        %broadcast_in_dim3A_411 = vector.broadcast %jit3A_409 : f32 to vector<16xf32>
        %broadcast_in_dim3A_412 = vector.broadcast %jit3A_410 : f32 to vector<16xf32>
        %select_n3A_413 = arith.select %lt3A_408, %broadcast_in_dim3A_411, %broadcast_in_dim3A_412 : vector<16xi1>, vector<16xf32>
        %lt3A_414 = arith.cmpf olt, %get3A_14, %get3A_383 : vector<16xf32>
        %jit3A_415 = arith.constant 1.000000e+00 : f32
        %jit3A_416 = arith.constant 0.000000e+00 : f32
        %broadcast_in_dim3A_417 = vector.broadcast %jit3A_415 : f32 to vector<16xf32>
        %broadcast_in_dim3A_418 = vector.broadcast %jit3A_416 : f32 to vector<16xf32>
        %select_n3A_419 = arith.select %lt3A_414, %broadcast_in_dim3A_417, %broadcast_in_dim3A_418 : vector<16xi1>, vector<16xf32>
        %lt3A_420 = arith.cmpf olt, %get3A_16, %get3A_383 : vector<16xf32>
        %jit3A_421 = arith.constant 1.000000e+00 : f32
        %jit3A_422 = arith.constant 0.000000e+00 : f32
        %broadcast_in_dim3A_423 = vector.broadcast %jit3A_421 : f32 to vector<16xf32>
        %broadcast_in_dim3A_424 = vector.broadcast %jit3A_422 : f32 to vector<16xf32>
        %select_n3A_425 = arith.select %lt3A_420, %broadcast_in_dim3A_423, %broadcast_in_dim3A_424 : vector<16xi1>, vector<16xf32>
        %lt3A_426 = arith.cmpf olt, %get3A_18, %get3A_383 : vector<16xf32>
        %jit3A_427 = arith.constant 1.000000e+00 : f32
        %jit3A_428 = arith.constant 0.000000e+00 : f32
        %broadcast_in_dim3A_429 = vector.broadcast %jit3A_427 : f32 to vector<16xf32>
        %broadcast_in_dim3A_430 = vector.broadcast %jit3A_428 : f32 to vector<16xf32>
        %select_n3A_431 = arith.select %lt3A_426, %broadcast_in_dim3A_429, %broadcast_in_dim3A_430 : vector<16xi1>, vector<16xf32>
        %lt3A_432 = arith.cmpf olt, %get3A_20, %get3A_383 : vector<16xf32>
        %jit3A_433 = arith.constant 1.000000e+00 : f32
        %jit3A_434 = arith.constant 0.000000e+00 : f32
        %broadcast_in_dim3A_435 = vector.broadcast %jit3A_433 : f32 to vector<16xf32>
        %broadcast_in_dim3A_436 = vector.broadcast %jit3A_434 : f32 to vector<16xf32>
        %select_n3A_437 = arith.select %lt3A_432, %broadcast_in_dim3A_435, %broadcast_in_dim3A_436 : vector<16xi1>, vector<16xf32>
        %lt3A_438 = arith.cmpf olt, %get3A_22, %get3A_383 : vector<16xf32>
        %jit3A_439 = arith.constant 1.000000e+00 : f32
        %jit3A_440 = arith.constant 0.000000e+00 : f32
        %broadcast_in_dim3A_441 = vector.broadcast %jit3A_439 : f32 to vector<16xf32>
        %broadcast_in_dim3A_442 = vector.broadcast %jit3A_440 : f32 to vector<16xf32>
        %select_n3A_443 = arith.select %lt3A_438, %broadcast_in_dim3A_441, %broadcast_in_dim3A_442 : vector<16xi1>, vector<16xf32>
        %lt3A_444 = arith.cmpf olt, %get3A_24, %get3A_383 : vector<16xf32>
        %jit3A_445 = arith.constant 1.000000e+00 : f32
        %jit3A_446 = arith.constant 0.000000e+00 : f32
        %broadcast_in_dim3A_447 = vector.broadcast %jit3A_445 : f32 to vector<16xf32>
        %broadcast_in_dim3A_448 = vector.broadcast %jit3A_446 : f32 to vector<16xf32>
        %select_n3A_449 = arith.select %lt3A_444, %broadcast_in_dim3A_447, %broadcast_in_dim3A_448 : vector<16xi1>, vector<16xf32>
        %lt3A_450 = arith.cmpf olt, %get3A_26, %get3A_383 : vector<16xf32>
        %jit3A_451 = arith.constant 1.000000e+00 : f32
        %jit3A_452 = arith.constant 0.000000e+00 : f32
        %broadcast_in_dim3A_453 = vector.broadcast %jit3A_451 : f32 to vector<16xf32>
        %broadcast_in_dim3A_454 = vector.broadcast %jit3A_452 : f32 to vector<16xf32>
        %select_n3A_455 = arith.select %lt3A_450, %broadcast_in_dim3A_453, %broadcast_in_dim3A_454 : vector<16xi1>, vector<16xf32>
        %lt3A_456 = arith.cmpf olt, %get3A_28, %get3A_383 : vector<16xf32>
        %jit3A_457 = arith.constant 1.000000e+00 : f32
        %jit3A_458 = arith.constant 0.000000e+00 : f32
        %broadcast_in_dim3A_459 = vector.broadcast %jit3A_457 : f32 to vector<16xf32>
        %broadcast_in_dim3A_460 = vector.broadcast %jit3A_458 : f32 to vector<16xf32>
        %select_n3A_461 = arith.select %lt3A_456, %broadcast_in_dim3A_459, %broadcast_in_dim3A_460 : vector<16xi1>, vector<16xf32>
        %lt3A_462 = arith.cmpf olt, %get3A_30, %get3A_383 : vector<16xf32>
        %jit3A_463 = arith.constant 1.000000e+00 : f32
        %jit3A_464 = arith.constant 0.000000e+00 : f32
        %broadcast_in_dim3A_465 = vector.broadcast %jit3A_463 : f32 to vector<16xf32>
        %broadcast_in_dim3A_466 = vector.broadcast %jit3A_464 : f32 to vector<16xf32>
        %select_n3A_467 = arith.select %lt3A_462, %broadcast_in_dim3A_465, %broadcast_in_dim3A_466 : vector<16xi1>, vector<16xf32>
        %lt3A_468 = arith.cmpf olt, %get3A_32, %get3A_383 : vector<16xf32>
        %jit3A_469 = arith.constant 1.000000e+00 : f32
        %jit3A_470 = arith.constant 0.000000e+00 : f32
        %broadcast_in_dim3A_471 = vector.broadcast %jit3A_469 : f32 to vector<16xf32>
        %broadcast_in_dim3A_472 = vector.broadcast %jit3A_470 : f32 to vector<16xf32>
        %select_n3A_473 = arith.select %lt3A_468, %broadcast_in_dim3A_471, %broadcast_in_dim3A_472 : vector<16xi1>, vector<16xf32>
        %sub3A_474 = arith.subf %broadcast_in_dim3A_3, %select_n3A_389 : vector<16xf32>
        %sub3A_475 = arith.subf %select_n3A_389, %select_n3A_395 : vector<16xf32>
        %sub3A_476 = arith.subf %select_n3A_395, %select_n3A_401 : vector<16xf32>
        %sub3A_477 = arith.subf %select_n3A_401, %select_n3A_407 : vector<16xf32>
        %sub3A_478 = arith.subf %select_n3A_407, %select_n3A_413 : vector<16xf32>
        %sub3A_479 = arith.subf %select_n3A_413, %select_n3A_419 : vector<16xf32>
        %sub3A_480 = arith.subf %select_n3A_419, %select_n3A_425 : vector<16xf32>
        %sub3A_481 = arith.subf %select_n3A_425, %select_n3A_431 : vector<16xf32>
        %sub3A_482 = arith.subf %select_n3A_431, %select_n3A_437 : vector<16xf32>
        %sub3A_483 = arith.subf %select_n3A_437, %select_n3A_443 : vector<16xf32>
        %sub3A_484 = arith.subf %select_n3A_443, %select_n3A_449 : vector<16xf32>
        %sub3A_485 = arith.subf %select_n3A_449, %select_n3A_455 : vector<16xf32>
        %sub3A_486 = arith.subf %select_n3A_455, %select_n3A_461 : vector<16xf32>
        %sub3A_487 = arith.subf %select_n3A_461, %select_n3A_467 : vector<16xf32>
        %sub3A_488 = arith.subf %select_n3A_467, %select_n3A_473 : vector<16xf32>
        %jit3A_489 = arith.constant 8 : i32
        %div3A_490 = arith.divsi %add3A_379, %jit3A_489 : i32
        %sign3A_491 = arith.constant 0 : i32
        %sign3A_492 = arith.cmpi sgt, %add3A_379, %sign3A_491 : i32
        %sign3A_493 = arith.extui %sign3A_492 : i1 to i32
        %sign3A_494 = arith.constant 0 : i32
        %sign3A_495 = arith.cmpi slt, %add3A_379, %sign3A_494 : i32
        %sign3A_496 = arith.extui %sign3A_495 : i1 to i32
        %sign3A_497 = arith.subi %sign3A_493, %sign3A_496 : i32
        %sign3A_498 = arith.constant 0 : i32
        %sign3A_499 = arith.cmpi sgt, %jit3A_489, %sign3A_498 : i32
        %sign3A_500 = arith.extui %sign3A_499 : i1 to i32
        %sign3A_501 = arith.constant 0 : i32
        %sign3A_502 = arith.cmpi slt, %jit3A_489, %sign3A_501 : i32
        %sign3A_503 = arith.extui %sign3A_502 : i1 to i32
        %sign3A_504 = arith.subi %sign3A_500, %sign3A_503 : i32
        %ne3A_505 = arith.cmpi ne, %sign3A_497, %sign3A_504 : i32
        %rem3A_506 = arith.remsi %add3A_379, %jit3A_489 : i32
        %ne3A_507 = arith.constant 0 : i32
        %ne3A_508 = arith.cmpi ne, %rem3A_506, %ne3A_507 : i32
        %and3A_509 = arith.andi %ne3A_505, %ne3A_508 : i1
        %sub3A_510 = arith.constant 1 : i32
        %sub3A_511 = arith.subi %div3A_490, %sub3A_510 : i32
        %select_n3A_512 = arith.select %and3A_509, %sub3A_511, %div3A_490 : i32
        %mul3A_513 = arith.constant 1024 : i32
        %mul3A_514 = arith.muli %select_n3A_512, %mul3A_513 : i32
        %jit3A_515 = arith.constant 8 : i32
        %eq3A_516 = arith.constant 0 : i32
        %eq3A_517 = arith.cmpi eq, %jit3A_515, %eq3A_516 : i32
        %jit3A_518 = arith.constant 1 : i32
        %select_n3A_519 = arith.select %eq3A_517, %jit3A_518, %jit3A_515 : i32
        %rem3A_520 = arith.remsi %add3A_379, %select_n3A_519 : i32
        %ne3A_521 = arith.constant 0 : i32
        %ne3A_522 = arith.cmpi ne, %rem3A_520, %ne3A_521 : i32
        %lt3A_523 = arith.constant 0 : i32
        %lt3A_524 = arith.cmpi slt, %rem3A_520, %lt3A_523 : i32
        %lt3A_525 = arith.constant 0 : i32
        %lt3A_526 = arith.cmpi slt, %select_n3A_519, %lt3A_525 : i32
        %ne3A_527 = arith.xori %lt3A_524, %lt3A_526 : i1
        %and3A_528 = arith.andi %ne3A_527, %ne3A_522 : i1
        %add3A_529 = arith.addi %rem3A_520, %select_n3A_519 : i32
        %select_n3A_530 = arith.select %and3A_528, %add3A_529, %rem3A_520 : i32
        %mul3A_531 = arith.constant 16 : i32
        %mul3A_532 = arith.muli %select_n3A_530, %mul3A_531 : i32
        %add3A_533 = arith.addi %mul3A_514, %mul3A_532 : i32
        %add3A_534 = arith.constant 0 : i32
        %add3A_535 = arith.addi %add3A_534, %add3A_533 : i32
        %swap3A_536 = arith.index_cast %add3A_535 : i32 to index
        %swap3A_537 = tpu.vector_load %arg8[%swap3A_536] {strides = array<i32>} : memref<32768xf32, #tpu.memory_space<vmem>>, vector<16xf32>,
        tpu.vector_store %arg8[%swap3A_536], %sub3A_474 {strides = array<i32>} : memref<32768xf32, #tpu.memory_space<vmem>>, vector<16xf32>,
        %add3A_538 = arith.constant 128 : i32
        %add3A_539 = arith.addi %add3A_538, %add3A_533 : i32
        %swap3A_540 = arith.index_cast %add3A_539 : i32 to index
        %swap3A_541 = tpu.vector_load %arg8[%swap3A_540] {strides = array<i32>} : memref<32768xf32, #tpu.memory_space<vmem>>, vector<16xf32>,
        tpu.vector_store %arg8[%swap3A_540], %sub3A_475 {strides = array<i32>} : memref<32768xf32, #tpu.memory_space<vmem>>, vector<16xf32>,
        %add3A_542 = arith.constant 256 : i32
        %add3A_543 = arith.addi %add3A_542, %add3A_533 : i32
        %swap3A_544 = arith.index_cast %add3A_543 : i32 to index
        %swap3A_545 = tpu.vector_load %arg8[%swap3A_544] {strides = array<i32>} : memref<32768xf32, #tpu.memory_space<vmem>>, vector<16xf32>,
        tpu.vector_store %arg8[%swap3A_544], %sub3A_476 {strides = array<i32>} : memref<32768xf32, #tpu.memory_space<vmem>>, vector<16xf32>,
        %add3A_546 = arith.constant 384 : i32
        %add3A_547 = arith.addi %add3A_546, %add3A_533 : i32
        %swap3A_548 = arith.index_cast %add3A_547 : i32 to index
        %swap3A_549 = tpu.vector_load %arg8[%swap3A_548] {strides = array<i32>} : memref<32768xf32, #tpu.memory_space<vmem>>, vector<16xf32>,
        tpu.vector_store %arg8[%swap3A_548], %sub3A_477 {strides = array<i32>} : memref<32768xf32, #tpu.memory_space<vmem>>, vector<16xf32>,
        %add3A_550 = arith.constant 512 : i32
        %add3A_551 = arith.addi %add3A_550, %add3A_533 : i32
        %swap3A_552 = arith.index_cast %add3A_551 : i32 to index
        %swap3A_553 = tpu.vector_load %arg8[%swap3A_552] {strides = array<i32>} : memref<32768xf32, #tpu.memory_space<vmem>>, vector<16xf32>,
        tpu.vector_store %arg8[%swap3A_552], %sub3A_478 {strides = array<i32>} : memref<32768xf32, #tpu.memory_space<vmem>>, vector<16xf32>,
        %add3A_554 = arith.constant 640 : i32
        %add3A_555 = arith.addi %add3A_554, %add3A_533 : i32
        %swap3A_556 = arith.index_cast %add3A_555 : i32 to index
        %swap3A_557 = tpu.vector_load %arg8[%swap3A_556] {strides = array<i32>} : memref<32768xf32, #tpu.memory_space<vmem>>, vector<16xf32>,
        tpu.vector_store %arg8[%swap3A_556], %sub3A_479 {strides = array<i32>} : memref<32768xf32, #tpu.memory_space<vmem>>, vector<16xf32>,
        %add3A_558 = arith.constant 768 : i32
        %add3A_559 = arith.addi %add3A_558, %add3A_533 : i32
        %swap3A_560 = arith.index_cast %add3A_559 : i32 to index
        %swap3A_561 = tpu.vector_load %arg8[%swap3A_560] {strides = array<i32>} : memref<32768xf32, #tpu.memory_space<vmem>>, vector<16xf32>,
        tpu.vector_store %arg8[%swap3A_560], %sub3A_480 {strides = array<i32>} : memref<32768xf32, #tpu.memory_space<vmem>>, vector<16xf32>,
        %add3A_562 = arith.constant 896 : i32
        %add3A_563 = arith.addi %add3A_562, %add3A_533 : i32
        %swap3A_564 = arith.index_cast %add3A_563 : i32 to index
        %swap3A_565 = tpu.vector_load %arg8[%swap3A_564] {strides = array<i32>} : memref<32768xf32, #tpu.memory_space<vmem>>, vector<16xf32>,
        tpu.vector_store %arg8[%swap3A_564], %sub3A_481 {strides = array<i32>} : memref<32768xf32, #tpu.memory_space<vmem>>, vector<16xf32>,
        %add3A_566 = arith.constant 16384 : i32
        %add3A_567 = arith.addi %add3A_566, %add3A_533 : i32
        %swap3A_568 = arith.index_cast %add3A_567 : i32 to index
        %swap3A_569 = tpu.vector_load %arg8[%swap3A_568] {strides = array<i32>} : memref<32768xf32, #tpu.memory_space<vmem>>, vector<16xf32>,
        tpu.vector_store %arg8[%swap3A_568], %sub3A_482 {strides = array<i32>} : memref<32768xf32, #tpu.memory_space<vmem>>, vector<16xf32>,
        %add3A_570 = arith.constant 16512 : i32
        %add3A_571 = arith.addi %add3A_570, %add3A_533 : i32
        %swap3A_572 = arith.index_cast %add3A_571 : i32 to index
        %swap3A_573 = tpu.vector_load %arg8[%swap3A_572] {strides = array<i32>} : memref<32768xf32, #tpu.memory_space<vmem>>, vector<16xf32>,
        tpu.vector_store %arg8[%swap3A_572], %sub3A_483 {strides = array<i32>} : memref<32768xf32, #tpu.memory_space<vmem>>, vector<16xf32>,
        %add3A_574 = arith.constant 16640 : i32
        %add3A_575 = arith.addi %add3A_574, %add3A_533 : i32
        %swap3A_576 = arith.index_cast %add3A_575 : i32 to index
        %swap3A_577 = tpu.vector_load %arg8[%swap3A_576] {strides = array<i32>} : memref<32768xf32, #tpu.memory_space<vmem>>, vector<16xf32>,
        tpu.vector_store %arg8[%swap3A_576], %sub3A_484 {strides = array<i32>} : memref<32768xf32, #tpu.memory_space<vmem>>, vector<16xf32>,
        %add3A_578 = arith.constant 16768 : i32
        %add3A_579 = arith.addi %add3A_578, %add3A_533 : i32
        %swap3A_580 = arith.index_cast %add3A_579 : i32 to index
        %swap3A_581 = tpu.vector_load %arg8[%swap3A_580] {strides = array<i32>} : memref<32768xf32, #tpu.memory_space<vmem>>, vector<16xf32>,
        tpu.vector_store %arg8[%swap3A_580], %sub3A_485 {strides = array<i32>} : memref<32768xf32, #tpu.memory_space<vmem>>, vector<16xf32>,
        %add3A_582 = arith.constant 16896 : i32
        %add3A_583 = arith.addi %add3A_582, %add3A_533 : i32
        %swap3A_584 = arith.index_cast %add3A_583 : i32 to index
        %swap3A_585 = tpu.vector_load %arg8[%swap3A_584] {strides = array<i32>} : memref<32768xf32, #tpu.memory_space<vmem>>, vector<16xf32>,
        tpu.vector_store %arg8[%swap3A_584], %sub3A_486 {strides = array<i32>} : memref<32768xf32, #tpu.memory_space<vmem>>, vector<16xf32>,
        %add3A_586 = arith.constant 17024 : i32
        %add3A_587 = arith.addi %add3A_586, %add3A_533 : i32
        %swap3A_588 = arith.index_cast %add3A_587 : i32 to index
        %swap3A_589 = tpu.vector_load %arg8[%swap3A_588] {strides = array<i32>} : memref<32768xf32, #tpu.memory_space<vmem>>, vector<16xf32>,
        tpu.vector_store %arg8[%swap3A_588], %sub3A_487 {strides = array<i32>} : memref<32768xf32, #tpu.memory_space<vmem>>, vector<16xf32>,
        %add3A_590 = arith.constant 17152 : i32
        %add3A_591 = arith.addi %add3A_590, %add3A_533 : i32
        %swap3A_592 = arith.index_cast %add3A_591 : i32 to index
        %swap3A_593 = tpu.vector_load %arg8[%swap3A_592] {strides = array<i32>} : memref<32768xf32, #tpu.memory_space<vmem>>, vector<16xf32>,
        tpu.vector_store %arg8[%swap3A_592], %sub3A_488 {strides = array<i32>} : memref<32768xf32, #tpu.memory_space<vmem>>, vector<16xf32>,
        %add3A_594 = arith.constant 17280 : i32
        %add3A_595 = arith.addi %add3A_594, %add3A_533 : i32
        %swap3A_596 = arith.index_cast %add3A_595 : i32 to index
        %swap3A_597 = tpu.vector_load %arg8[%swap3A_596] {strides = array<i32>} : memref<32768xf32, #tpu.memory_space<vmem>>, vector<16xf32>,
        tpu.vector_store %arg8[%swap3A_596], %select_n3A_473 {strides = array<i32>} : memref<32768xf32, #tpu.memory_space<vmem>>, vector<16xf32>,
        %mul3A_598 = arith.constant 4 : i32
        %mul3A_599 = arith.muli %scan3A_163, %mul3A_598 : i32
        %add3A_600 = arith.constant 2 : i32
        %add3A_601 = arith.addi %mul3A_599, %add3A_600 : i32
        %mul3A_602 = arith.constant 16 : i32
        %mul3A_603 = arith.muli %add3A_601, %mul3A_602 : i32
        %get3A_604 = arith.index_cast %mul3A_603 : i32 to index
        %get3A_605 = tpu.vector_load %arg6[%get3A_604] {strides = array<i32>} : memref<2048xf32, #tpu.memory_space<vmem>>, vector<16xf32>,
        %lt3A_606 = arith.cmpf olt, %get3A_4, %get3A_605 : vector<16xf32>
        %jit3A_607 = arith.constant 1.000000e+00 : f32
        %jit3A_608 = arith.constant 0.000000e+00 : f32
        %broadcast_in_dim3A_609 = vector.broadcast %jit3A_607 : f32 to vector<16xf32>
        %broadcast_in_dim3A_610 = vector.broadcast %jit3A_608 : f32 to vector<16xf32>
        %select_n3A_611 = arith.select %lt3A_606, %broadcast_in_dim3A_609, %broadcast_in_dim3A_610 : vector<16xi1>, vector<16xf32>
        %lt3A_612 = arith.cmpf olt, %get3A_6, %get3A_605 : vector<16xf32>
        %jit3A_613 = arith.constant 1.000000e+00 : f32
        %jit3A_614 = arith.constant 0.000000e+00 : f32
        %broadcast_in_dim3A_615 = vector.broadcast %jit3A_613 : f32 to vector<16xf32>
        %broadcast_in_dim3A_616 = vector.broadcast %jit3A_614 : f32 to vector<16xf32>
        %select_n3A_617 = arith.select %lt3A_612, %broadcast_in_dim3A_615, %broadcast_in_dim3A_616 : vector<16xi1>, vector<16xf32>
        %lt3A_618 = arith.cmpf olt, %get3A_8, %get3A_605 : vector<16xf32>
        %jit3A_619 = arith.constant 1.000000e+00 : f32
        %jit3A_620 = arith.constant 0.000000e+00 : f32
        %broadcast_in_dim3A_621 = vector.broadcast %jit3A_619 : f32 to vector<16xf32>
        %broadcast_in_dim3A_622 = vector.broadcast %jit3A_620 : f32 to vector<16xf32>
        %select_n3A_623 = arith.select %lt3A_618, %broadcast_in_dim3A_621, %broadcast_in_dim3A_622 : vector<16xi1>, vector<16xf32>
        %lt3A_624 = arith.cmpf olt, %get3A_10, %get3A_605 : vector<16xf32>
        %jit3A_625 = arith.constant 1.000000e+00 : f32
        %jit3A_626 = arith.constant 0.000000e+00 : f32
        %broadcast_in_dim3A_627 = vector.broadcast %jit3A_625 : f32 to vector<16xf32>
        %broadcast_in_dim3A_628 = vector.broadcast %jit3A_626 : f32 to vector<16xf32>
        %select_n3A_629 = arith.select %lt3A_624, %broadcast_in_dim3A_627, %broadcast_in_dim3A_628 : vector<16xi1>, vector<16xf32>
        %lt3A_630 = arith.cmpf olt, %get3A_12, %get3A_605 : vector<16xf32>
        %jit3A_631 = arith.constant 1.000000e+00 : f32
        %jit3A_632 = arith.constant 0.000000e+00 : f32
        %broadcast_in_dim3A_633 = vector.broadcast %jit3A_631 : f32 to vector<16xf32>
        %broadcast_in_dim3A_634 = vector.broadcast %jit3A_632 : f32 to vector<16xf32>
        %select_n3A_635 = arith.select %lt3A_630, %broadcast_in_dim3A_633, %broadcast_in_dim3A_634 : vector<16xi1>, vector<16xf32>
        %lt3A_636 = arith.cmpf olt, %get3A_14, %get3A_605 : vector<16xf32>
        %jit3A_637 = arith.constant 1.000000e+00 : f32
        %jit3A_638 = arith.constant 0.000000e+00 : f32
        %broadcast_in_dim3A_639 = vector.broadcast %jit3A_637 : f32 to vector<16xf32>
        %broadcast_in_dim3A_640 = vector.broadcast %jit3A_638 : f32 to vector<16xf32>
        %select_n3A_641 = arith.select %lt3A_636, %broadcast_in_dim3A_639, %broadcast_in_dim3A_640 : vector<16xi1>, vector<16xf32>
        %lt3A_642 = arith.cmpf olt, %get3A_16, %get3A_605 : vector<16xf32>
        %jit3A_643 = arith.constant 1.000000e+00 : f32
        %jit3A_644 = arith.constant 0.000000e+00 : f32
        %broadcast_in_dim3A_645 = vector.broadcast %jit3A_643 : f32 to vector<16xf32>
        %broadcast_in_dim3A_646 = vector.broadcast %jit3A_644 : f32 to vector<16xf32>
        %select_n3A_647 = arith.select %lt3A_642, %broadcast_in_dim3A_645, %broadcast_in_dim3A_646 : vector<16xi1>, vector<16xf32>
        %lt3A_648 = arith.cmpf olt, %get3A_18, %get3A_605 : vector<16xf32>
        %jit3A_649 = arith.constant 1.000000e+00 : f32
        %jit3A_650 = arith.constant 0.000000e+00 : f32
        %broadcast_in_dim3A_651 = vector.broadcast %jit3A_649 : f32 to vector<16xf32>
        %broadcast_in_dim3A_652 = vector.broadcast %jit3A_650 : f32 to vector<16xf32>
        %select_n3A_653 = arith.select %lt3A_648, %broadcast_in_dim3A_651, %broadcast_in_dim3A_652 : vector<16xi1>, vector<16xf32>
        %lt3A_654 = arith.cmpf olt, %get3A_20, %get3A_605 : vector<16xf32>
        %jit3A_655 = arith.constant 1.000000e+00 : f32
        %jit3A_656 = arith.constant 0.000000e+00 : f32
        %broadcast_in_dim3A_657 = vector.broadcast %jit3A_655 : f32 to vector<16xf32>
        %broadcast_in_dim3A_658 = vector.broadcast %jit3A_656 : f32 to vector<16xf32>
        %select_n3A_659 = arith.select %lt3A_654, %broadcast_in_dim3A_657, %broadcast_in_dim3A_658 : vector<16xi1>, vector<16xf32>
        %lt3A_660 = arith.cmpf olt, %get3A_22, %get3A_605 : vector<16xf32>
        %jit3A_661 = arith.constant 1.000000e+00 : f32
        %jit3A_662 = arith.constant 0.000000e+00 : f32
        %broadcast_in_dim3A_663 = vector.broadcast %jit3A_661 : f32 to vector<16xf32>
        %broadcast_in_dim3A_664 = vector.broadcast %jit3A_662 : f32 to vector<16xf32>
        %select_n3A_665 = arith.select %lt3A_660, %broadcast_in_dim3A_663, %broadcast_in_dim3A_664 : vector<16xi1>, vector<16xf32>
        %lt3A_666 = arith.cmpf olt, %get3A_24, %get3A_605 : vector<16xf32>
        %jit3A_667 = arith.constant 1.000000e+00 : f32
        %jit3A_668 = arith.constant 0.000000e+00 : f32
        %broadcast_in_dim3A_669 = vector.broadcast %jit3A_667 : f32 to vector<16xf32>
        %broadcast_in_dim3A_670 = vector.broadcast %jit3A_668 : f32 to vector<16xf32>
        %select_n3A_671 = arith.select %lt3A_666, %broadcast_in_dim3A_669, %broadcast_in_dim3A_670 : vector<16xi1>, vector<16xf32>
        %lt3A_672 = arith.cmpf olt, %get3A_26, %get3A_605 : vector<16xf32>
        %jit3A_673 = arith.constant 1.000000e+00 : f32
        %jit3A_674 = arith.constant 0.000000e+00 : f32
        %broadcast_in_dim3A_675 = vector.broadcast %jit3A_673 : f32 to vector<16xf32>
        %broadcast_in_dim3A_676 = vector.broadcast %jit3A_674 : f32 to vector<16xf32>
        %select_n3A_677 = arith.select %lt3A_672, %broadcast_in_dim3A_675, %broadcast_in_dim3A_676 : vector<16xi1>, vector<16xf32>
        %lt3A_678 = arith.cmpf olt, %get3A_28, %get3A_605 : vector<16xf32>
        %jit3A_679 = arith.constant 1.000000e+00 : f32
        %jit3A_680 = arith.constant 0.000000e+00 : f32
        %broadcast_in_dim3A_681 = vector.broadcast %jit3A_679 : f32 to vector<16xf32>
        %broadcast_in_dim3A_682 = vector.broadcast %jit3A_680 : f32 to vector<16xf32>
        %select_n3A_683 = arith.select %lt3A_678, %broadcast_in_dim3A_681, %broadcast_in_dim3A_682 : vector<16xi1>, vector<16xf32>
        %lt3A_684 = arith.cmpf olt, %get3A_30, %get3A_605 : vector<16xf32>
        %jit3A_685 = arith.constant 1.000000e+00 : f32
        %jit3A_686 = arith.constant 0.000000e+00 : f32
        %broadcast_in_dim3A_687 = vector.broadcast %jit3A_685 : f32 to vector<16xf32>
        %broadcast_in_dim3A_688 = vector.broadcast %jit3A_686 : f32 to vector<16xf32>
        %select_n3A_689 = arith.select %lt3A_684, %broadcast_in_dim3A_687, %broadcast_in_dim3A_688 : vector<16xi1>, vector<16xf32>
        %lt3A_690 = arith.cmpf olt, %get3A_32, %get3A_605 : vector<16xf32>
        %jit3A_691 = arith.constant 1.000000e+00 : f32
        %jit3A_692 = arith.constant 0.000000e+00 : f32
        %broadcast_in_dim3A_693 = vector.broadcast %jit3A_691 : f32 to vector<16xf32>
        %broadcast_in_dim3A_694 = vector.broadcast %jit3A_692 : f32 to vector<16xf32>
        %select_n3A_695 = arith.select %lt3A_690, %broadcast_in_dim3A_693, %broadcast_in_dim3A_694 : vector<16xi1>, vector<16xf32>
        %sub3A_696 = arith.subf %broadcast_in_dim3A_3, %select_n3A_611 : vector<16xf32>
        %sub3A_697 = arith.subf %select_n3A_611, %select_n3A_617 : vector<16xf32>
        %sub3A_698 = arith.subf %select_n3A_617, %select_n3A_623 : vector<16xf32>
        %sub3A_699 = arith.subf %select_n3A_623, %select_n3A_629 : vector<16xf32>
        %sub3A_700 = arith.subf %select_n3A_629, %select_n3A_635 : vector<16xf32>
        %sub3A_701 = arith.subf %select_n3A_635, %select_n3A_641 : vector<16xf32>
        %sub3A_702 = arith.subf %select_n3A_641, %select_n3A_647 : vector<16xf32>
        %sub3A_703 = arith.subf %select_n3A_647, %select_n3A_653 : vector<16xf32>
        %sub3A_704 = arith.subf %select_n3A_653, %select_n3A_659 : vector<16xf32>
        %sub3A_705 = arith.subf %select_n3A_659, %select_n3A_665 : vector<16xf32>
        %sub3A_706 = arith.subf %select_n3A_665, %select_n3A_671 : vector<16xf32>
        %sub3A_707 = arith.subf %select_n3A_671, %select_n3A_677 : vector<16xf32>
        %sub3A_708 = arith.subf %select_n3A_677, %select_n3A_683 : vector<16xf32>
        %sub3A_709 = arith.subf %select_n3A_683, %select_n3A_689 : vector<16xf32>
        %sub3A_710 = arith.subf %select_n3A_689, %select_n3A_695 : vector<16xf32>
        %jit3A_711 = arith.constant 8 : i32
        %div3A_712 = arith.divsi %add3A_601, %jit3A_711 : i32
        %sign3A_713 = arith.constant 0 : i32
        %sign3A_714 = arith.cmpi sgt, %add3A_601, %sign3A_713 : i32
        %sign3A_715 = arith.extui %sign3A_714 : i1 to i32
        %sign3A_716 = arith.constant 0 : i32
        %sign3A_717 = arith.cmpi slt, %add3A_601, %sign3A_716 : i32
        %sign3A_718 = arith.extui %sign3A_717 : i1 to i32
        %sign3A_719 = arith.subi %sign3A_715, %sign3A_718 : i32
        %sign3A_720 = arith.constant 0 : i32
        %sign3A_721 = arith.cmpi sgt, %jit3A_711, %sign3A_720 : i32
        %sign3A_722 = arith.extui %sign3A_721 : i1 to i32
        %sign3A_723 = arith.constant 0 : i32
        %sign3A_724 = arith.cmpi slt, %jit3A_711, %sign3A_723 : i32
        %sign3A_725 = arith.extui %sign3A_724 : i1 to i32
        %sign3A_726 = arith.subi %sign3A_722, %sign3A_725 : i32
        %ne3A_727 = arith.cmpi ne, %sign3A_719, %sign3A_726 : i32
        %rem3A_728 = arith.remsi %add3A_601, %jit3A_711 : i32
        %ne3A_729 = arith.constant 0 : i32
        %ne3A_730 = arith.cmpi ne, %rem3A_728, %ne3A_729 : i32
        %and3A_731 = arith.andi %ne3A_727, %ne3A_730 : i1
        %sub3A_732 = arith.constant 1 : i32
        %sub3A_733 = arith.subi %div3A_712, %sub3A_732 : i32
        %select_n3A_734 = arith.select %and3A_731, %sub3A_733, %div3A_712 : i32
        %mul3A_735 = arith.constant 1024 : i32
        %mul3A_736 = arith.muli %select_n3A_734, %mul3A_735 : i32
        %jit3A_737 = arith.constant 8 : i32
        %eq3A_738 = arith.constant 0 : i32
        %eq3A_739 = arith.cmpi eq, %jit3A_737, %eq3A_738 : i32
        %jit3A_740 = arith.constant 1 : i32
        %select_n3A_741 = arith.select %eq3A_739, %jit3A_740, %jit3A_737 : i32
        %rem3A_742 = arith.remsi %add3A_601, %select_n3A_741 : i32
        %ne3A_743 = arith.constant 0 : i32
        %ne3A_744 = arith.cmpi ne, %rem3A_742, %ne3A_743 : i32
        %lt3A_745 = arith.constant 0 : i32
        %lt3A_746 = arith.cmpi slt, %rem3A_742, %lt3A_745 : i32
        %lt3A_747 = arith.constant 0 : i32
        %lt3A_748 = arith.cmpi slt, %select_n3A_741, %lt3A_747 : i32
        %ne3A_749 = arith.xori %lt3A_746, %lt3A_748 : i1
        %and3A_750 = arith.andi %ne3A_749, %ne3A_744 : i1
        %add3A_751 = arith.addi %rem3A_742, %select_n3A_741 : i32
        %select_n3A_752 = arith.select %and3A_750, %add3A_751, %rem3A_742 : i32
        %mul3A_753 = arith.constant 16 : i32
        %mul3A_754 = arith.muli %select_n3A_752, %mul3A_753 : i32
        %add3A_755 = arith.addi %mul3A_736, %mul3A_754 : i32
        %add3A_756 = arith.constant 0 : i32
        %add3A_757 = arith.addi %add3A_756, %add3A_755 : i32
        %swap3A_758 = arith.index_cast %add3A_757 : i32 to index
        %swap3A_759 = tpu.vector_load %arg8[%swap3A_758] {strides = array<i32>} : memref<32768xf32, #tpu.memory_space<vmem>>, vector<16xf32>,
        tpu.vector_store %arg8[%swap3A_758], %sub3A_696 {strides = array<i32>} : memref<32768xf32, #tpu.memory_space<vmem>>, vector<16xf32>,
        %add3A_760 = arith.constant 128 : i32
        %add3A_761 = arith.addi %add3A_760, %add3A_755 : i32
        %swap3A_762 = arith.index_cast %add3A_761 : i32 to index
        %swap3A_763 = tpu.vector_load %arg8[%swap3A_762] {strides = array<i32>} : memref<32768xf32, #tpu.memory_space<vmem>>, vector<16xf32>,
        tpu.vector_store %arg8[%swap3A_762], %sub3A_697 {strides = array<i32>} : memref<32768xf32, #tpu.memory_space<vmem>>, vector<16xf32>,
        %add3A_764 = arith.constant 256 : i32
        %add3A_765 = arith.addi %add3A_764, %add3A_755 : i32
        %swap3A_766 = arith.index_cast %add3A_765 : i32 to index
        %swap3A_767 = tpu.vector_load %arg8[%swap3A_766] {strides = array<i32>} : memref<32768xf32, #tpu.memory_space<vmem>>, vector<16xf32>,
        tpu.vector_store %arg8[%swap3A_766], %sub3A_698 {strides = array<i32>} : memref<32768xf32, #tpu.memory_space<vmem>>, vector<16xf32>,
        %add3A_768 = arith.constant 384 : i32
        %add3A_769 = arith.addi %add3A_768, %add3A_755 : i32
        %swap3A_770 = arith.index_cast %add3A_769 : i32 to index
        %swap3A_771 = tpu.vector_load %arg8[%swap3A_770] {strides = array<i32>} : memref<32768xf32, #tpu.memory_space<vmem>>, vector<16xf32>,
        tpu.vector_store %arg8[%swap3A_770], %sub3A_699 {strides = array<i32>} : memref<32768xf32, #tpu.memory_space<vmem>>, vector<16xf32>,
        %add3A_772 = arith.constant 512 : i32
        %add3A_773 = arith.addi %add3A_772, %add3A_755 : i32
        %swap3A_774 = arith.index_cast %add3A_773 : i32 to index
        %swap3A_775 = tpu.vector_load %arg8[%swap3A_774] {strides = array<i32>} : memref<32768xf32, #tpu.memory_space<vmem>>, vector<16xf32>,
        tpu.vector_store %arg8[%swap3A_774], %sub3A_700 {strides = array<i32>} : memref<32768xf32, #tpu.memory_space<vmem>>, vector<16xf32>,
        %add3A_776 = arith.constant 640 : i32
        %add3A_777 = arith.addi %add3A_776, %add3A_755 : i32
        %swap3A_778 = arith.index_cast %add3A_777 : i32 to index
        %swap3A_779 = tpu.vector_load %arg8[%swap3A_778] {strides = array<i32>} : memref<32768xf32, #tpu.memory_space<vmem>>, vector<16xf32>,
        tpu.vector_store %arg8[%swap3A_778], %sub3A_701 {strides = array<i32>} : memref<32768xf32, #tpu.memory_space<vmem>>, vector<16xf32>,
        %add3A_780 = arith.constant 768 : i32
        %add3A_781 = arith.addi %add3A_780, %add3A_755 : i32
        %swap3A_782 = arith.index_cast %add3A_781 : i32 to index
        %swap3A_783 = tpu.vector_load %arg8[%swap3A_782] {strides = array<i32>} : memref<32768xf32, #tpu.memory_space<vmem>>, vector<16xf32>,
        tpu.vector_store %arg8[%swap3A_782], %sub3A_702 {strides = array<i32>} : memref<32768xf32, #tpu.memory_space<vmem>>, vector<16xf32>,
        %add3A_784 = arith.constant 896 : i32
        %add3A_785 = arith.addi %add3A_784, %add3A_755 : i32
        %swap3A_786 = arith.index_cast %add3A_785 : i32 to index
        %swap3A_787 = tpu.vector_load %arg8[%swap3A_786] {strides = array<i32>} : memref<32768xf32, #tpu.memory_space<vmem>>, vector<16xf32>,
        tpu.vector_store %arg8[%swap3A_786], %sub3A_703 {strides = array<i32>} : memref<32768xf32, #tpu.memory_space<vmem>>, vector<16xf32>,
        %add3A_788 = arith.constant 16384 : i32
        %add3A_789 = arith.addi %add3A_788, %add3A_755 : i32
        %swap3A_790 = arith.index_cast %add3A_789 : i32 to index
        %swap3A_791 = tpu.vector_load %arg8[%swap3A_790] {strides = array<i32>} : memref<32768xf32, #tpu.memory_space<vmem>>, vector<16xf32>,
        tpu.vector_store %arg8[%swap3A_790], %sub3A_704 {strides = array<i32>} : memref<32768xf32, #tpu.memory_space<vmem>>, vector<16xf32>,
        %add3A_792 = arith.constant 16512 : i32
        %add3A_793 = arith.addi %add3A_792, %add3A_755 : i32
        %swap3A_794 = arith.index_cast %add3A_793 : i32 to index
        %swap3A_795 = tpu.vector_load %arg8[%swap3A_794] {strides = array<i32>} : memref<32768xf32, #tpu.memory_space<vmem>>, vector<16xf32>,
        tpu.vector_store %arg8[%swap3A_794], %sub3A_705 {strides = array<i32>} : memref<32768xf32, #tpu.memory_space<vmem>>, vector<16xf32>,
        %add3A_796 = arith.constant 16640 : i32
        %add3A_797 = arith.addi %add3A_796, %add3A_755 : i32
        %swap3A_798 = arith.index_cast %add3A_797 : i32 to index
        %swap3A_799 = tpu.vector_load %arg8[%swap3A_798] {strides = array<i32>} : memref<32768xf32, #tpu.memory_space<vmem>>, vector<16xf32>,
        tpu.vector_store %arg8[%swap3A_798], %sub3A_706 {strides = array<i32>} : memref<32768xf32, #tpu.memory_space<vmem>>, vector<16xf32>,
        %add3A_800 = arith.constant 16768 : i32
        %add3A_801 = arith.addi %add3A_800, %add3A_755 : i32
        %swap3A_802 = arith.index_cast %add3A_801 : i32 to index
        %swap3A_803 = tpu.vector_load %arg8[%swap3A_802] {strides = array<i32>} : memref<32768xf32, #tpu.memory_space<vmem>>, vector<16xf32>,
        tpu.vector_store %arg8[%swap3A_802], %sub3A_707 {strides = array<i32>} : memref<32768xf32, #tpu.memory_space<vmem>>, vector<16xf32>,
        %add3A_804 = arith.constant 16896 : i32
        %add3A_805 = arith.addi %add3A_804, %add3A_755 : i32
        %swap3A_806 = arith.index_cast %add3A_805 : i32 to index
        %swap3A_807 = tpu.vector_load %arg8[%swap3A_806] {strides = array<i32>} : memref<32768xf32, #tpu.memory_space<vmem>>, vector<16xf32>,
        tpu.vector_store %arg8[%swap3A_806], %sub3A_708 {strides = array<i32>} : memref<32768xf32, #tpu.memory_space<vmem>>, vector<16xf32>,
        %add3A_808 = arith.constant 17024 : i32
        %add3A_809 = arith.addi %add3A_808, %add3A_755 : i32
        %swap3A_810 = arith.index_cast %add3A_809 : i32 to index
        %swap3A_811 = tpu.vector_load %arg8[%swap3A_810] {strides = array<i32>} : memref<32768xf32, #tpu.memory_space<vmem>>, vector<16xf32>,
        tpu.vector_store %arg8[%swap3A_810], %sub3A_709 {strides = array<i32>} : memref<32768xf32, #tpu.memory_space<vmem>>, vector<16xf32>,
        %add3A_812 = arith.constant 17152 : i32
        %add3A_813 = arith.addi %add3A_812, %add3A_755 : i32
        %swap3A_814 = arith.index_cast %add3A_813 : i32 to index
        %swap3A_815 = tpu.vector_load %arg8[%swap3A_814] {strides = array<i32>} : memref<32768xf32, #tpu.memory_space<vmem>>, vector<16xf32>,
        tpu.vector_store %arg8[%swap3A_814], %sub3A_710 {strides = array<i32>} : memref<32768xf32, #tpu.memory_space<vmem>>, vector<16xf32>,
        %add3A_816 = arith.constant 17280 : i32
        %add3A_817 = arith.addi %add3A_816, %add3A_755 : i32
        %swap3A_818 = arith.index_cast %add3A_817 : i32 to index
        %swap3A_819 = tpu.vector_load %arg8[%swap3A_818] {strides = array<i32>} : memref<32768xf32, #tpu.memory_space<vmem>>, vector<16xf32>,
        tpu.vector_store %arg8[%swap3A_818], %select_n3A_695 {strides = array<i32>} : memref<32768xf32, #tpu.memory_space<vmem>>, vector<16xf32>,
        %mul3A_820 = arith.constant 4 : i32
        %mul3A_821 = arith.muli %scan3A_163, %mul3A_820 : i32
        %add3A_822 = arith.constant 3 : i32
        %add3A_823 = arith.addi %mul3A_821, %add3A_822 : i32
        %mul3A_824 = arith.constant 16 : i32
        %mul3A_825 = arith.muli %add3A_823, %mul3A_824 : i32
        %get3A_826 = arith.index_cast %mul3A_825 : i32 to index
        %get3A_827 = tpu.vector_load %arg6[%get3A_826] {strides = array<i32>} : memref<2048xf32, #tpu.memory_space<vmem>>, vector<16xf32>,
        %lt3A_828 = arith.cmpf olt, %get3A_4, %get3A_827 : vector<16xf32>
        %jit3A_829 = arith.constant 1.000000e+00 : f32
        %jit3A_830 = arith.constant 0.000000e+00 : f32
        %broadcast_in_dim3A_831 = vector.broadcast %jit3A_829 : f32 to vector<16xf32>
        %broadcast_in_dim3A_832 = vector.broadcast %jit3A_830 : f32 to vector<16xf32>
        %select_n3A_833 = arith.select %lt3A_828, %broadcast_in_dim3A_831, %broadcast_in_dim3A_832 : vector<16xi1>, vector<16xf32>
        %lt3A_834 = arith.cmpf olt, %get3A_6, %get3A_827 : vector<16xf32>
        %jit3A_835 = arith.constant 1.000000e+00 : f32
        %jit3A_836 = arith.constant 0.000000e+00 : f32
        %broadcast_in_dim3A_837 = vector.broadcast %jit3A_835 : f32 to vector<16xf32>
        %broadcast_in_dim3A_838 = vector.broadcast %jit3A_836 : f32 to vector<16xf32>
        %select_n3A_839 = arith.select %lt3A_834, %broadcast_in_dim3A_837, %broadcast_in_dim3A_838 : vector<16xi1>, vector<16xf32>
        %lt3A_840 = arith.cmpf olt, %get3A_8, %get3A_827 : vector<16xf32>
        %jit3A_841 = arith.constant 1.000000e+00 : f32
        %jit3A_842 = arith.constant 0.000000e+00 : f32
        %broadcast_in_dim3A_843 = vector.broadcast %jit3A_841 : f32 to vector<16xf32>
        %broadcast_in_dim3A_844 = vector.broadcast %jit3A_842 : f32 to vector<16xf32>
        %select_n3A_845 = arith.select %lt3A_840, %broadcast_in_dim3A_843, %broadcast_in_dim3A_844 : vector<16xi1>, vector<16xf32>
        %lt3A_846 = arith.cmpf olt, %get3A_10, %get3A_827 : vector<16xf32>
        %jit3A_847 = arith.constant 1.000000e+00 : f32
        %jit3A_848 = arith.constant 0.000000e+00 : f32
        %broadcast_in_dim3A_849 = vector.broadcast %jit3A_847 : f32 to vector<16xf32>
        %broadcast_in_dim3A_850 = vector.broadcast %jit3A_848 : f32 to vector<16xf32>
        %select_n3A_851 = arith.select %lt3A_846, %broadcast_in_dim3A_849, %broadcast_in_dim3A_850 : vector<16xi1>, vector<16xf32>
        %lt3A_852 = arith.cmpf olt, %get3A_12, %get3A_827 : vector<16xf32>
        %jit3A_853 = arith.constant 1.000000e+00 : f32
        %jit3A_854 = arith.constant 0.000000e+00 : f32
        %broadcast_in_dim3A_855 = vector.broadcast %jit3A_853 : f32 to vector<16xf32>
        %broadcast_in_dim3A_856 = vector.broadcast %jit3A_854 : f32 to vector<16xf32>
        %select_n3A_857 = arith.select %lt3A_852, %broadcast_in_dim3A_855, %broadcast_in_dim3A_856 : vector<16xi1>, vector<16xf32>
        %lt3A_858 = arith.cmpf olt, %get3A_14, %get3A_827 : vector<16xf32>
        %jit3A_859 = arith.constant 1.000000e+00 : f32
        %jit3A_860 = arith.constant 0.000000e+00 : f32
        %broadcast_in_dim3A_861 = vector.broadcast %jit3A_859 : f32 to vector<16xf32>
        %broadcast_in_dim3A_862 = vector.broadcast %jit3A_860 : f32 to vector<16xf32>
        %select_n3A_863 = arith.select %lt3A_858, %broadcast_in_dim3A_861, %broadcast_in_dim3A_862 : vector<16xi1>, vector<16xf32>
        %lt3A_864 = arith.cmpf olt, %get3A_16, %get3A_827 : vector<16xf32>
        %jit3A_865 = arith.constant 1.000000e+00 : f32
        %jit3A_866 = arith.constant 0.000000e+00 : f32
        %broadcast_in_dim3A_867 = vector.broadcast %jit3A_865 : f32 to vector<16xf32>
        %broadcast_in_dim3A_868 = vector.broadcast %jit3A_866 : f32 to vector<16xf32>
        %select_n3A_869 = arith.select %lt3A_864, %broadcast_in_dim3A_867, %broadcast_in_dim3A_868 : vector<16xi1>, vector<16xf32>
        %lt3A_870 = arith.cmpf olt, %get3A_18, %get3A_827 : vector<16xf32>
        %jit3A_871 = arith.constant 1.000000e+00 : f32
        %jit3A_872 = arith.constant 0.000000e+00 : f32
        %broadcast_in_dim3A_873 = vector.broadcast %jit3A_871 : f32 to vector<16xf32>
        %broadcast_in_dim3A_874 = vector.broadcast %jit3A_872 : f32 to vector<16xf32>
        %select_n3A_875 = arith.select %lt3A_870, %broadcast_in_dim3A_873, %broadcast_in_dim3A_874 : vector<16xi1>, vector<16xf32>
        %lt3A_876 = arith.cmpf olt, %get3A_20, %get3A_827 : vector<16xf32>
        %jit3A_877 = arith.constant 1.000000e+00 : f32
        %jit3A_878 = arith.constant 0.000000e+00 : f32
        %broadcast_in_dim3A_879 = vector.broadcast %jit3A_877 : f32 to vector<16xf32>
        %broadcast_in_dim3A_880 = vector.broadcast %jit3A_878 : f32 to vector<16xf32>
        %select_n3A_881 = arith.select %lt3A_876, %broadcast_in_dim3A_879, %broadcast_in_dim3A_880 : vector<16xi1>, vector<16xf32>
        %lt3A_882 = arith.cmpf olt, %get3A_22, %get3A_827 : vector<16xf32>
        %jit3A_883 = arith.constant 1.000000e+00 : f32
        %jit3A_884 = arith.constant 0.000000e+00 : f32
        %broadcast_in_dim3A_885 = vector.broadcast %jit3A_883 : f32 to vector<16xf32>
        %broadcast_in_dim3A_886 = vector.broadcast %jit3A_884 : f32 to vector<16xf32>
        %select_n3A_887 = arith.select %lt3A_882, %broadcast_in_dim3A_885, %broadcast_in_dim3A_886 : vector<16xi1>, vector<16xf32>
        %lt3A_888 = arith.cmpf olt, %get3A_24, %get3A_827 : vector<16xf32>
        %jit3A_889 = arith.constant 1.000000e+00 : f32
        %jit3A_890 = arith.constant 0.000000e+00 : f32
        %broadcast_in_dim3A_891 = vector.broadcast %jit3A_889 : f32 to vector<16xf32>
        %broadcast_in_dim3A_892 = vector.broadcast %jit3A_890 : f32 to vector<16xf32>
        %select_n3A_893 = arith.select %lt3A_888, %broadcast_in_dim3A_891, %broadcast_in_dim3A_892 : vector<16xi1>, vector<16xf32>
        %lt3A_894 = arith.cmpf olt, %get3A_26, %get3A_827 : vector<16xf32>
        %jit3A_895 = arith.constant 1.000000e+00 : f32
        %jit3A_896 = arith.constant 0.000000e+00 : f32
        %broadcast_in_dim3A_897 = vector.broadcast %jit3A_895 : f32 to vector<16xf32>
        %broadcast_in_dim3A_898 = vector.broadcast %jit3A_896 : f32 to vector<16xf32>
        %select_n3A_899 = arith.select %lt3A_894, %broadcast_in_dim3A_897, %broadcast_in_dim3A_898 : vector<16xi1>, vector<16xf32>
        %lt3A_900 = arith.cmpf olt, %get3A_28, %get3A_827 : vector<16xf32>
        %jit3A_901 = arith.constant 1.000000e+00 : f32
        %jit3A_902 = arith.constant 0.000000e+00 : f32
        %broadcast_in_dim3A_903 = vector.broadcast %jit3A_901 : f32 to vector<16xf32>
        %broadcast_in_dim3A_904 = vector.broadcast %jit3A_902 : f32 to vector<16xf32>
        %select_n3A_905 = arith.select %lt3A_900, %broadcast_in_dim3A_903, %broadcast_in_dim3A_904 : vector<16xi1>, vector<16xf32>
        %lt3A_906 = arith.cmpf olt, %get3A_30, %get3A_827 : vector<16xf32>
        %jit3A_907 = arith.constant 1.000000e+00 : f32
        %jit3A_908 = arith.constant 0.000000e+00 : f32
        %broadcast_in_dim3A_909 = vector.broadcast %jit3A_907 : f32 to vector<16xf32>
        %broadcast_in_dim3A_910 = vector.broadcast %jit3A_908 : f32 to vector<16xf32>
        %select_n3A_911 = arith.select %lt3A_906, %broadcast_in_dim3A_909, %broadcast_in_dim3A_910 : vector<16xi1>, vector<16xf32>
        %lt3A_912 = arith.cmpf olt, %get3A_32, %get3A_827 : vector<16xf32>
        %jit3A_913 = arith.constant 1.000000e+00 : f32
        %jit3A_914 = arith.constant 0.000000e+00 : f32
        %broadcast_in_dim3A_915 = vector.broadcast %jit3A_913 : f32 to vector<16xf32>
        %broadcast_in_dim3A_916 = vector.broadcast %jit3A_914 : f32 to vector<16xf32>
        %select_n3A_917 = arith.select %lt3A_912, %broadcast_in_dim3A_915, %broadcast_in_dim3A_916 : vector<16xi1>, vector<16xf32>
        %sub3A_918 = arith.subf %broadcast_in_dim3A_3, %select_n3A_833 : vector<16xf32>
        %sub3A_919 = arith.subf %select_n3A_833, %select_n3A_839 : vector<16xf32>
        %sub3A_920 = arith.subf %select_n3A_839, %select_n3A_845 : vector<16xf32>
        %sub3A_921 = arith.subf %select_n3A_845, %select_n3A_851 : vector<16xf32>
        %sub3A_922 = arith.subf %select_n3A_851, %select_n3A_857 : vector<16xf32>
        %sub3A_923 = arith.subf %select_n3A_857, %select_n3A_863 : vector<16xf32>
        %sub3A_924 = arith.subf %select_n3A_863, %select_n3A_869 : vector<16xf32>
        %sub3A_925 = arith.subf %select_n3A_869, %select_n3A_875 : vector<16xf32>
        %sub3A_926 = arith.subf %select_n3A_875, %select_n3A_881 : vector<16xf32>
        %sub3A_927 = arith.subf %select_n3A_881, %select_n3A_887 : vector<16xf32>
        %sub3A_928 = arith.subf %select_n3A_887, %select_n3A_893 : vector<16xf32>
        %sub3A_929 = arith.subf %select_n3A_893, %select_n3A_899 : vector<16xf32>
        %sub3A_930 = arith.subf %select_n3A_899, %select_n3A_905 : vector<16xf32>
        %sub3A_931 = arith.subf %select_n3A_905, %select_n3A_911 : vector<16xf32>
        %sub3A_932 = arith.subf %select_n3A_911, %select_n3A_917 : vector<16xf32>
        %jit3A_933 = arith.constant 8 : i32
        %div3A_934 = arith.divsi %add3A_823, %jit3A_933 : i32
        %sign3A_935 = arith.constant 0 : i32
        %sign3A_936 = arith.cmpi sgt, %add3A_823, %sign3A_935 : i32
        %sign3A_937 = arith.extui %sign3A_936 : i1 to i32
        %sign3A_938 = arith.constant 0 : i32
        %sign3A_939 = arith.cmpi slt, %add3A_823, %sign3A_938 : i32
        %sign3A_940 = arith.extui %sign3A_939 : i1 to i32
        %sign3A_941 = arith.subi %sign3A_937, %sign3A_940 : i32
        %sign3A_942 = arith.constant 0 : i32
        %sign3A_943 = arith.cmpi sgt, %jit3A_933, %sign3A_942 : i32
        %sign3A_944 = arith.extui %sign3A_943 : i1 to i32
        %sign3A_945 = arith.constant 0 : i32
        %sign3A_946 = arith.cmpi slt, %jit3A_933, %sign3A_945 : i32
        %sign3A_947 = arith.extui %sign3A_946 : i1 to i32
        %sign3A_948 = arith.subi %sign3A_944, %sign3A_947 : i32
        %ne3A_949 = arith.cmpi ne, %sign3A_941, %sign3A_948 : i32
        %rem3A_950 = arith.remsi %add3A_823, %jit3A_933 : i32
        %ne3A_951 = arith.constant 0 : i32
        %ne3A_952 = arith.cmpi ne, %rem3A_950, %ne3A_951 : i32
        %and3A_953 = arith.andi %ne3A_949, %ne3A_952 : i1
        %sub3A_954 = arith.constant 1 : i32
        %sub3A_955 = arith.subi %div3A_934, %sub3A_954 : i32
        %select_n3A_956 = arith.select %and3A_953, %sub3A_955, %div3A_934 : i32
        %mul3A_957 = arith.constant 1024 : i32
        %mul3A_958 = arith.muli %select_n3A_956, %mul3A_957 : i32
        %jit3A_959 = arith.constant 8 : i32
        %eq3A_960 = arith.constant 0 : i32
        %eq3A_961 = arith.cmpi eq, %jit3A_959, %eq3A_960 : i32
        %jit3A_962 = arith.constant 1 : i32
        %select_n3A_963 = arith.select %eq3A_961, %jit3A_962, %jit3A_959 : i32
        %rem3A_964 = arith.remsi %add3A_823, %select_n3A_963 : i32
        %ne3A_965 = arith.constant 0 : i32
        %ne3A_966 = arith.cmpi ne, %rem3A_964, %ne3A_965 : i32
        %lt3A_967 = arith.constant 0 : i32
        %lt3A_968 = arith.cmpi slt, %rem3A_964, %lt3A_967 : i32
        %lt3A_969 = arith.constant 0 : i32
        %lt3A_970 = arith.cmpi slt, %select_n3A_963, %lt3A_969 : i32
        %ne3A_971 = arith.xori %lt3A_968, %lt3A_970 : i1
        %and3A_972 = arith.andi %ne3A_971, %ne3A_966 : i1
        %add3A_973 = arith.addi %rem3A_964, %select_n3A_963 : i32
        %select_n3A_974 = arith.select %and3A_972, %add3A_973, %rem3A_964 : i32
        %mul3A_975 = arith.constant 16 : i32
        %mul3A_976 = arith.muli %select_n3A_974, %mul3A_975 : i32
        %add3A_977 = arith.addi %mul3A_958, %mul3A_976 : i32
        %add3A_978 = arith.constant 0 : i32
        %add3A_979 = arith.addi %add3A_978, %add3A_977 : i32
        %swap3A_980 = arith.index_cast %add3A_979 : i32 to index
        %swap3A_981 = tpu.vector_load %arg8[%swap3A_980] {strides = array<i32>} : memref<32768xf32, #tpu.memory_space<vmem>>, vector<16xf32>,
        tpu.vector_store %arg8[%swap3A_980], %sub3A_918 {strides = array<i32>} : memref<32768xf32, #tpu.memory_space<vmem>>, vector<16xf32>,
        %add3A_982 = arith.constant 128 : i32
        %add3A_983 = arith.addi %add3A_982, %add3A_977 : i32
        %swap3A_984 = arith.index_cast %add3A_983 : i32 to index
        %swap3A_985 = tpu.vector_load %arg8[%swap3A_984] {strides = array<i32>} : memref<32768xf32, #tpu.memory_space<vmem>>, vector<16xf32>,
        tpu.vector_store %arg8[%swap3A_984], %sub3A_919 {strides = array<i32>} : memref<32768xf32, #tpu.memory_space<vmem>>, vector<16xf32>,
        %add3A_986 = arith.constant 256 : i32
        %add3A_987 = arith.addi %add3A_986, %add3A_977 : i32
        %swap3A_988 = arith.index_cast %add3A_987 : i32 to index
        %swap3A_989 = tpu.vector_load %arg8[%swap3A_988] {strides = array<i32>} : memref<32768xf32, #tpu.memory_space<vmem>>, vector<16xf32>,
        tpu.vector_store %arg8[%swap3A_988], %sub3A_920 {strides = array<i32>} : memref<32768xf32, #tpu.memory_space<vmem>>, vector<16xf32>,
        %add3A_990 = arith.constant 384 : i32
        %add3A_991 = arith.addi %add3A_990, %add3A_977 : i32
        %swap3A_992 = arith.index_cast %add3A_991 : i32 to index
        %swap3A_993 = tpu.vector_load %arg8[%swap3A_992] {strides = array<i32>} : memref<32768xf32, #tpu.memory_space<vmem>>, vector<16xf32>,
        tpu.vector_store %arg8[%swap3A_992], %sub3A_921 {strides = array<i32>} : memref<32768xf32, #tpu.memory_space<vmem>>, vector<16xf32>,
        %add3A_994 = arith.constant 512 : i32
        %add3A_995 = arith.addi %add3A_994, %add3A_977 : i32
        %swap3A_996 = arith.index_cast %add3A_995 : i32 to index
        %swap3A_997 = tpu.vector_load %arg8[%swap3A_996] {strides = array<i32>} : memref<32768xf32, #tpu.memory_space<vmem>>, vector<16xf32>,
        tpu.vector_store %arg8[%swap3A_996], %sub3A_922 {strides = array<i32>} : memref<32768xf32, #tpu.memory_space<vmem>>, vector<16xf32>,
        %add3A_998 = arith.constant 640 : i32
        %add3A_999 = arith.addi %add3A_998, %add3A_977 : i32
        %swap3A_1000 = arith.index_cast %add3A_999 : i32 to index
        %swap3A_1001 = tpu.vector_load %arg8[%swap3A_1000] {strides = array<i32>} : memref<32768xf32, #tpu.memory_space<vmem>>, vector<16xf32>,
        tpu.vector_store %arg8[%swap3A_1000], %sub3A_923 {strides = array<i32>} : memref<32768xf32, #tpu.memory_space<vmem>>, vector<16xf32>,
        %add3A_1002 = arith.constant 768 : i32
        %add3A_1003 = arith.addi %add3A_1002, %add3A_977 : i32
        %swap3A_1004 = arith.index_cast %add3A_1003 : i32 to index
        %swap3A_1005 = tpu.vector_load %arg8[%swap3A_1004] {strides = array<i32>} : memref<32768xf32, #tpu.memory_space<vmem>>, vector<16xf32>,
        tpu.vector_store %arg8[%swap3A_1004], %sub3A_924 {strides = array<i32>} : memref<32768xf32, #tpu.memory_space<vmem>>, vector<16xf32>,
        %add3A_1006 = arith.constant 896 : i32
        %add3A_1007 = arith.addi %add3A_1006, %add3A_977 : i32
        %swap3A_1008 = arith.index_cast %add3A_1007 : i32 to index
        %swap3A_1009 = tpu.vector_load %arg8[%swap3A_1008] {strides = array<i32>} : memref<32768xf32, #tpu.memory_space<vmem>>, vector<16xf32>,
        tpu.vector_store %arg8[%swap3A_1008], %sub3A_925 {strides = array<i32>} : memref<32768xf32, #tpu.memory_space<vmem>>, vector<16xf32>,
        %add3A_1010 = arith.constant 16384 : i32
        %add3A_1011 = arith.addi %add3A_1010, %add3A_977 : i32
        %swap3A_1012 = arith.index_cast %add3A_1011 : i32 to index
        %swap3A_1013 = tpu.vector_load %arg8[%swap3A_1012] {strides = array<i32>} : memref<32768xf32, #tpu.memory_space<vmem>>, vector<16xf32>,
        tpu.vector_store %arg8[%swap3A_1012], %sub3A_926 {strides = array<i32>} : memref<32768xf32, #tpu.memory_space<vmem>>, vector<16xf32>,
        %add3A_1014 = arith.constant 16512 : i32
        %add3A_1015 = arith.addi %add3A_1014, %add3A_977 : i32
        %swap3A_1016 = arith.index_cast %add3A_1015 : i32 to index
        %swap3A_1017 = tpu.vector_load %arg8[%swap3A_1016] {strides = array<i32>} : memref<32768xf32, #tpu.memory_space<vmem>>, vector<16xf32>,
        tpu.vector_store %arg8[%swap3A_1016], %sub3A_927 {strides = array<i32>} : memref<32768xf32, #tpu.memory_space<vmem>>, vector<16xf32>,
        %add3A_1018 = arith.constant 16640 : i32
        %add3A_1019 = arith.addi %add3A_1018, %add3A_977 : i32
        %swap3A_1020 = arith.index_cast %add3A_1019 : i32 to index
        %swap3A_1021 = tpu.vector_load %arg8[%swap3A_1020] {strides = array<i32>} : memref<32768xf32, #tpu.memory_space<vmem>>, vector<16xf32>,
        tpu.vector_store %arg8[%swap3A_1020], %sub3A_928 {strides = array<i32>} : memref<32768xf32, #tpu.memory_space<vmem>>, vector<16xf32>,
        %add3A_1022 = arith.constant 16768 : i32
        %add3A_1023 = arith.addi %add3A_1022, %add3A_977 : i32
        %swap3A_1024 = arith.index_cast %add3A_1023 : i32 to index
        %swap3A_1025 = tpu.vector_load %arg8[%swap3A_1024] {strides = array<i32>} : memref<32768xf32, #tpu.memory_space<vmem>>, vector<16xf32>,
        tpu.vector_store %arg8[%swap3A_1024], %sub3A_929 {strides = array<i32>} : memref<32768xf32, #tpu.memory_space<vmem>>, vector<16xf32>,
        %add3A_1026 = arith.constant 16896 : i32
        %add3A_1027 = arith.addi %add3A_1026, %add3A_977 : i32
        %swap3A_1028 = arith.index_cast %add3A_1027 : i32 to index
        %swap3A_1029 = tpu.vector_load %arg8[%swap3A_1028] {strides = array<i32>} : memref<32768xf32, #tpu.memory_space<vmem>>, vector<16xf32>,
        tpu.vector_store %arg8[%swap3A_1028], %sub3A_930 {strides = array<i32>} : memref<32768xf32, #tpu.memory_space<vmem>>, vector<16xf32>,
        %add3A_1030 = arith.constant 17024 : i32
        %add3A_1031 = arith.addi %add3A_1030, %add3A_977 : i32
        %swap3A_1032 = arith.index_cast %add3A_1031 : i32 to index
        %swap3A_1033 = tpu.vector_load %arg8[%swap3A_1032] {strides = array<i32>} : memref<32768xf32, #tpu.memory_space<vmem>>, vector<16xf32>,
        tpu.vector_store %arg8[%swap3A_1032], %sub3A_931 {strides = array<i32>} : memref<32768xf32, #tpu.memory_space<vmem>>, vector<16xf32>,
        %add3A_1034 = arith.constant 17152 : i32
        %add3A_1035 = arith.addi %add3A_1034, %add3A_977 : i32
        %swap3A_1036 = arith.index_cast %add3A_1035 : i32 to index
        %swap3A_1037 = tpu.vector_load %arg8[%swap3A_1036] {strides = array<i32>} : memref<32768xf32, #tpu.memory_space<vmem>>, vector<16xf32>,
        tpu.vector_store %arg8[%swap3A_1036], %sub3A_932 {strides = array<i32>} : memref<32768xf32, #tpu.memory_space<vmem>>, vector<16xf32>,
        %add3A_1038 = arith.constant 17280 : i32
        %add3A_1039 = arith.addi %add3A_1038, %add3A_977 : i32
        %swap3A_1040 = arith.index_cast %add3A_1039 : i32 to index
        %swap3A_1041 = tpu.vector_load %arg8[%swap3A_1040] {strides = array<i32>} : memref<32768xf32, #tpu.memory_space<vmem>>, vector<16xf32>,
        tpu.vector_store %arg8[%swap3A_1040], %select_n3A_917 {strides = array<i32>} : memref<32768xf32, #tpu.memory_space<vmem>>, vector<16xf32>,
      }
      %scan3A_97 = arith.constant 32 : i32
      %mul3A_98 = arith.constant 2048 : i32
      %mul3A_99 = arith.muli %mul3A_78, %mul3A_98 : i32
      %add3A_100 = arith.addi %mul3A_2, %mul3A_99 : i32
      %mul3A_101 = arith.constant 8 : i32
      %mul3A_102 = arith.muli %add3A_100, %mul3A_101 : i32
      %dma_start3A_103 = arith.constant 0 : i32
      %dma_start3A_104 = tpu.memref_slice %arg8[%dma_start3A_103] : memref<32768xf32, #tpu.memory_space<vmem>> -> memref<16384xf32, #tpu.memory_space<vmem>>
      %dma_start3A_105 = tpu.memref_slice %arg4[%mul3A_102] : memref<16777216xf32, #tpu.memory_space<hbm>> -> memref<16384xf32, #tpu.memory_space<hbm>>
      %dma_start3A_106 = tpu.memref_slice %arg4[%mul3A_102] : memref<16777216xf32, #tpu.memory_space<hbm>> -> memref<16384xf32, #tpu.memory_space<hbm>>
      %dma_start3A_107 = arith.constant 0 : i32
      %dma_start3A_108 = tpu.memref_slice %arg8[%dma_start3A_107] : memref<32768xf32, #tpu.memory_space<vmem>> -> memref<16384xf32, #tpu.memory_space<vmem>>
      tpu.enqueue_dma source(%dma_start3A_108 : memref<16384xf32, #tpu.memory_space<vmem>>) target(%dma_start3A_106 : memref<16384xf32, #tpu.memory_space<hbm>>) target_semaphore(%arg10 : memref<!tpu.dma_semaphore, #tpu.memory_space<semaphore_mem>>)
      %add3A_109 = arith.constant 8388608 : i32
      %add3A_110 = arith.addi %add3A_109, %mul3A_102 : i32
      %dma_start3A_111 = arith.constant 16384 : i32
      %dma_start3A_112 = tpu.memref_slice %arg8[%dma_start3A_111] : memref<32768xf32, #tpu.memory_space<vmem>> -> memref<16384xf32, #tpu.memory_space<vmem>>
      %dma_start3A_113 = tpu.memref_slice %arg4[%add3A_110] : memref<16777216xf32, #tpu.memory_space<hbm>> -> memref<16384xf32, #tpu.memory_space<hbm>>
      %dma_start3A_114 = tpu.memref_slice %arg4[%add3A_110] : memref<16777216xf32, #tpu.memory_space<hbm>> -> memref<16384xf32, #tpu.memory_space<hbm>>
      %dma_start3A_115 = arith.constant 16384 : i32
      %dma_start3A_116 = tpu.memref_slice %arg8[%dma_start3A_115] : memref<32768xf32, #tpu.memory_space<vmem>> -> memref<16384xf32, #tpu.memory_space<vmem>>
      tpu.enqueue_dma source(%dma_start3A_116 : memref<16384xf32, #tpu.memory_space<vmem>>) target(%dma_start3A_114 : memref<16384xf32, #tpu.memory_space<hbm>>) target_semaphore(%arg10 : memref<!tpu.dma_semaphore, #tpu.memory_space<semaphore_mem>>)
      %mul3A_117 = arith.constant 2 : i32
      %mul3A_118 = arith.muli %mul3A_117, %scan3A_76 : i32
      %add3A_119 = arith.constant 1 : i32
      %add3A_120 = arith.addi %mul3A_118, %add3A_119 : i32
      %mul3A_121 = arith.constant 2048 : i32
      %mul3A_122 = arith.muli %add3A_120, %mul3A_121 : i32
      %add3A_123 = arith.addi %mul3A_2, %mul3A_122 : i32
      %dma_wait3A_124 = tpu.memref_slice %arg2[%add3A_123] : memref<1048576xf32, #tpu.memory_space<hbm>> -> memref<2048xf32, #tpu.memory_space<hbm>>
      %dma_wait3A_125 = tpu.memref_slice %arg2[%add3A_123] : memref<1048576xf32, #tpu.memory_space<hbm>> -> memref<2048xf32, #tpu.memory_space<hbm>>
      tpu.wait_dma2 semaphore(%arg13 : memref<!tpu.dma_semaphore, #tpu.memory_space<semaphore_mem>>) src(%dma_wait3A_125 : memref<2048xf32, #tpu.memory_space<hbm>>) dst(%arg7 : memref<2048xf32, #tpu.memory_space<vmem>>)
      %add3A_126 = arith.constant 1 : i32
      %add3A_127 = arith.addi %add3A_120, %add3A_126 : i32
      %lt3A_128 = arith.constant 16 : i32
      %lt3A_129 = arith.cmpi slt, %add3A_127, %lt3A_128 : i32
      %convert_element_type3A_130 = arith.extui %lt3A_129 : i1 to i32
      %cond3A_131 = arith.constant 0 : i32
      %cond3A_132 = arith.cmpi ne, %convert_element_type3A_130, %cond3A_131 : i32
      scf.if %cond3A_132 {
        %add3A_163 = arith.constant 1 : i32
        %add3A_164 = arith.addi %add3A_120, %add3A_163 : i32
        %mul3A_165 = arith.constant 2048 : i32
        %mul3A_166 = arith.muli %add3A_164, %mul3A_165 : i32
        %add3A_167 = arith.addi %mul3A_2, %mul3A_166 : i32
        %dma_start3A_168 = tpu.memref_slice %arg2[%add3A_167] : memref<1048576xf32, #tpu.memory_space<hbm>> -> memref<2048xf32, #tpu.memory_space<hbm>>
        %dma_start3A_169 = tpu.memref_slice %arg2[%add3A_167] : memref<1048576xf32, #tpu.memory_space<hbm>> -> memref<2048xf32, #tpu.memory_space<hbm>>
        tpu.enqueue_dma source(%dma_start3A_169 : memref<2048xf32, #tpu.memory_space<hbm>>) target(%arg6 : memref<2048xf32, #tpu.memory_space<vmem>>) target_semaphore(%arg12 : memref<!tpu.dma_semaphore, #tpu.memory_space<semaphore_mem>>)
      } else {
      }
      %ge3A_133 = arith.constant 2 : i32
      %ge3A_134 = arith.cmpi sge, %add3A_120, %ge3A_133 : i32
      %convert_element_type3A_135 = arith.extui %ge3A_134 : i1 to i32
      %cond3A_136 = arith.constant 0 : i32
      %cond3A_137 = arith.cmpi ne, %convert_element_type3A_135, %cond3A_136 : i32
      scf.if %cond3A_137 {
        %sub3A = arith.constant 2 : i32
        %sub3A_163 = arith.subi %add3A_120, %sub3A : i32
        %mul3A_164 = arith.constant 2048 : i32
        %mul3A_165 = arith.muli %sub3A_163, %mul3A_164 : i32
        %add3A_166 = arith.addi %mul3A_2, %mul3A_165 : i32
        %mul3A_167 = arith.constant 8 : i32
        %mul3A_168 = arith.muli %add3A_166, %mul3A_167 : i32
        %dma_wait3A_169 = arith.constant 0 : i32
        %dma_wait3A_170 = tpu.memref_slice %arg9[%dma_wait3A_169] : memref<32768xf32, #tpu.memory_space<vmem>> -> memref<16384xf32, #tpu.memory_space<vmem>>
        %dma_wait3A_171 = tpu.memref_slice %arg4[%mul3A_168] : memref<16777216xf32, #tpu.memory_space<hbm>> -> memref<16384xf32, #tpu.memory_space<hbm>>
        %dma_wait3A_172 = tpu.memref_slice %arg4[%mul3A_168] : memref<16777216xf32, #tpu.memory_space<hbm>> -> memref<16384xf32, #tpu.memory_space<hbm>>
        %dma_wait3A_173 = arith.constant 0 : i32
        %dma_wait3A_174 = tpu.memref_slice %arg9[%dma_wait3A_173] : memref<32768xf32, #tpu.memory_space<vmem>> -> memref<16384xf32, #tpu.memory_space<vmem>>
        tpu.wait_dma2 semaphore(%arg11 : memref<!tpu.dma_semaphore, #tpu.memory_space<semaphore_mem>>) src(%dma_wait3A_174 : memref<16384xf32, #tpu.memory_space<vmem>>) dst(%dma_wait3A_172 : memref<16384xf32, #tpu.memory_space<hbm>>)
        %add3A_175 = arith.constant 8388608 : i32
        %add3A_176 = arith.addi %add3A_175, %mul3A_168 : i32
        %dma_wait3A_177 = arith.constant 16384 : i32
        %dma_wait3A_178 = tpu.memref_slice %arg9[%dma_wait3A_177] : memref<32768xf32, #tpu.memory_space<vmem>> -> memref<16384xf32, #tpu.memory_space<vmem>>
        %dma_wait3A_179 = tpu.memref_slice %arg4[%add3A_176] : memref<16777216xf32, #tpu.memory_space<hbm>> -> memref<16384xf32, #tpu.memory_space<hbm>>
        %dma_wait3A_180 = tpu.memref_slice %arg4[%add3A_176] : memref<16777216xf32, #tpu.memory_space<hbm>> -> memref<16384xf32, #tpu.memory_space<hbm>>
        %dma_wait3A_181 = arith.constant 16384 : i32
        %dma_wait3A_182 = tpu.memref_slice %arg9[%dma_wait3A_181] : memref<32768xf32, #tpu.memory_space<vmem>> -> memref<16384xf32, #tpu.memory_space<vmem>>
        tpu.wait_dma2 semaphore(%arg11 : memref<!tpu.dma_semaphore, #tpu.memory_space<semaphore_mem>>) src(%dma_wait3A_182 : memref<16384xf32, #tpu.memory_space<vmem>>) dst(%dma_wait3A_180 : memref<16384xf32, #tpu.memory_space<hbm>>)
      } else {
      }
      %scan3A_138 = arith.constant 0 : i32
      %scan3A_139 = arith.constant 0 : i32
      %scan3A_140 = arith.constant 32 : i32
      %scan3A_141 = arith.addi %scan3A_139, %scan3A_140 : i32
      %scan3A_142 = arith.constant 1 : i32
      scf.for %scan3A_163 = %scan3A_139 to %scan3A_141 step %scan3A_142  : i32 {
        %mul3A_164 = arith.constant 4 : i32
        %mul3A_165 = arith.muli %scan3A_163, %mul3A_164 : i32
        %add3A_166 = arith.constant 0 : i32
        %add3A_167 = arith.addi %mul3A_165, %add3A_166 : i32
        %mul3A_168 = arith.constant 16 : i32
        %mul3A_169 = arith.muli %add3A_167, %mul3A_168 : i32
        %get3A_170 = arith.index_cast %mul3A_169 : i32 to index
        %get3A_171 = tpu.vector_load %arg7[%get3A_170] {strides = array<i32>} : memref<2048xf32, #tpu.memory_space<vmem>>, vector<16xf32>,
        %lt3A_172 = arith.cmpf olt, %get3A_4, %get3A_171 : vector<16xf32>
        %jit3A = arith.constant 1.000000e+00 : f32
        %jit3A_173 = arith.constant 0.000000e+00 : f32
        %broadcast_in_dim3A_174 = vector.broadcast %jit3A : f32 to vector<16xf32>
        %broadcast_in_dim3A_175 = vector.broadcast %jit3A_173 : f32 to vector<16xf32>
        %select_n3A = arith.select %lt3A_172, %broadcast_in_dim3A_174, %broadcast_in_dim3A_175 : vector<16xi1>, vector<16xf32>
        %lt3A_176 = arith.cmpf olt, %get3A_6, %get3A_171 : vector<16xf32>
        %jit3A_177 = arith.constant 1.000000e+00 : f32
        %jit3A_178 = arith.constant 0.000000e+00 : f32
        %broadcast_in_dim3A_179 = vector.broadcast %jit3A_177 : f32 to vector<16xf32>
        %broadcast_in_dim3A_180 = vector.broadcast %jit3A_178 : f32 to vector<16xf32>
        %select_n3A_181 = arith.select %lt3A_176, %broadcast_in_dim3A_179, %broadcast_in_dim3A_180 : vector<16xi1>, vector<16xf32>
        %lt3A_182 = arith.cmpf olt, %get3A_8, %get3A_171 : vector<16xf32>
        %jit3A_183 = arith.constant 1.000000e+00 : f32
        %jit3A_184 = arith.constant 0.000000e+00 : f32
        %broadcast_in_dim3A_185 = vector.broadcast %jit3A_183 : f32 to vector<16xf32>
        %broadcast_in_dim3A_186 = vector.broadcast %jit3A_184 : f32 to vector<16xf32>
        %select_n3A_187 = arith.select %lt3A_182, %broadcast_in_dim3A_185, %broadcast_in_dim3A_186 : vector<16xi1>, vector<16xf32>
        %lt3A_188 = arith.cmpf olt, %get3A_10, %get3A_171 : vector<16xf32>
        %jit3A_189 = arith.constant 1.000000e+00 : f32
        %jit3A_190 = arith.constant 0.000000e+00 : f32
        %broadcast_in_dim3A_191 = vector.broadcast %jit3A_189 : f32 to vector<16xf32>
        %broadcast_in_dim3A_192 = vector.broadcast %jit3A_190 : f32 to vector<16xf32>
        %select_n3A_193 = arith.select %lt3A_188, %broadcast_in_dim3A_191, %broadcast_in_dim3A_192 : vector<16xi1>, vector<16xf32>
        %lt3A_194 = arith.cmpf olt, %get3A_12, %get3A_171 : vector<16xf32>
        %jit3A_195 = arith.constant 1.000000e+00 : f32
        %jit3A_196 = arith.constant 0.000000e+00 : f32
        %broadcast_in_dim3A_197 = vector.broadcast %jit3A_195 : f32 to vector<16xf32>
        %broadcast_in_dim3A_198 = vector.broadcast %jit3A_196 : f32 to vector<16xf32>
        %select_n3A_199 = arith.select %lt3A_194, %broadcast_in_dim3A_197, %broadcast_in_dim3A_198 : vector<16xi1>, vector<16xf32>
        %lt3A_200 = arith.cmpf olt, %get3A_14, %get3A_171 : vector<16xf32>
        %jit3A_201 = arith.constant 1.000000e+00 : f32
        %jit3A_202 = arith.constant 0.000000e+00 : f32
        %broadcast_in_dim3A_203 = vector.broadcast %jit3A_201 : f32 to vector<16xf32>
        %broadcast_in_dim3A_204 = vector.broadcast %jit3A_202 : f32 to vector<16xf32>
        %select_n3A_205 = arith.select %lt3A_200, %broadcast_in_dim3A_203, %broadcast_in_dim3A_204 : vector<16xi1>, vector<16xf32>
        %lt3A_206 = arith.cmpf olt, %get3A_16, %get3A_171 : vector<16xf32>
        %jit3A_207 = arith.constant 1.000000e+00 : f32
        %jit3A_208 = arith.constant 0.000000e+00 : f32
        %broadcast_in_dim3A_209 = vector.broadcast %jit3A_207 : f32 to vector<16xf32>
        %broadcast_in_dim3A_210 = vector.broadcast %jit3A_208 : f32 to vector<16xf32>
        %select_n3A_211 = arith.select %lt3A_206, %broadcast_in_dim3A_209, %broadcast_in_dim3A_210 : vector<16xi1>, vector<16xf32>
        %lt3A_212 = arith.cmpf olt, %get3A_18, %get3A_171 : vector<16xf32>
        %jit3A_213 = arith.constant 1.000000e+00 : f32
        %jit3A_214 = arith.constant 0.000000e+00 : f32
        %broadcast_in_dim3A_215 = vector.broadcast %jit3A_213 : f32 to vector<16xf32>
        %broadcast_in_dim3A_216 = vector.broadcast %jit3A_214 : f32 to vector<16xf32>
        %select_n3A_217 = arith.select %lt3A_212, %broadcast_in_dim3A_215, %broadcast_in_dim3A_216 : vector<16xi1>, vector<16xf32>
        %lt3A_218 = arith.cmpf olt, %get3A_20, %get3A_171 : vector<16xf32>
        %jit3A_219 = arith.constant 1.000000e+00 : f32
        %jit3A_220 = arith.constant 0.000000e+00 : f32
        %broadcast_in_dim3A_221 = vector.broadcast %jit3A_219 : f32 to vector<16xf32>
        %broadcast_in_dim3A_222 = vector.broadcast %jit3A_220 : f32 to vector<16xf32>
        %select_n3A_223 = arith.select %lt3A_218, %broadcast_in_dim3A_221, %broadcast_in_dim3A_222 : vector<16xi1>, vector<16xf32>
        %lt3A_224 = arith.cmpf olt, %get3A_22, %get3A_171 : vector<16xf32>
        %jit3A_225 = arith.constant 1.000000e+00 : f32
        %jit3A_226 = arith.constant 0.000000e+00 : f32
        %broadcast_in_dim3A_227 = vector.broadcast %jit3A_225 : f32 to vector<16xf32>
        %broadcast_in_dim3A_228 = vector.broadcast %jit3A_226 : f32 to vector<16xf32>
        %select_n3A_229 = arith.select %lt3A_224, %broadcast_in_dim3A_227, %broadcast_in_dim3A_228 : vector<16xi1>, vector<16xf32>
        %lt3A_230 = arith.cmpf olt, %get3A_24, %get3A_171 : vector<16xf32>
        %jit3A_231 = arith.constant 1.000000e+00 : f32
        %jit3A_232 = arith.constant 0.000000e+00 : f32
        %broadcast_in_dim3A_233 = vector.broadcast %jit3A_231 : f32 to vector<16xf32>
        %broadcast_in_dim3A_234 = vector.broadcast %jit3A_232 : f32 to vector<16xf32>
        %select_n3A_235 = arith.select %lt3A_230, %broadcast_in_dim3A_233, %broadcast_in_dim3A_234 : vector<16xi1>, vector<16xf32>
        %lt3A_236 = arith.cmpf olt, %get3A_26, %get3A_171 : vector<16xf32>
        %jit3A_237 = arith.constant 1.000000e+00 : f32
        %jit3A_238 = arith.constant 0.000000e+00 : f32
        %broadcast_in_dim3A_239 = vector.broadcast %jit3A_237 : f32 to vector<16xf32>
        %broadcast_in_dim3A_240 = vector.broadcast %jit3A_238 : f32 to vector<16xf32>
        %select_n3A_241 = arith.select %lt3A_236, %broadcast_in_dim3A_239, %broadcast_in_dim3A_240 : vector<16xi1>, vector<16xf32>
        %lt3A_242 = arith.cmpf olt, %get3A_28, %get3A_171 : vector<16xf32>
        %jit3A_243 = arith.constant 1.000000e+00 : f32
        %jit3A_244 = arith.constant 0.000000e+00 : f32
        %broadcast_in_dim3A_245 = vector.broadcast %jit3A_243 : f32 to vector<16xf32>
        %broadcast_in_dim3A_246 = vector.broadcast %jit3A_244 : f32 to vector<16xf32>
        %select_n3A_247 = arith.select %lt3A_242, %broadcast_in_dim3A_245, %broadcast_in_dim3A_246 : vector<16xi1>, vector<16xf32>
        %lt3A_248 = arith.cmpf olt, %get3A_30, %get3A_171 : vector<16xf32>
        %jit3A_249 = arith.constant 1.000000e+00 : f32
        %jit3A_250 = arith.constant 0.000000e+00 : f32
        %broadcast_in_dim3A_251 = vector.broadcast %jit3A_249 : f32 to vector<16xf32>
        %broadcast_in_dim3A_252 = vector.broadcast %jit3A_250 : f32 to vector<16xf32>
        %select_n3A_253 = arith.select %lt3A_248, %broadcast_in_dim3A_251, %broadcast_in_dim3A_252 : vector<16xi1>, vector<16xf32>
        %lt3A_254 = arith.cmpf olt, %get3A_32, %get3A_171 : vector<16xf32>
        %jit3A_255 = arith.constant 1.000000e+00 : f32
        %jit3A_256 = arith.constant 0.000000e+00 : f32
        %broadcast_in_dim3A_257 = vector.broadcast %jit3A_255 : f32 to vector<16xf32>
        %broadcast_in_dim3A_258 = vector.broadcast %jit3A_256 : f32 to vector<16xf32>
        %select_n3A_259 = arith.select %lt3A_254, %broadcast_in_dim3A_257, %broadcast_in_dim3A_258 : vector<16xi1>, vector<16xf32>
        %sub3A = arith.subf %broadcast_in_dim3A_3, %select_n3A : vector<16xf32>
        %sub3A_260 = arith.subf %select_n3A, %select_n3A_181 : vector<16xf32>
        %sub3A_261 = arith.subf %select_n3A_181, %select_n3A_187 : vector<16xf32>
        %sub3A_262 = arith.subf %select_n3A_187, %select_n3A_193 : vector<16xf32>
        %sub3A_263 = arith.subf %select_n3A_193, %select_n3A_199 : vector<16xf32>
        %sub3A_264 = arith.subf %select_n3A_199, %select_n3A_205 : vector<16xf32>
        %sub3A_265 = arith.subf %select_n3A_205, %select_n3A_211 : vector<16xf32>
        %sub3A_266 = arith.subf %select_n3A_211, %select_n3A_217 : vector<16xf32>
        %sub3A_267 = arith.subf %select_n3A_217, %select_n3A_223 : vector<16xf32>
        %sub3A_268 = arith.subf %select_n3A_223, %select_n3A_229 : vector<16xf32>
        %sub3A_269 = arith.subf %select_n3A_229, %select_n3A_235 : vector<16xf32>
        %sub3A_270 = arith.subf %select_n3A_235, %select_n3A_241 : vector<16xf32>
        %sub3A_271 = arith.subf %select_n3A_241, %select_n3A_247 : vector<16xf32>
        %sub3A_272 = arith.subf %select_n3A_247, %select_n3A_253 : vector<16xf32>
        %sub3A_273 = arith.subf %select_n3A_253, %select_n3A_259 : vector<16xf32>
        %jit3A_274 = arith.constant 8 : i32
        %div3A = arith.divsi %add3A_167, %jit3A_274 : i32
        %sign3A = arith.constant 0 : i32
        %sign3A_275 = arith.cmpi sgt, %add3A_167, %sign3A : i32
        %sign3A_276 = arith.extui %sign3A_275 : i1 to i32
        %sign3A_277 = arith.constant 0 : i32
        %sign3A_278 = arith.cmpi slt, %add3A_167, %sign3A_277 : i32
        %sign3A_279 = arith.extui %sign3A_278 : i1 to i32
        %sign3A_280 = arith.subi %sign3A_276, %sign3A_279 : i32
        %sign3A_281 = arith.constant 0 : i32
        %sign3A_282 = arith.cmpi sgt, %jit3A_274, %sign3A_281 : i32
        %sign3A_283 = arith.extui %sign3A_282 : i1 to i32
        %sign3A_284 = arith.constant 0 : i32
        %sign3A_285 = arith.cmpi slt, %jit3A_274, %sign3A_284 : i32
        %sign3A_286 = arith.extui %sign3A_285 : i1 to i32
        %sign3A_287 = arith.subi %sign3A_283, %sign3A_286 : i32
        %ne3A = arith.cmpi ne, %sign3A_280, %sign3A_287 : i32
        %rem3A = arith.remsi %add3A_167, %jit3A_274 : i32
        %ne3A_288 = arith.constant 0 : i32
        %ne3A_289 = arith.cmpi ne, %rem3A, %ne3A_288 : i32
        %and3A = arith.andi %ne3A, %ne3A_289 : i1
        %sub3A_290 = arith.constant 1 : i32
        %sub3A_291 = arith.subi %div3A, %sub3A_290 : i32
        %select_n3A_292 = arith.select %and3A, %sub3A_291, %div3A : i32
        %mul3A_293 = arith.constant 1024 : i32
        %mul3A_294 = arith.muli %select_n3A_292, %mul3A_293 : i32
        %jit3A_295 = arith.constant 8 : i32
        %eq3A = arith.constant 0 : i32
        %eq3A_296 = arith.cmpi eq, %jit3A_295, %eq3A : i32
        %jit3A_297 = arith.constant 1 : i32
        %select_n3A_298 = arith.select %eq3A_296, %jit3A_297, %jit3A_295 : i32
        %rem3A_299 = arith.remsi %add3A_167, %select_n3A_298 : i32
        %ne3A_300 = arith.constant 0 : i32
        %ne3A_301 = arith.cmpi ne, %rem3A_299, %ne3A_300 : i32
        %lt3A_302 = arith.constant 0 : i32
        %lt3A_303 = arith.cmpi slt, %rem3A_299, %lt3A_302 : i32
        %lt3A_304 = arith.constant 0 : i32
        %lt3A_305 = arith.cmpi slt, %select_n3A_298, %lt3A_304 : i32
        %ne3A_306 = arith.xori %lt3A_303, %lt3A_305 : i1
        %and3A_307 = arith.andi %ne3A_306, %ne3A_301 : i1
        %add3A_308 = arith.addi %rem3A_299, %select_n3A_298 : i32
        %select_n3A_309 = arith.select %and3A_307, %add3A_308, %rem3A_299 : i32
        %mul3A_310 = arith.constant 16 : i32
        %mul3A_311 = arith.muli %select_n3A_309, %mul3A_310 : i32
        %add3A_312 = arith.addi %mul3A_294, %mul3A_311 : i32
        %add3A_313 = arith.constant 0 : i32
        %add3A_314 = arith.addi %add3A_313, %add3A_312 : i32
        %swap3A = arith.index_cast %add3A_314 : i32 to index
        %swap3A_315 = tpu.vector_load %arg9[%swap3A] {strides = array<i32>} : memref<32768xf32, #tpu.memory_space<vmem>>, vector<16xf32>,
        tpu.vector_store %arg9[%swap3A], %sub3A {strides = array<i32>} : memref<32768xf32, #tpu.memory_space<vmem>>, vector<16xf32>,
        %add3A_316 = arith.constant 128 : i32
        %add3A_317 = arith.addi %add3A_316, %add3A_312 : i32
        %swap3A_318 = arith.index_cast %add3A_317 : i32 to index
        %swap3A_319 = tpu.vector_load %arg9[%swap3A_318] {strides = array<i32>} : memref<32768xf32, #tpu.memory_space<vmem>>, vector<16xf32>,
        tpu.vector_store %arg9[%swap3A_318], %sub3A_260 {strides = array<i32>} : memref<32768xf32, #tpu.memory_space<vmem>>, vector<16xf32>,
        %add3A_320 = arith.constant 256 : i32
        %add3A_321 = arith.addi %add3A_320, %add3A_312 : i32
        %swap3A_322 = arith.index_cast %add3A_321 : i32 to index
        %swap3A_323 = tpu.vector_load %arg9[%swap3A_322] {strides = array<i32>} : memref<32768xf32, #tpu.memory_space<vmem>>, vector<16xf32>,
        tpu.vector_store %arg9[%swap3A_322], %sub3A_261 {strides = array<i32>} : memref<32768xf32, #tpu.memory_space<vmem>>, vector<16xf32>,
        %add3A_324 = arith.constant 384 : i32
        %add3A_325 = arith.addi %add3A_324, %add3A_312 : i32
        %swap3A_326 = arith.index_cast %add3A_325 : i32 to index
        %swap3A_327 = tpu.vector_load %arg9[%swap3A_326] {strides = array<i32>} : memref<32768xf32, #tpu.memory_space<vmem>>, vector<16xf32>,
        tpu.vector_store %arg9[%swap3A_326], %sub3A_262 {strides = array<i32>} : memref<32768xf32, #tpu.memory_space<vmem>>, vector<16xf32>,
        %add3A_328 = arith.constant 512 : i32
        %add3A_329 = arith.addi %add3A_328, %add3A_312 : i32
        %swap3A_330 = arith.index_cast %add3A_329 : i32 to index
        %swap3A_331 = tpu.vector_load %arg9[%swap3A_330] {strides = array<i32>} : memref<32768xf32, #tpu.memory_space<vmem>>, vector<16xf32>,
        tpu.vector_store %arg9[%swap3A_330], %sub3A_263 {strides = array<i32>} : memref<32768xf32, #tpu.memory_space<vmem>>, vector<16xf32>,
        %add3A_332 = arith.constant 640 : i32
        %add3A_333 = arith.addi %add3A_332, %add3A_312 : i32
        %swap3A_334 = arith.index_cast %add3A_333 : i32 to index
        %swap3A_335 = tpu.vector_load %arg9[%swap3A_334] {strides = array<i32>} : memref<32768xf32, #tpu.memory_space<vmem>>, vector<16xf32>,
        tpu.vector_store %arg9[%swap3A_334], %sub3A_264 {strides = array<i32>} : memref<32768xf32, #tpu.memory_space<vmem>>, vector<16xf32>,
        %add3A_336 = arith.constant 768 : i32
        %add3A_337 = arith.addi %add3A_336, %add3A_312 : i32
        %swap3A_338 = arith.index_cast %add3A_337 : i32 to index
        %swap3A_339 = tpu.vector_load %arg9[%swap3A_338] {strides = array<i32>} : memref<32768xf32, #tpu.memory_space<vmem>>, vector<16xf32>,
        tpu.vector_store %arg9[%swap3A_338], %sub3A_265 {strides = array<i32>} : memref<32768xf32, #tpu.memory_space<vmem>>, vector<16xf32>,
        %add3A_340 = arith.constant 896 : i32
        %add3A_341 = arith.addi %add3A_340, %add3A_312 : i32
        %swap3A_342 = arith.index_cast %add3A_341 : i32 to index
        %swap3A_343 = tpu.vector_load %arg9[%swap3A_342] {strides = array<i32>} : memref<32768xf32, #tpu.memory_space<vmem>>, vector<16xf32>,
        tpu.vector_store %arg9[%swap3A_342], %sub3A_266 {strides = array<i32>} : memref<32768xf32, #tpu.memory_space<vmem>>, vector<16xf32>,
        %add3A_344 = arith.constant 16384 : i32
        %add3A_345 = arith.addi %add3A_344, %add3A_312 : i32
        %swap3A_346 = arith.index_cast %add3A_345 : i32 to index
        %swap3A_347 = tpu.vector_load %arg9[%swap3A_346] {strides = array<i32>} : memref<32768xf32, #tpu.memory_space<vmem>>, vector<16xf32>,
        tpu.vector_store %arg9[%swap3A_346], %sub3A_267 {strides = array<i32>} : memref<32768xf32, #tpu.memory_space<vmem>>, vector<16xf32>,
        %add3A_348 = arith.constant 16512 : i32
        %add3A_349 = arith.addi %add3A_348, %add3A_312 : i32
        %swap3A_350 = arith.index_cast %add3A_349 : i32 to index
        %swap3A_351 = tpu.vector_load %arg9[%swap3A_350] {strides = array<i32>} : memref<32768xf32, #tpu.memory_space<vmem>>, vector<16xf32>,
        tpu.vector_store %arg9[%swap3A_350], %sub3A_268 {strides = array<i32>} : memref<32768xf32, #tpu.memory_space<vmem>>, vector<16xf32>,
        %add3A_352 = arith.constant 16640 : i32
        %add3A_353 = arith.addi %add3A_352, %add3A_312 : i32
        %swap3A_354 = arith.index_cast %add3A_353 : i32 to index
        %swap3A_355 = tpu.vector_load %arg9[%swap3A_354] {strides = array<i32>} : memref<32768xf32, #tpu.memory_space<vmem>>, vector<16xf32>,
        tpu.vector_store %arg9[%swap3A_354], %sub3A_269 {strides = array<i32>} : memref<32768xf32, #tpu.memory_space<vmem>>, vector<16xf32>,
        %add3A_356 = arith.constant 16768 : i32
        %add3A_357 = arith.addi %add3A_356, %add3A_312 : i32
        %swap3A_358 = arith.index_cast %add3A_357 : i32 to index
        %swap3A_359 = tpu.vector_load %arg9[%swap3A_358] {strides = array<i32>} : memref<32768xf32, #tpu.memory_space<vmem>>, vector<16xf32>,
        tpu.vector_store %arg9[%swap3A_358], %sub3A_270 {strides = array<i32>} : memref<32768xf32, #tpu.memory_space<vmem>>, vector<16xf32>,
        %add3A_360 = arith.constant 16896 : i32
        %add3A_361 = arith.addi %add3A_360, %add3A_312 : i32
        %swap3A_362 = arith.index_cast %add3A_361 : i32 to index
        %swap3A_363 = tpu.vector_load %arg9[%swap3A_362] {strides = array<i32>} : memref<32768xf32, #tpu.memory_space<vmem>>, vector<16xf32>,
        tpu.vector_store %arg9[%swap3A_362], %sub3A_271 {strides = array<i32>} : memref<32768xf32, #tpu.memory_space<vmem>>, vector<16xf32>,
        %add3A_364 = arith.constant 17024 : i32
        %add3A_365 = arith.addi %add3A_364, %add3A_312 : i32
        %swap3A_366 = arith.index_cast %add3A_365 : i32 to index
        %swap3A_367 = tpu.vector_load %arg9[%swap3A_366] {strides = array<i32>} : memref<32768xf32, #tpu.memory_space<vmem>>, vector<16xf32>,
        tpu.vector_store %arg9[%swap3A_366], %sub3A_272 {strides = array<i32>} : memref<32768xf32, #tpu.memory_space<vmem>>, vector<16xf32>,
        %add3A_368 = arith.constant 17152 : i32
        %add3A_369 = arith.addi %add3A_368, %add3A_312 : i32
        %swap3A_370 = arith.index_cast %add3A_369 : i32 to index
        %swap3A_371 = tpu.vector_load %arg9[%swap3A_370] {strides = array<i32>} : memref<32768xf32, #tpu.memory_space<vmem>>, vector<16xf32>,
        tpu.vector_store %arg9[%swap3A_370], %sub3A_273 {strides = array<i32>} : memref<32768xf32, #tpu.memory_space<vmem>>, vector<16xf32>,
        %add3A_372 = arith.constant 17280 : i32
        %add3A_373 = arith.addi %add3A_372, %add3A_312 : i32
        %swap3A_374 = arith.index_cast %add3A_373 : i32 to index
        %swap3A_375 = tpu.vector_load %arg9[%swap3A_374] {strides = array<i32>} : memref<32768xf32, #tpu.memory_space<vmem>>, vector<16xf32>,
        tpu.vector_store %arg9[%swap3A_374], %select_n3A_259 {strides = array<i32>} : memref<32768xf32, #tpu.memory_space<vmem>>, vector<16xf32>,
        %mul3A_376 = arith.constant 4 : i32
        %mul3A_377 = arith.muli %scan3A_163, %mul3A_376 : i32
        %add3A_378 = arith.constant 1 : i32
        %add3A_379 = arith.addi %mul3A_377, %add3A_378 : i32
        %mul3A_380 = arith.constant 16 : i32
        %mul3A_381 = arith.muli %add3A_379, %mul3A_380 : i32
        %get3A_382 = arith.index_cast %mul3A_381 : i32 to index
        %get3A_383 = tpu.vector_load %arg7[%get3A_382] {strides = array<i32>} : memref<2048xf32, #tpu.memory_space<vmem>>, vector<16xf32>,
        %lt3A_384 = arith.cmpf olt, %get3A_4, %get3A_383 : vector<16xf32>
        %jit3A_385 = arith.constant 1.000000e+00 : f32
        %jit3A_386 = arith.constant 0.000000e+00 : f32
        %broadcast_in_dim3A_387 = vector.broadcast %jit3A_385 : f32 to vector<16xf32>
        %broadcast_in_dim3A_388 = vector.broadcast %jit3A_386 : f32 to vector<16xf32>
        %select_n3A_389 = arith.select %lt3A_384, %broadcast_in_dim3A_387, %broadcast_in_dim3A_388 : vector<16xi1>, vector<16xf32>
        %lt3A_390 = arith.cmpf olt, %get3A_6, %get3A_383 : vector<16xf32>
        %jit3A_391 = arith.constant 1.000000e+00 : f32
        %jit3A_392 = arith.constant 0.000000e+00 : f32
        %broadcast_in_dim3A_393 = vector.broadcast %jit3A_391 : f32 to vector<16xf32>
        %broadcast_in_dim3A_394 = vector.broadcast %jit3A_392 : f32 to vector<16xf32>
        %select_n3A_395 = arith.select %lt3A_390, %broadcast_in_dim3A_393, %broadcast_in_dim3A_394 : vector<16xi1>, vector<16xf32>
        %lt3A_396 = arith.cmpf olt, %get3A_8, %get3A_383 : vector<16xf32>
        %jit3A_397 = arith.constant 1.000000e+00 : f32
        %jit3A_398 = arith.constant 0.000000e+00 : f32
        %broadcast_in_dim3A_399 = vector.broadcast %jit3A_397 : f32 to vector<16xf32>
        %broadcast_in_dim3A_400 = vector.broadcast %jit3A_398 : f32 to vector<16xf32>
        %select_n3A_401 = arith.select %lt3A_396, %broadcast_in_dim3A_399, %broadcast_in_dim3A_400 : vector<16xi1>, vector<16xf32>
        %lt3A_402 = arith.cmpf olt, %get3A_10, %get3A_383 : vector<16xf32>
        %jit3A_403 = arith.constant 1.000000e+00 : f32
        %jit3A_404 = arith.constant 0.000000e+00 : f32
        %broadcast_in_dim3A_405 = vector.broadcast %jit3A_403 : f32 to vector<16xf32>
        %broadcast_in_dim3A_406 = vector.broadcast %jit3A_404 : f32 to vector<16xf32>
        %select_n3A_407 = arith.select %lt3A_402, %broadcast_in_dim3A_405, %broadcast_in_dim3A_406 : vector<16xi1>, vector<16xf32>
        %lt3A_408 = arith.cmpf olt, %get3A_12, %get3A_383 : vector<16xf32>
        %jit3A_409 = arith.constant 1.000000e+00 : f32
        %jit3A_410 = arith.constant 0.000000e+00 : f32
        %broadcast_in_dim3A_411 = vector.broadcast %jit3A_409 : f32 to vector<16xf32>
        %broadcast_in_dim3A_412 = vector.broadcast %jit3A_410 : f32 to vector<16xf32>
        %select_n3A_413 = arith.select %lt3A_408, %broadcast_in_dim3A_411, %broadcast_in_dim3A_412 : vector<16xi1>, vector<16xf32>
        %lt3A_414 = arith.cmpf olt, %get3A_14, %get3A_383 : vector<16xf32>
        %jit3A_415 = arith.constant 1.000000e+00 : f32
        %jit3A_416 = arith.constant 0.000000e+00 : f32
        %broadcast_in_dim3A_417 = vector.broadcast %jit3A_415 : f32 to vector<16xf32>
        %broadcast_in_dim3A_418 = vector.broadcast %jit3A_416 : f32 to vector<16xf32>
        %select_n3A_419 = arith.select %lt3A_414, %broadcast_in_dim3A_417, %broadcast_in_dim3A_418 : vector<16xi1>, vector<16xf32>
        %lt3A_420 = arith.cmpf olt, %get3A_16, %get3A_383 : vector<16xf32>
        %jit3A_421 = arith.constant 1.000000e+00 : f32
        %jit3A_422 = arith.constant 0.000000e+00 : f32
        %broadcast_in_dim3A_423 = vector.broadcast %jit3A_421 : f32 to vector<16xf32>
        %broadcast_in_dim3A_424 = vector.broadcast %jit3A_422 : f32 to vector<16xf32>
        %select_n3A_425 = arith.select %lt3A_420, %broadcast_in_dim3A_423, %broadcast_in_dim3A_424 : vector<16xi1>, vector<16xf32>
        %lt3A_426 = arith.cmpf olt, %get3A_18, %get3A_383 : vector<16xf32>
        %jit3A_427 = arith.constant 1.000000e+00 : f32
        %jit3A_428 = arith.constant 0.000000e+00 : f32
        %broadcast_in_dim3A_429 = vector.broadcast %jit3A_427 : f32 to vector<16xf32>
        %broadcast_in_dim3A_430 = vector.broadcast %jit3A_428 : f32 to vector<16xf32>
        %select_n3A_431 = arith.select %lt3A_426, %broadcast_in_dim3A_429, %broadcast_in_dim3A_430 : vector<16xi1>, vector<16xf32>
        %lt3A_432 = arith.cmpf olt, %get3A_20, %get3A_383 : vector<16xf32>
        %jit3A_433 = arith.constant 1.000000e+00 : f32
        %jit3A_434 = arith.constant 0.000000e+00 : f32
        %broadcast_in_dim3A_435 = vector.broadcast %jit3A_433 : f32 to vector<16xf32>
        %broadcast_in_dim3A_436 = vector.broadcast %jit3A_434 : f32 to vector<16xf32>
        %select_n3A_437 = arith.select %lt3A_432, %broadcast_in_dim3A_435, %broadcast_in_dim3A_436 : vector<16xi1>, vector<16xf32>
        %lt3A_438 = arith.cmpf olt, %get3A_22, %get3A_383 : vector<16xf32>
        %jit3A_439 = arith.constant 1.000000e+00 : f32
        %jit3A_440 = arith.constant 0.000000e+00 : f32
        %broadcast_in_dim3A_441 = vector.broadcast %jit3A_439 : f32 to vector<16xf32>
        %broadcast_in_dim3A_442 = vector.broadcast %jit3A_440 : f32 to vector<16xf32>
        %select_n3A_443 = arith.select %lt3A_438, %broadcast_in_dim3A_441, %broadcast_in_dim3A_442 : vector<16xi1>, vector<16xf32>
        %lt3A_444 = arith.cmpf olt, %get3A_24, %get3A_383 : vector<16xf32>
        %jit3A_445 = arith.constant 1.000000e+00 : f32
        %jit3A_446 = arith.constant 0.000000e+00 : f32
        %broadcast_in_dim3A_447 = vector.broadcast %jit3A_445 : f32 to vector<16xf32>
        %broadcast_in_dim3A_448 = vector.broadcast %jit3A_446 : f32 to vector<16xf32>
        %select_n3A_449 = arith.select %lt3A_444, %broadcast_in_dim3A_447, %broadcast_in_dim3A_448 : vector<16xi1>, vector<16xf32>
        %lt3A_450 = arith.cmpf olt, %get3A_26, %get3A_383 : vector<16xf32>
        %jit3A_451 = arith.constant 1.000000e+00 : f32
        %jit3A_452 = arith.constant 0.000000e+00 : f32
        %broadcast_in_dim3A_453 = vector.broadcast %jit3A_451 : f32 to vector<16xf32>
        %broadcast_in_dim3A_454 = vector.broadcast %jit3A_452 : f32 to vector<16xf32>
        %select_n3A_455 = arith.select %lt3A_450, %broadcast_in_dim3A_453, %broadcast_in_dim3A_454 : vector<16xi1>, vector<16xf32>
        %lt3A_456 = arith.cmpf olt, %get3A_28, %get3A_383 : vector<16xf32>
        %jit3A_457 = arith.constant 1.000000e+00 : f32
        %jit3A_458 = arith.constant 0.000000e+00 : f32
        %broadcast_in_dim3A_459 = vector.broadcast %jit3A_457 : f32 to vector<16xf32>
        %broadcast_in_dim3A_460 = vector.broadcast %jit3A_458 : f32 to vector<16xf32>
        %select_n3A_461 = arith.select %lt3A_456, %broadcast_in_dim3A_459, %broadcast_in_dim3A_460 : vector<16xi1>, vector<16xf32>
        %lt3A_462 = arith.cmpf olt, %get3A_30, %get3A_383 : vector<16xf32>
        %jit3A_463 = arith.constant 1.000000e+00 : f32
        %jit3A_464 = arith.constant 0.000000e+00 : f32
        %broadcast_in_dim3A_465 = vector.broadcast %jit3A_463 : f32 to vector<16xf32>
        %broadcast_in_dim3A_466 = vector.broadcast %jit3A_464 : f32 to vector<16xf32>
        %select_n3A_467 = arith.select %lt3A_462, %broadcast_in_dim3A_465, %broadcast_in_dim3A_466 : vector<16xi1>, vector<16xf32>
        %lt3A_468 = arith.cmpf olt, %get3A_32, %get3A_383 : vector<16xf32>
        %jit3A_469 = arith.constant 1.000000e+00 : f32
        %jit3A_470 = arith.constant 0.000000e+00 : f32
        %broadcast_in_dim3A_471 = vector.broadcast %jit3A_469 : f32 to vector<16xf32>
        %broadcast_in_dim3A_472 = vector.broadcast %jit3A_470 : f32 to vector<16xf32>
        %select_n3A_473 = arith.select %lt3A_468, %broadcast_in_dim3A_471, %broadcast_in_dim3A_472 : vector<16xi1>, vector<16xf32>
        %sub3A_474 = arith.subf %broadcast_in_dim3A_3, %select_n3A_389 : vector<16xf32>
        %sub3A_475 = arith.subf %select_n3A_389, %select_n3A_395 : vector<16xf32>
        %sub3A_476 = arith.subf %select_n3A_395, %select_n3A_401 : vector<16xf32>
        %sub3A_477 = arith.subf %select_n3A_401, %select_n3A_407 : vector<16xf32>
        %sub3A_478 = arith.subf %select_n3A_407, %select_n3A_413 : vector<16xf32>
        %sub3A_479 = arith.subf %select_n3A_413, %select_n3A_419 : vector<16xf32>
        %sub3A_480 = arith.subf %select_n3A_419, %select_n3A_425 : vector<16xf32>
        %sub3A_481 = arith.subf %select_n3A_425, %select_n3A_431 : vector<16xf32>
        %sub3A_482 = arith.subf %select_n3A_431, %select_n3A_437 : vector<16xf32>
        %sub3A_483 = arith.subf %select_n3A_437, %select_n3A_443 : vector<16xf32>
        %sub3A_484 = arith.subf %select_n3A_443, %select_n3A_449 : vector<16xf32>
        %sub3A_485 = arith.subf %select_n3A_449, %select_n3A_455 : vector<16xf32>
        %sub3A_486 = arith.subf %select_n3A_455, %select_n3A_461 : vector<16xf32>
        %sub3A_487 = arith.subf %select_n3A_461, %select_n3A_467 : vector<16xf32>
        %sub3A_488 = arith.subf %select_n3A_467, %select_n3A_473 : vector<16xf32>
        %jit3A_489 = arith.constant 8 : i32
        %div3A_490 = arith.divsi %add3A_379, %jit3A_489 : i32
        %sign3A_491 = arith.constant 0 : i32
        %sign3A_492 = arith.cmpi sgt, %add3A_379, %sign3A_491 : i32
        %sign3A_493 = arith.extui %sign3A_492 : i1 to i32
        %sign3A_494 = arith.constant 0 : i32
        %sign3A_495 = arith.cmpi slt, %add3A_379, %sign3A_494 : i32
        %sign3A_496 = arith.extui %sign3A_495 : i1 to i32
        %sign3A_497 = arith.subi %sign3A_493, %sign3A_496 : i32
        %sign3A_498 = arith.constant 0 : i32
        %sign3A_499 = arith.cmpi sgt, %jit3A_489, %sign3A_498 : i32
        %sign3A_500 = arith.extui %sign3A_499 : i1 to i32
        %sign3A_501 = arith.constant 0 : i32
        %sign3A_502 = arith.cmpi slt, %jit3A_489, %sign3A_501 : i32
        %sign3A_503 = arith.extui %sign3A_502 : i1 to i32
        %sign3A_504 = arith.subi %sign3A_500, %sign3A_503 : i32
        %ne3A_505 = arith.cmpi ne, %sign3A_497, %sign3A_504 : i32
        %rem3A_506 = arith.remsi %add3A_379, %jit3A_489 : i32
        %ne3A_507 = arith.constant 0 : i32
        %ne3A_508 = arith.cmpi ne, %rem3A_506, %ne3A_507 : i32
        %and3A_509 = arith.andi %ne3A_505, %ne3A_508 : i1
        %sub3A_510 = arith.constant 1 : i32
        %sub3A_511 = arith.subi %div3A_490, %sub3A_510 : i32
        %select_n3A_512 = arith.select %and3A_509, %sub3A_511, %div3A_490 : i32
        %mul3A_513 = arith.constant 1024 : i32
        %mul3A_514 = arith.muli %select_n3A_512, %mul3A_513 : i32
        %jit3A_515 = arith.constant 8 : i32
        %eq3A_516 = arith.constant 0 : i32
        %eq3A_517 = arith.cmpi eq, %jit3A_515, %eq3A_516 : i32
        %jit3A_518 = arith.constant 1 : i32
        %select_n3A_519 = arith.select %eq3A_517, %jit3A_518, %jit3A_515 : i32
        %rem3A_520 = arith.remsi %add3A_379, %select_n3A_519 : i32
        %ne3A_521 = arith.constant 0 : i32
        %ne3A_522 = arith.cmpi ne, %rem3A_520, %ne3A_521 : i32
        %lt3A_523 = arith.constant 0 : i32
        %lt3A_524 = arith.cmpi slt, %rem3A_520, %lt3A_523 : i32
        %lt3A_525 = arith.constant 0 : i32
        %lt3A_526 = arith.cmpi slt, %select_n3A_519, %lt3A_525 : i32
        %ne3A_527 = arith.xori %lt3A_524, %lt3A_526 : i1
        %and3A_528 = arith.andi %ne3A_527, %ne3A_522 : i1
        %add3A_529 = arith.addi %rem3A_520, %select_n3A_519 : i32
        %select_n3A_530 = arith.select %and3A_528, %add3A_529, %rem3A_520 : i32
        %mul3A_531 = arith.constant 16 : i32
        %mul3A_532 = arith.muli %select_n3A_530, %mul3A_531 : i32
        %add3A_533 = arith.addi %mul3A_514, %mul3A_532 : i32
        %add3A_534 = arith.constant 0 : i32
        %add3A_535 = arith.addi %add3A_534, %add3A_533 : i32
        %swap3A_536 = arith.index_cast %add3A_535 : i32 to index
        %swap3A_537 = tpu.vector_load %arg9[%swap3A_536] {strides = array<i32>} : memref<32768xf32, #tpu.memory_space<vmem>>, vector<16xf32>,
        tpu.vector_store %arg9[%swap3A_536], %sub3A_474 {strides = array<i32>} : memref<32768xf32, #tpu.memory_space<vmem>>, vector<16xf32>,
        %add3A_538 = arith.constant 128 : i32
        %add3A_539 = arith.addi %add3A_538, %add3A_533 : i32
        %swap3A_540 = arith.index_cast %add3A_539 : i32 to index
        %swap3A_541 = tpu.vector_load %arg9[%swap3A_540] {strides = array<i32>} : memref<32768xf32, #tpu.memory_space<vmem>>, vector<16xf32>,
        tpu.vector_store %arg9[%swap3A_540], %sub3A_475 {strides = array<i32>} : memref<32768xf32, #tpu.memory_space<vmem>>, vector<16xf32>,
        %add3A_542 = arith.constant 256 : i32
        %add3A_543 = arith.addi %add3A_542, %add3A_533 : i32
        %swap3A_544 = arith.index_cast %add3A_543 : i32 to index
        %swap3A_545 = tpu.vector_load %arg9[%swap3A_544] {strides = array<i32>} : memref<32768xf32, #tpu.memory_space<vmem>>, vector<16xf32>,
        tpu.vector_store %arg9[%swap3A_544], %sub3A_476 {strides = array<i32>} : memref<32768xf32, #tpu.memory_space<vmem>>, vector<16xf32>,
        %add3A_546 = arith.constant 384 : i32
        %add3A_547 = arith.addi %add3A_546, %add3A_533 : i32
        %swap3A_548 = arith.index_cast %add3A_547 : i32 to index
        %swap3A_549 = tpu.vector_load %arg9[%swap3A_548] {strides = array<i32>} : memref<32768xf32, #tpu.memory_space<vmem>>, vector<16xf32>,
        tpu.vector_store %arg9[%swap3A_548], %sub3A_477 {strides = array<i32>} : memref<32768xf32, #tpu.memory_space<vmem>>, vector<16xf32>,
        %add3A_550 = arith.constant 512 : i32
        %add3A_551 = arith.addi %add3A_550, %add3A_533 : i32
        %swap3A_552 = arith.index_cast %add3A_551 : i32 to index
        %swap3A_553 = tpu.vector_load %arg9[%swap3A_552] {strides = array<i32>} : memref<32768xf32, #tpu.memory_space<vmem>>, vector<16xf32>,
        tpu.vector_store %arg9[%swap3A_552], %sub3A_478 {strides = array<i32>} : memref<32768xf32, #tpu.memory_space<vmem>>, vector<16xf32>,
        %add3A_554 = arith.constant 640 : i32
        %add3A_555 = arith.addi %add3A_554, %add3A_533 : i32
        %swap3A_556 = arith.index_cast %add3A_555 : i32 to index
        %swap3A_557 = tpu.vector_load %arg9[%swap3A_556] {strides = array<i32>} : memref<32768xf32, #tpu.memory_space<vmem>>, vector<16xf32>,
        tpu.vector_store %arg9[%swap3A_556], %sub3A_479 {strides = array<i32>} : memref<32768xf32, #tpu.memory_space<vmem>>, vector<16xf32>,
        %add3A_558 = arith.constant 768 : i32
        %add3A_559 = arith.addi %add3A_558, %add3A_533 : i32
        %swap3A_560 = arith.index_cast %add3A_559 : i32 to index
        %swap3A_561 = tpu.vector_load %arg9[%swap3A_560] {strides = array<i32>} : memref<32768xf32, #tpu.memory_space<vmem>>, vector<16xf32>,
        tpu.vector_store %arg9[%swap3A_560], %sub3A_480 {strides = array<i32>} : memref<32768xf32, #tpu.memory_space<vmem>>, vector<16xf32>,
        %add3A_562 = arith.constant 896 : i32
        %add3A_563 = arith.addi %add3A_562, %add3A_533 : i32
        %swap3A_564 = arith.index_cast %add3A_563 : i32 to index
        %swap3A_565 = tpu.vector_load %arg9[%swap3A_564] {strides = array<i32>} : memref<32768xf32, #tpu.memory_space<vmem>>, vector<16xf32>,
        tpu.vector_store %arg9[%swap3A_564], %sub3A_481 {strides = array<i32>} : memref<32768xf32, #tpu.memory_space<vmem>>, vector<16xf32>,
        %add3A_566 = arith.constant 16384 : i32
        %add3A_567 = arith.addi %add3A_566, %add3A_533 : i32
        %swap3A_568 = arith.index_cast %add3A_567 : i32 to index
        %swap3A_569 = tpu.vector_load %arg9[%swap3A_568] {strides = array<i32>} : memref<32768xf32, #tpu.memory_space<vmem>>, vector<16xf32>,
        tpu.vector_store %arg9[%swap3A_568], %sub3A_482 {strides = array<i32>} : memref<32768xf32, #tpu.memory_space<vmem>>, vector<16xf32>,
        %add3A_570 = arith.constant 16512 : i32
        %add3A_571 = arith.addi %add3A_570, %add3A_533 : i32
        %swap3A_572 = arith.index_cast %add3A_571 : i32 to index
        %swap3A_573 = tpu.vector_load %arg9[%swap3A_572] {strides = array<i32>} : memref<32768xf32, #tpu.memory_space<vmem>>, vector<16xf32>,
        tpu.vector_store %arg9[%swap3A_572], %sub3A_483 {strides = array<i32>} : memref<32768xf32, #tpu.memory_space<vmem>>, vector<16xf32>,
        %add3A_574 = arith.constant 16640 : i32
        %add3A_575 = arith.addi %add3A_574, %add3A_533 : i32
        %swap3A_576 = arith.index_cast %add3A_575 : i32 to index
        %swap3A_577 = tpu.vector_load %arg9[%swap3A_576] {strides = array<i32>} : memref<32768xf32, #tpu.memory_space<vmem>>, vector<16xf32>,
        tpu.vector_store %arg9[%swap3A_576], %sub3A_484 {strides = array<i32>} : memref<32768xf32, #tpu.memory_space<vmem>>, vector<16xf32>,
        %add3A_578 = arith.constant 16768 : i32
        %add3A_579 = arith.addi %add3A_578, %add3A_533 : i32
        %swap3A_580 = arith.index_cast %add3A_579 : i32 to index
        %swap3A_581 = tpu.vector_load %arg9[%swap3A_580] {strides = array<i32>} : memref<32768xf32, #tpu.memory_space<vmem>>, vector<16xf32>,
        tpu.vector_store %arg9[%swap3A_580], %sub3A_485 {strides = array<i32>} : memref<32768xf32, #tpu.memory_space<vmem>>, vector<16xf32>,
        %add3A_582 = arith.constant 16896 : i32
        %add3A_583 = arith.addi %add3A_582, %add3A_533 : i32
        %swap3A_584 = arith.index_cast %add3A_583 : i32 to index
        %swap3A_585 = tpu.vector_load %arg9[%swap3A_584] {strides = array<i32>} : memref<32768xf32, #tpu.memory_space<vmem>>, vector<16xf32>,
        tpu.vector_store %arg9[%swap3A_584], %sub3A_486 {strides = array<i32>} : memref<32768xf32, #tpu.memory_space<vmem>>, vector<16xf32>,
        %add3A_586 = arith.constant 17024 : i32
        %add3A_587 = arith.addi %add3A_586, %add3A_533 : i32
        %swap3A_588 = arith.index_cast %add3A_587 : i32 to index
        %swap3A_589 = tpu.vector_load %arg9[%swap3A_588] {strides = array<i32>} : memref<32768xf32, #tpu.memory_space<vmem>>, vector<16xf32>,
        tpu.vector_store %arg9[%swap3A_588], %sub3A_487 {strides = array<i32>} : memref<32768xf32, #tpu.memory_space<vmem>>, vector<16xf32>,
        %add3A_590 = arith.constant 17152 : i32
        %add3A_591 = arith.addi %add3A_590, %add3A_533 : i32
        %swap3A_592 = arith.index_cast %add3A_591 : i32 to index
        %swap3A_593 = tpu.vector_load %arg9[%swap3A_592] {strides = array<i32>} : memref<32768xf32, #tpu.memory_space<vmem>>, vector<16xf32>,
        tpu.vector_store %arg9[%swap3A_592], %sub3A_488 {strides = array<i32>} : memref<32768xf32, #tpu.memory_space<vmem>>, vector<16xf32>,
        %add3A_594 = arith.constant 17280 : i32
        %add3A_595 = arith.addi %add3A_594, %add3A_533 : i32
        %swap3A_596 = arith.index_cast %add3A_595 : i32 to index
        %swap3A_597 = tpu.vector_load %arg9[%swap3A_596] {strides = array<i32>} : memref<32768xf32, #tpu.memory_space<vmem>>, vector<16xf32>,
        tpu.vector_store %arg9[%swap3A_596], %select_n3A_473 {strides = array<i32>} : memref<32768xf32, #tpu.memory_space<vmem>>, vector<16xf32>,
        %mul3A_598 = arith.constant 4 : i32
        %mul3A_599 = arith.muli %scan3A_163, %mul3A_598 : i32
        %add3A_600 = arith.constant 2 : i32
        %add3A_601 = arith.addi %mul3A_599, %add3A_600 : i32
        %mul3A_602 = arith.constant 16 : i32
        %mul3A_603 = arith.muli %add3A_601, %mul3A_602 : i32
        %get3A_604 = arith.index_cast %mul3A_603 : i32 to index
        %get3A_605 = tpu.vector_load %arg7[%get3A_604] {strides = array<i32>} : memref<2048xf32, #tpu.memory_space<vmem>>, vector<16xf32>,
        %lt3A_606 = arith.cmpf olt, %get3A_4, %get3A_605 : vector<16xf32>
        %jit3A_607 = arith.constant 1.000000e+00 : f32
        %jit3A_608 = arith.constant 0.000000e+00 : f32
        %broadcast_in_dim3A_609 = vector.broadcast %jit3A_607 : f32 to vector<16xf32>
        %broadcast_in_dim3A_610 = vector.broadcast %jit3A_608 : f32 to vector<16xf32>
        %select_n3A_611 = arith.select %lt3A_606, %broadcast_in_dim3A_609, %broadcast_in_dim3A_610 : vector<16xi1>, vector<16xf32>
        %lt3A_612 = arith.cmpf olt, %get3A_6, %get3A_605 : vector<16xf32>
        %jit3A_613 = arith.constant 1.000000e+00 : f32
        %jit3A_614 = arith.constant 0.000000e+00 : f32
        %broadcast_in_dim3A_615 = vector.broadcast %jit3A_613 : f32 to vector<16xf32>
        %broadcast_in_dim3A_616 = vector.broadcast %jit3A_614 : f32 to vector<16xf32>
        %select_n3A_617 = arith.select %lt3A_612, %broadcast_in_dim3A_615, %broadcast_in_dim3A_616 : vector<16xi1>, vector<16xf32>
        %lt3A_618 = arith.cmpf olt, %get3A_8, %get3A_605 : vector<16xf32>
        %jit3A_619 = arith.constant 1.000000e+00 : f32
        %jit3A_620 = arith.constant 0.000000e+00 : f32
        %broadcast_in_dim3A_621 = vector.broadcast %jit3A_619 : f32 to vector<16xf32>
        %broadcast_in_dim3A_622 = vector.broadcast %jit3A_620 : f32 to vector<16xf32>
        %select_n3A_623 = arith.select %lt3A_618, %broadcast_in_dim3A_621, %broadcast_in_dim3A_622 : vector<16xi1>, vector<16xf32>
        %lt3A_624 = arith.cmpf olt, %get3A_10, %get3A_605 : vector<16xf32>
        %jit3A_625 = arith.constant 1.000000e+00 : f32
        %jit3A_626 = arith.constant 0.000000e+00 : f32
        %broadcast_in_dim3A_627 = vector.broadcast %jit3A_625 : f32 to vector<16xf32>
        %broadcast_in_dim3A_628 = vector.broadcast %jit3A_626 : f32 to vector<16xf32>
        %select_n3A_629 = arith.select %lt3A_624, %broadcast_in_dim3A_627, %broadcast_in_dim3A_628 : vector<16xi1>, vector<16xf32>
        %lt3A_630 = arith.cmpf olt, %get3A_12, %get3A_605 : vector<16xf32>
        %jit3A_631 = arith.constant 1.000000e+00 : f32
        %jit3A_632 = arith.constant 0.000000e+00 : f32
        %broadcast_in_dim3A_633 = vector.broadcast %jit3A_631 : f32 to vector<16xf32>
        %broadcast_in_dim3A_634 = vector.broadcast %jit3A_632 : f32 to vector<16xf32>
        %select_n3A_635 = arith.select %lt3A_630, %broadcast_in_dim3A_633, %broadcast_in_dim3A_634 : vector<16xi1>, vector<16xf32>
        %lt3A_636 = arith.cmpf olt, %get3A_14, %get3A_605 : vector<16xf32>
        %jit3A_637 = arith.constant 1.000000e+00 : f32
        %jit3A_638 = arith.constant 0.000000e+00 : f32
        %broadcast_in_dim3A_639 = vector.broadcast %jit3A_637 : f32 to vector<16xf32>
        %broadcast_in_dim3A_640 = vector.broadcast %jit3A_638 : f32 to vector<16xf32>
        %select_n3A_641 = arith.select %lt3A_636, %broadcast_in_dim3A_639, %broadcast_in_dim3A_640 : vector<16xi1>, vector<16xf32>
        %lt3A_642 = arith.cmpf olt, %get3A_16, %get3A_605 : vector<16xf32>
        %jit3A_643 = arith.constant 1.000000e+00 : f32
        %jit3A_644 = arith.constant 0.000000e+00 : f32
        %broadcast_in_dim3A_645 = vector.broadcast %jit3A_643 : f32 to vector<16xf32>
        %broadcast_in_dim3A_646 = vector.broadcast %jit3A_644 : f32 to vector<16xf32>
        %select_n3A_647 = arith.select %lt3A_642, %broadcast_in_dim3A_645, %broadcast_in_dim3A_646 : vector<16xi1>, vector<16xf32>
        %lt3A_648 = arith.cmpf olt, %get3A_18, %get3A_605 : vector<16xf32>
        %jit3A_649 = arith.constant 1.000000e+00 : f32
        %jit3A_650 = arith.constant 0.000000e+00 : f32
        %broadcast_in_dim3A_651 = vector.broadcast %jit3A_649 : f32 to vector<16xf32>
        %broadcast_in_dim3A_652 = vector.broadcast %jit3A_650 : f32 to vector<16xf32>
        %select_n3A_653 = arith.select %lt3A_648, %broadcast_in_dim3A_651, %broadcast_in_dim3A_652 : vector<16xi1>, vector<16xf32>
        %lt3A_654 = arith.cmpf olt, %get3A_20, %get3A_605 : vector<16xf32>
        %jit3A_655 = arith.constant 1.000000e+00 : f32
        %jit3A_656 = arith.constant 0.000000e+00 : f32
        %broadcast_in_dim3A_657 = vector.broadcast %jit3A_655 : f32 to vector<16xf32>
        %broadcast_in_dim3A_658 = vector.broadcast %jit3A_656 : f32 to vector<16xf32>
        %select_n3A_659 = arith.select %lt3A_654, %broadcast_in_dim3A_657, %broadcast_in_dim3A_658 : vector<16xi1>, vector<16xf32>
        %lt3A_660 = arith.cmpf olt, %get3A_22, %get3A_605 : vector<16xf32>
        %jit3A_661 = arith.constant 1.000000e+00 : f32
        %jit3A_662 = arith.constant 0.000000e+00 : f32
        %broadcast_in_dim3A_663 = vector.broadcast %jit3A_661 : f32 to vector<16xf32>
        %broadcast_in_dim3A_664 = vector.broadcast %jit3A_662 : f32 to vector<16xf32>
        %select_n3A_665 = arith.select %lt3A_660, %broadcast_in_dim3A_663, %broadcast_in_dim3A_664 : vector<16xi1>, vector<16xf32>
        %lt3A_666 = arith.cmpf olt, %get3A_24, %get3A_605 : vector<16xf32>
        %jit3A_667 = arith.constant 1.000000e+00 : f32
        %jit3A_668 = arith.constant 0.000000e+00 : f32
        %broadcast_in_dim3A_669 = vector.broadcast %jit3A_667 : f32 to vector<16xf32>
        %broadcast_in_dim3A_670 = vector.broadcast %jit3A_668 : f32 to vector<16xf32>
        %select_n3A_671 = arith.select %lt3A_666, %broadcast_in_dim3A_669, %broadcast_in_dim3A_670 : vector<16xi1>, vector<16xf32>
        %lt3A_672 = arith.cmpf olt, %get3A_26, %get3A_605 : vector<16xf32>
        %jit3A_673 = arith.constant 1.000000e+00 : f32
        %jit3A_674 = arith.constant 0.000000e+00 : f32
        %broadcast_in_dim3A_675 = vector.broadcast %jit3A_673 : f32 to vector<16xf32>
        %broadcast_in_dim3A_676 = vector.broadcast %jit3A_674 : f32 to vector<16xf32>
        %select_n3A_677 = arith.select %lt3A_672, %broadcast_in_dim3A_675, %broadcast_in_dim3A_676 : vector<16xi1>, vector<16xf32>
        %lt3A_678 = arith.cmpf olt, %get3A_28, %get3A_605 : vector<16xf32>
        %jit3A_679 = arith.constant 1.000000e+00 : f32
        %jit3A_680 = arith.constant 0.000000e+00 : f32
        %broadcast_in_dim3A_681 = vector.broadcast %jit3A_679 : f32 to vector<16xf32>
        %broadcast_in_dim3A_682 = vector.broadcast %jit3A_680 : f32 to vector<16xf32>
        %select_n3A_683 = arith.select %lt3A_678, %broadcast_in_dim3A_681, %broadcast_in_dim3A_682 : vector<16xi1>, vector<16xf32>
        %lt3A_684 = arith.cmpf olt, %get3A_30, %get3A_605 : vector<16xf32>
        %jit3A_685 = arith.constant 1.000000e+00 : f32
        %jit3A_686 = arith.constant 0.000000e+00 : f32
        %broadcast_in_dim3A_687 = vector.broadcast %jit3A_685 : f32 to vector<16xf32>
        %broadcast_in_dim3A_688 = vector.broadcast %jit3A_686 : f32 to vector<16xf32>
        %select_n3A_689 = arith.select %lt3A_684, %broadcast_in_dim3A_687, %broadcast_in_dim3A_688 : vector<16xi1>, vector<16xf32>
        %lt3A_690 = arith.cmpf olt, %get3A_32, %get3A_605 : vector<16xf32>
        %jit3A_691 = arith.constant 1.000000e+00 : f32
        %jit3A_692 = arith.constant 0.000000e+00 : f32
        %broadcast_in_dim3A_693 = vector.broadcast %jit3A_691 : f32 to vector<16xf32>
        %broadcast_in_dim3A_694 = vector.broadcast %jit3A_692 : f32 to vector<16xf32>
        %select_n3A_695 = arith.select %lt3A_690, %broadcast_in_dim3A_693, %broadcast_in_dim3A_694 : vector<16xi1>, vector<16xf32>
        %sub3A_696 = arith.subf %broadcast_in_dim3A_3, %select_n3A_611 : vector<16xf32>
        %sub3A_697 = arith.subf %select_n3A_611, %select_n3A_617 : vector<16xf32>
        %sub3A_698 = arith.subf %select_n3A_617, %select_n3A_623 : vector<16xf32>
        %sub3A_699 = arith.subf %select_n3A_623, %select_n3A_629 : vector<16xf32>
        %sub3A_700 = arith.subf %select_n3A_629, %select_n3A_635 : vector<16xf32>
        %sub3A_701 = arith.subf %select_n3A_635, %select_n3A_641 : vector<16xf32>
        %sub3A_702 = arith.subf %select_n3A_641, %select_n3A_647 : vector<16xf32>
        %sub3A_703 = arith.subf %select_n3A_647, %select_n3A_653 : vector<16xf32>
        %sub3A_704 = arith.subf %select_n3A_653, %select_n3A_659 : vector<16xf32>
        %sub3A_705 = arith.subf %select_n3A_659, %select_n3A_665 : vector<16xf32>
        %sub3A_706 = arith.subf %select_n3A_665, %select_n3A_671 : vector<16xf32>
        %sub3A_707 = arith.subf %select_n3A_671, %select_n3A_677 : vector<16xf32>
        %sub3A_708 = arith.subf %select_n3A_677, %select_n3A_683 : vector<16xf32>
        %sub3A_709 = arith.subf %select_n3A_683, %select_n3A_689 : vector<16xf32>
        %sub3A_710 = arith.subf %select_n3A_689, %select_n3A_695 : vector<16xf32>
        %jit3A_711 = arith.constant 8 : i32
        %div3A_712 = arith.divsi %add3A_601, %jit3A_711 : i32
        %sign3A_713 = arith.constant 0 : i32
        %sign3A_714 = arith.cmpi sgt, %add3A_601, %sign3A_713 : i32
        %sign3A_715 = arith.extui %sign3A_714 : i1 to i32
        %sign3A_716 = arith.constant 0 : i32
        %sign3A_717 = arith.cmpi slt, %add3A_601, %sign3A_716 : i32
        %sign3A_718 = arith.extui %sign3A_717 : i1 to i32
        %sign3A_719 = arith.subi %sign3A_715, %sign3A_718 : i32
        %sign3A_720 = arith.constant 0 : i32
        %sign3A_721 = arith.cmpi sgt, %jit3A_711, %sign3A_720 : i32
        %sign3A_722 = arith.extui %sign3A_721 : i1 to i32
        %sign3A_723 = arith.constant 0 : i32
        %sign3A_724 = arith.cmpi slt, %jit3A_711, %sign3A_723 : i32
        %sign3A_725 = arith.extui %sign3A_724 : i1 to i32
        %sign3A_726 = arith.subi %sign3A_722, %sign3A_725 : i32
        %ne3A_727 = arith.cmpi ne, %sign3A_719, %sign3A_726 : i32
        %rem3A_728 = arith.remsi %add3A_601, %jit3A_711 : i32
        %ne3A_729 = arith.constant 0 : i32
        %ne3A_730 = arith.cmpi ne, %rem3A_728, %ne3A_729 : i32
        %and3A_731 = arith.andi %ne3A_727, %ne3A_730 : i1
        %sub3A_732 = arith.constant 1 : i32
        %sub3A_733 = arith.subi %div3A_712, %sub3A_732 : i32
        %select_n3A_734 = arith.select %and3A_731, %sub3A_733, %div3A_712 : i32
        %mul3A_735 = arith.constant 1024 : i32
        %mul3A_736 = arith.muli %select_n3A_734, %mul3A_735 : i32
        %jit3A_737 = arith.constant 8 : i32
        %eq3A_738 = arith.constant 0 : i32
        %eq3A_739 = arith.cmpi eq, %jit3A_737, %eq3A_738 : i32
        %jit3A_740 = arith.constant 1 : i32
        %select_n3A_741 = arith.select %eq3A_739, %jit3A_740, %jit3A_737 : i32
        %rem3A_742 = arith.remsi %add3A_601, %select_n3A_741 : i32
        %ne3A_743 = arith.constant 0 : i32
        %ne3A_744 = arith.cmpi ne, %rem3A_742, %ne3A_743 : i32
        %lt3A_745 = arith.constant 0 : i32
        %lt3A_746 = arith.cmpi slt, %rem3A_742, %lt3A_745 : i32
        %lt3A_747 = arith.constant 0 : i32
        %lt3A_748 = arith.cmpi slt, %select_n3A_741, %lt3A_747 : i32
        %ne3A_749 = arith.xori %lt3A_746, %lt3A_748 : i1
        %and3A_750 = arith.andi %ne3A_749, %ne3A_744 : i1
        %add3A_751 = arith.addi %rem3A_742, %select_n3A_741 : i32
        %select_n3A_752 = arith.select %and3A_750, %add3A_751, %rem3A_742 : i32
        %mul3A_753 = arith.constant 16 : i32
        %mul3A_754 = arith.muli %select_n3A_752, %mul3A_753 : i32
        %add3A_755 = arith.addi %mul3A_736, %mul3A_754 : i32
        %add3A_756 = arith.constant 0 : i32
        %add3A_757 = arith.addi %add3A_756, %add3A_755 : i32
        %swap3A_758 = arith.index_cast %add3A_757 : i32 to index
        %swap3A_759 = tpu.vector_load %arg9[%swap3A_758] {strides = array<i32>} : memref<32768xf32, #tpu.memory_space<vmem>>, vector<16xf32>,
        tpu.vector_store %arg9[%swap3A_758], %sub3A_696 {strides = array<i32>} : memref<32768xf32, #tpu.memory_space<vmem>>, vector<16xf32>,
        %add3A_760 = arith.constant 128 : i32
        %add3A_761 = arith.addi %add3A_760, %add3A_755 : i32
        %swap3A_762 = arith.index_cast %add3A_761 : i32 to index
        %swap3A_763 = tpu.vector_load %arg9[%swap3A_762] {strides = array<i32>} : memref<32768xf32, #tpu.memory_space<vmem>>, vector<16xf32>,
        tpu.vector_store %arg9[%swap3A_762], %sub3A_697 {strides = array<i32>} : memref<32768xf32, #tpu.memory_space<vmem>>, vector<16xf32>,
        %add3A_764 = arith.constant 256 : i32
        %add3A_765 = arith.addi %add3A_764, %add3A_755 : i32
        %swap3A_766 = arith.index_cast %add3A_765 : i32 to index
        %swap3A_767 = tpu.vector_load %arg9[%swap3A_766] {strides = array<i32>} : memref<32768xf32, #tpu.memory_space<vmem>>, vector<16xf32>,
        tpu.vector_store %arg9[%swap3A_766], %sub3A_698 {strides = array<i32>} : memref<32768xf32, #tpu.memory_space<vmem>>, vector<16xf32>,
        %add3A_768 = arith.constant 384 : i32
        %add3A_769 = arith.addi %add3A_768, %add3A_755 : i32
        %swap3A_770 = arith.index_cast %add3A_769 : i32 to index
        %swap3A_771 = tpu.vector_load %arg9[%swap3A_770] {strides = array<i32>} : memref<32768xf32, #tpu.memory_space<vmem>>, vector<16xf32>,
        tpu.vector_store %arg9[%swap3A_770], %sub3A_699 {strides = array<i32>} : memref<32768xf32, #tpu.memory_space<vmem>>, vector<16xf32>,
        %add3A_772 = arith.constant 512 : i32
        %add3A_773 = arith.addi %add3A_772, %add3A_755 : i32
        %swap3A_774 = arith.index_cast %add3A_773 : i32 to index
        %swap3A_775 = tpu.vector_load %arg9[%swap3A_774] {strides = array<i32>} : memref<32768xf32, #tpu.memory_space<vmem>>, vector<16xf32>,
        tpu.vector_store %arg9[%swap3A_774], %sub3A_700 {strides = array<i32>} : memref<32768xf32, #tpu.memory_space<vmem>>, vector<16xf32>,
        %add3A_776 = arith.constant 640 : i32
        %add3A_777 = arith.addi %add3A_776, %add3A_755 : i32
        %swap3A_778 = arith.index_cast %add3A_777 : i32 to index
        %swap3A_779 = tpu.vector_load %arg9[%swap3A_778] {strides = array<i32>} : memref<32768xf32, #tpu.memory_space<vmem>>, vector<16xf32>,
        tpu.vector_store %arg9[%swap3A_778], %sub3A_701 {strides = array<i32>} : memref<32768xf32, #tpu.memory_space<vmem>>, vector<16xf32>,
        %add3A_780 = arith.constant 768 : i32
        %add3A_781 = arith.addi %add3A_780, %add3A_755 : i32
        %swap3A_782 = arith.index_cast %add3A_781 : i32 to index
        %swap3A_783 = tpu.vector_load %arg9[%swap3A_782] {strides = array<i32>} : memref<32768xf32, #tpu.memory_space<vmem>>, vector<16xf32>,
        tpu.vector_store %arg9[%swap3A_782], %sub3A_702 {strides = array<i32>} : memref<32768xf32, #tpu.memory_space<vmem>>, vector<16xf32>,
        %add3A_784 = arith.constant 896 : i32
        %add3A_785 = arith.addi %add3A_784, %add3A_755 : i32
        %swap3A_786 = arith.index_cast %add3A_785 : i32 to index
        %swap3A_787 = tpu.vector_load %arg9[%swap3A_786] {strides = array<i32>} : memref<32768xf32, #tpu.memory_space<vmem>>, vector<16xf32>,
        tpu.vector_store %arg9[%swap3A_786], %sub3A_703 {strides = array<i32>} : memref<32768xf32, #tpu.memory_space<vmem>>, vector<16xf32>,
        %add3A_788 = arith.constant 16384 : i32
        %add3A_789 = arith.addi %add3A_788, %add3A_755 : i32
        %swap3A_790 = arith.index_cast %add3A_789 : i32 to index
        %swap3A_791 = tpu.vector_load %arg9[%swap3A_790] {strides = array<i32>} : memref<32768xf32, #tpu.memory_space<vmem>>, vector<16xf32>,
        tpu.vector_store %arg9[%swap3A_790], %sub3A_704 {strides = array<i32>} : memref<32768xf32, #tpu.memory_space<vmem>>, vector<16xf32>,
        %add3A_792 = arith.constant 16512 : i32
        %add3A_793 = arith.addi %add3A_792, %add3A_755 : i32
        %swap3A_794 = arith.index_cast %add3A_793 : i32 to index
        %swap3A_795 = tpu.vector_load %arg9[%swap3A_794] {strides = array<i32>} : memref<32768xf32, #tpu.memory_space<vmem>>, vector<16xf32>,
        tpu.vector_store %arg9[%swap3A_794], %sub3A_705 {strides = array<i32>} : memref<32768xf32, #tpu.memory_space<vmem>>, vector<16xf32>,
        %add3A_796 = arith.constant 16640 : i32
        %add3A_797 = arith.addi %add3A_796, %add3A_755 : i32
        %swap3A_798 = arith.index_cast %add3A_797 : i32 to index
        %swap3A_799 = tpu.vector_load %arg9[%swap3A_798] {strides = array<i32>} : memref<32768xf32, #tpu.memory_space<vmem>>, vector<16xf32>,
        tpu.vector_store %arg9[%swap3A_798], %sub3A_706 {strides = array<i32>} : memref<32768xf32, #tpu.memory_space<vmem>>, vector<16xf32>,
        %add3A_800 = arith.constant 16768 : i32
        %add3A_801 = arith.addi %add3A_800, %add3A_755 : i32
        %swap3A_802 = arith.index_cast %add3A_801 : i32 to index
        %swap3A_803 = tpu.vector_load %arg9[%swap3A_802] {strides = array<i32>} : memref<32768xf32, #tpu.memory_space<vmem>>, vector<16xf32>,
        tpu.vector_store %arg9[%swap3A_802], %sub3A_707 {strides = array<i32>} : memref<32768xf32, #tpu.memory_space<vmem>>, vector<16xf32>,
        %add3A_804 = arith.constant 16896 : i32
        %add3A_805 = arith.addi %add3A_804, %add3A_755 : i32
        %swap3A_806 = arith.index_cast %add3A_805 : i32 to index
        %swap3A_807 = tpu.vector_load %arg9[%swap3A_806] {strides = array<i32>} : memref<32768xf32, #tpu.memory_space<vmem>>, vector<16xf32>,
        tpu.vector_store %arg9[%swap3A_806], %sub3A_708 {strides = array<i32>} : memref<32768xf32, #tpu.memory_space<vmem>>, vector<16xf32>,
        %add3A_808 = arith.constant 17024 : i32
        %add3A_809 = arith.addi %add3A_808, %add3A_755 : i32
        %swap3A_810 = arith.index_cast %add3A_809 : i32 to index
        %swap3A_811 = tpu.vector_load %arg9[%swap3A_810] {strides = array<i32>} : memref<32768xf32, #tpu.memory_space<vmem>>, vector<16xf32>,
        tpu.vector_store %arg9[%swap3A_810], %sub3A_709 {strides = array<i32>} : memref<32768xf32, #tpu.memory_space<vmem>>, vector<16xf32>,
        %add3A_812 = arith.constant 17152 : i32
        %add3A_813 = arith.addi %add3A_812, %add3A_755 : i32
        %swap3A_814 = arith.index_cast %add3A_813 : i32 to index
        %swap3A_815 = tpu.vector_load %arg9[%swap3A_814] {strides = array<i32>} : memref<32768xf32, #tpu.memory_space<vmem>>, vector<16xf32>,
        tpu.vector_store %arg9[%swap3A_814], %sub3A_710 {strides = array<i32>} : memref<32768xf32, #tpu.memory_space<vmem>>, vector<16xf32>,
        %add3A_816 = arith.constant 17280 : i32
        %add3A_817 = arith.addi %add3A_816, %add3A_755 : i32
        %swap3A_818 = arith.index_cast %add3A_817 : i32 to index
        %swap3A_819 = tpu.vector_load %arg9[%swap3A_818] {strides = array<i32>} : memref<32768xf32, #tpu.memory_space<vmem>>, vector<16xf32>,
        tpu.vector_store %arg9[%swap3A_818], %select_n3A_695 {strides = array<i32>} : memref<32768xf32, #tpu.memory_space<vmem>>, vector<16xf32>,
        %mul3A_820 = arith.constant 4 : i32
        %mul3A_821 = arith.muli %scan3A_163, %mul3A_820 : i32
        %add3A_822 = arith.constant 3 : i32
        %add3A_823 = arith.addi %mul3A_821, %add3A_822 : i32
        %mul3A_824 = arith.constant 16 : i32
        %mul3A_825 = arith.muli %add3A_823, %mul3A_824 : i32
        %get3A_826 = arith.index_cast %mul3A_825 : i32 to index
        %get3A_827 = tpu.vector_load %arg7[%get3A_826] {strides = array<i32>} : memref<2048xf32, #tpu.memory_space<vmem>>, vector<16xf32>,
        %lt3A_828 = arith.cmpf olt, %get3A_4, %get3A_827 : vector<16xf32>
        %jit3A_829 = arith.constant 1.000000e+00 : f32
        %jit3A_830 = arith.constant 0.000000e+00 : f32
        %broadcast_in_dim3A_831 = vector.broadcast %jit3A_829 : f32 to vector<16xf32>
        %broadcast_in_dim3A_832 = vector.broadcast %jit3A_830 : f32 to vector<16xf32>
        %select_n3A_833 = arith.select %lt3A_828, %broadcast_in_dim3A_831, %broadcast_in_dim3A_832 : vector<16xi1>, vector<16xf32>
        %lt3A_834 = arith.cmpf olt, %get3A_6, %get3A_827 : vector<16xf32>
        %jit3A_835 = arith.constant 1.000000e+00 : f32
        %jit3A_836 = arith.constant 0.000000e+00 : f32
        %broadcast_in_dim3A_837 = vector.broadcast %jit3A_835 : f32 to vector<16xf32>
        %broadcast_in_dim3A_838 = vector.broadcast %jit3A_836 : f32 to vector<16xf32>
        %select_n3A_839 = arith.select %lt3A_834, %broadcast_in_dim3A_837, %broadcast_in_dim3A_838 : vector<16xi1>, vector<16xf32>
        %lt3A_840 = arith.cmpf olt, %get3A_8, %get3A_827 : vector<16xf32>
        %jit3A_841 = arith.constant 1.000000e+00 : f32
        %jit3A_842 = arith.constant 0.000000e+00 : f32
        %broadcast_in_dim3A_843 = vector.broadcast %jit3A_841 : f32 to vector<16xf32>
        %broadcast_in_dim3A_844 = vector.broadcast %jit3A_842 : f32 to vector<16xf32>
        %select_n3A_845 = arith.select %lt3A_840, %broadcast_in_dim3A_843, %broadcast_in_dim3A_844 : vector<16xi1>, vector<16xf32>
        %lt3A_846 = arith.cmpf olt, %get3A_10, %get3A_827 : vector<16xf32>
        %jit3A_847 = arith.constant 1.000000e+00 : f32
        %jit3A_848 = arith.constant 0.000000e+00 : f32
        %broadcast_in_dim3A_849 = vector.broadcast %jit3A_847 : f32 to vector<16xf32>
        %broadcast_in_dim3A_850 = vector.broadcast %jit3A_848 : f32 to vector<16xf32>
        %select_n3A_851 = arith.select %lt3A_846, %broadcast_in_dim3A_849, %broadcast_in_dim3A_850 : vector<16xi1>, vector<16xf32>
        %lt3A_852 = arith.cmpf olt, %get3A_12, %get3A_827 : vector<16xf32>
        %jit3A_853 = arith.constant 1.000000e+00 : f32
        %jit3A_854 = arith.constant 0.000000e+00 : f32
        %broadcast_in_dim3A_855 = vector.broadcast %jit3A_853 : f32 to vector<16xf32>
        %broadcast_in_dim3A_856 = vector.broadcast %jit3A_854 : f32 to vector<16xf32>
        %select_n3A_857 = arith.select %lt3A_852, %broadcast_in_dim3A_855, %broadcast_in_dim3A_856 : vector<16xi1>, vector<16xf32>
        %lt3A_858 = arith.cmpf olt, %get3A_14, %get3A_827 : vector<16xf32>
        %jit3A_859 = arith.constant 1.000000e+00 : f32
        %jit3A_860 = arith.constant 0.000000e+00 : f32
        %broadcast_in_dim3A_861 = vector.broadcast %jit3A_859 : f32 to vector<16xf32>
        %broadcast_in_dim3A_862 = vector.broadcast %jit3A_860 : f32 to vector<16xf32>
        %select_n3A_863 = arith.select %lt3A_858, %broadcast_in_dim3A_861, %broadcast_in_dim3A_862 : vector<16xi1>, vector<16xf32>
        %lt3A_864 = arith.cmpf olt, %get3A_16, %get3A_827 : vector<16xf32>
        %jit3A_865 = arith.constant 1.000000e+00 : f32
        %jit3A_866 = arith.constant 0.000000e+00 : f32
        %broadcast_in_dim3A_867 = vector.broadcast %jit3A_865 : f32 to vector<16xf32>
        %broadcast_in_dim3A_868 = vector.broadcast %jit3A_866 : f32 to vector<16xf32>
        %select_n3A_869 = arith.select %lt3A_864, %broadcast_in_dim3A_867, %broadcast_in_dim3A_868 : vector<16xi1>, vector<16xf32>
        %lt3A_870 = arith.cmpf olt, %get3A_18, %get3A_827 : vector<16xf32>
        %jit3A_871 = arith.constant 1.000000e+00 : f32
        %jit3A_872 = arith.constant 0.000000e+00 : f32
        %broadcast_in_dim3A_873 = vector.broadcast %jit3A_871 : f32 to vector<16xf32>
        %broadcast_in_dim3A_874 = vector.broadcast %jit3A_872 : f32 to vector<16xf32>
        %select_n3A_875 = arith.select %lt3A_870, %broadcast_in_dim3A_873, %broadcast_in_dim3A_874 : vector<16xi1>, vector<16xf32>
        %lt3A_876 = arith.cmpf olt, %get3A_20, %get3A_827 : vector<16xf32>
        %jit3A_877 = arith.constant 1.000000e+00 : f32
        %jit3A_878 = arith.constant 0.000000e+00 : f32
        %broadcast_in_dim3A_879 = vector.broadcast %jit3A_877 : f32 to vector<16xf32>
        %broadcast_in_dim3A_880 = vector.broadcast %jit3A_878 : f32 to vector<16xf32>
        %select_n3A_881 = arith.select %lt3A_876, %broadcast_in_dim3A_879, %broadcast_in_dim3A_880 : vector<16xi1>, vector<16xf32>
        %lt3A_882 = arith.cmpf olt, %get3A_22, %get3A_827 : vector<16xf32>
        %jit3A_883 = arith.constant 1.000000e+00 : f32
        %jit3A_884 = arith.constant 0.000000e+00 : f32
        %broadcast_in_dim3A_885 = vector.broadcast %jit3A_883 : f32 to vector<16xf32>
        %broadcast_in_dim3A_886 = vector.broadcast %jit3A_884 : f32 to vector<16xf32>
        %select_n3A_887 = arith.select %lt3A_882, %broadcast_in_dim3A_885, %broadcast_in_dim3A_886 : vector<16xi1>, vector<16xf32>
        %lt3A_888 = arith.cmpf olt, %get3A_24, %get3A_827 : vector<16xf32>
        %jit3A_889 = arith.constant 1.000000e+00 : f32
        %jit3A_890 = arith.constant 0.000000e+00 : f32
        %broadcast_in_dim3A_891 = vector.broadcast %jit3A_889 : f32 to vector<16xf32>
        %broadcast_in_dim3A_892 = vector.broadcast %jit3A_890 : f32 to vector<16xf32>
        %select_n3A_893 = arith.select %lt3A_888, %broadcast_in_dim3A_891, %broadcast_in_dim3A_892 : vector<16xi1>, vector<16xf32>
        %lt3A_894 = arith.cmpf olt, %get3A_26, %get3A_827 : vector<16xf32>
        %jit3A_895 = arith.constant 1.000000e+00 : f32
        %jit3A_896 = arith.constant 0.000000e+00 : f32
        %broadcast_in_dim3A_897 = vector.broadcast %jit3A_895 : f32 to vector<16xf32>
        %broadcast_in_dim3A_898 = vector.broadcast %jit3A_896 : f32 to vector<16xf32>
        %select_n3A_899 = arith.select %lt3A_894, %broadcast_in_dim3A_897, %broadcast_in_dim3A_898 : vector<16xi1>, vector<16xf32>
        %lt3A_900 = arith.cmpf olt, %get3A_28, %get3A_827 : vector<16xf32>
        %jit3A_901 = arith.constant 1.000000e+00 : f32
        %jit3A_902 = arith.constant 0.000000e+00 : f32
        %broadcast_in_dim3A_903 = vector.broadcast %jit3A_901 : f32 to vector<16xf32>
        %broadcast_in_dim3A_904 = vector.broadcast %jit3A_902 : f32 to vector<16xf32>
        %select_n3A_905 = arith.select %lt3A_900, %broadcast_in_dim3A_903, %broadcast_in_dim3A_904 : vector<16xi1>, vector<16xf32>
        %lt3A_906 = arith.cmpf olt, %get3A_30, %get3A_827 : vector<16xf32>
        %jit3A_907 = arith.constant 1.000000e+00 : f32
        %jit3A_908 = arith.constant 0.000000e+00 : f32
        %broadcast_in_dim3A_909 = vector.broadcast %jit3A_907 : f32 to vector<16xf32>
        %broadcast_in_dim3A_910 = vector.broadcast %jit3A_908 : f32 to vector<16xf32>
        %select_n3A_911 = arith.select %lt3A_906, %broadcast_in_dim3A_909, %broadcast_in_dim3A_910 : vector<16xi1>, vector<16xf32>
        %lt3A_912 = arith.cmpf olt, %get3A_32, %get3A_827 : vector<16xf32>
        %jit3A_913 = arith.constant 1.000000e+00 : f32
        %jit3A_914 = arith.constant 0.000000e+00 : f32
        %broadcast_in_dim3A_915 = vector.broadcast %jit3A_913 : f32 to vector<16xf32>
        %broadcast_in_dim3A_916 = vector.broadcast %jit3A_914 : f32 to vector<16xf32>
        %select_n3A_917 = arith.select %lt3A_912, %broadcast_in_dim3A_915, %broadcast_in_dim3A_916 : vector<16xi1>, vector<16xf32>
        %sub3A_918 = arith.subf %broadcast_in_dim3A_3, %select_n3A_833 : vector<16xf32>
        %sub3A_919 = arith.subf %select_n3A_833, %select_n3A_839 : vector<16xf32>
        %sub3A_920 = arith.subf %select_n3A_839, %select_n3A_845 : vector<16xf32>
        %sub3A_921 = arith.subf %select_n3A_845, %select_n3A_851 : vector<16xf32>
        %sub3A_922 = arith.subf %select_n3A_851, %select_n3A_857 : vector<16xf32>
        %sub3A_923 = arith.subf %select_n3A_857, %select_n3A_863 : vector<16xf32>
        %sub3A_924 = arith.subf %select_n3A_863, %select_n3A_869 : vector<16xf32>
        %sub3A_925 = arith.subf %select_n3A_869, %select_n3A_875 : vector<16xf32>
        %sub3A_926 = arith.subf %select_n3A_875, %select_n3A_881 : vector<16xf32>
        %sub3A_927 = arith.subf %select_n3A_881, %select_n3A_887 : vector<16xf32>
        %sub3A_928 = arith.subf %select_n3A_887, %select_n3A_893 : vector<16xf32>
        %sub3A_929 = arith.subf %select_n3A_893, %select_n3A_899 : vector<16xf32>
        %sub3A_930 = arith.subf %select_n3A_899, %select_n3A_905 : vector<16xf32>
        %sub3A_931 = arith.subf %select_n3A_905, %select_n3A_911 : vector<16xf32>
        %sub3A_932 = arith.subf %select_n3A_911, %select_n3A_917 : vector<16xf32>
        %jit3A_933 = arith.constant 8 : i32
        %div3A_934 = arith.divsi %add3A_823, %jit3A_933 : i32
        %sign3A_935 = arith.constant 0 : i32
        %sign3A_936 = arith.cmpi sgt, %add3A_823, %sign3A_935 : i32
        %sign3A_937 = arith.extui %sign3A_936 : i1 to i32
        %sign3A_938 = arith.constant 0 : i32
        %sign3A_939 = arith.cmpi slt, %add3A_823, %sign3A_938 : i32
        %sign3A_940 = arith.extui %sign3A_939 : i1 to i32
        %sign3A_941 = arith.subi %sign3A_937, %sign3A_940 : i32
        %sign3A_942 = arith.constant 0 : i32
        %sign3A_943 = arith.cmpi sgt, %jit3A_933, %sign3A_942 : i32
        %sign3A_944 = arith.extui %sign3A_943 : i1 to i32
        %sign3A_945 = arith.constant 0 : i32
        %sign3A_946 = arith.cmpi slt, %jit3A_933, %sign3A_945 : i32
        %sign3A_947 = arith.extui %sign3A_946 : i1 to i32
        %sign3A_948 = arith.subi %sign3A_944, %sign3A_947 : i32
        %ne3A_949 = arith.cmpi ne, %sign3A_941, %sign3A_948 : i32
        %rem3A_950 = arith.remsi %add3A_823, %jit3A_933 : i32
        %ne3A_951 = arith.constant 0 : i32
        %ne3A_952 = arith.cmpi ne, %rem3A_950, %ne3A_951 : i32
        %and3A_953 = arith.andi %ne3A_949, %ne3A_952 : i1
        %sub3A_954 = arith.constant 1 : i32
        %sub3A_955 = arith.subi %div3A_934, %sub3A_954 : i32
        %select_n3A_956 = arith.select %and3A_953, %sub3A_955, %div3A_934 : i32
        %mul3A_957 = arith.constant 1024 : i32
        %mul3A_958 = arith.muli %select_n3A_956, %mul3A_957 : i32
        %jit3A_959 = arith.constant 8 : i32
        %eq3A_960 = arith.constant 0 : i32
        %eq3A_961 = arith.cmpi eq, %jit3A_959, %eq3A_960 : i32
        %jit3A_962 = arith.constant 1 : i32
        %select_n3A_963 = arith.select %eq3A_961, %jit3A_962, %jit3A_959 : i32
        %rem3A_964 = arith.remsi %add3A_823, %select_n3A_963 : i32
        %ne3A_965 = arith.constant 0 : i32
        %ne3A_966 = arith.cmpi ne, %rem3A_964, %ne3A_965 : i32
        %lt3A_967 = arith.constant 0 : i32
        %lt3A_968 = arith.cmpi slt, %rem3A_964, %lt3A_967 : i32
        %lt3A_969 = arith.constant 0 : i32
        %lt3A_970 = arith.cmpi slt, %select_n3A_963, %lt3A_969 : i32
        %ne3A_971 = arith.xori %lt3A_968, %lt3A_970 : i1
        %and3A_972 = arith.andi %ne3A_971, %ne3A_966 : i1
        %add3A_973 = arith.addi %rem3A_964, %select_n3A_963 : i32
        %select_n3A_974 = arith.select %and3A_972, %add3A_973, %rem3A_964 : i32
        %mul3A_975 = arith.constant 16 : i32
        %mul3A_976 = arith.muli %select_n3A_974, %mul3A_975 : i32
        %add3A_977 = arith.addi %mul3A_958, %mul3A_976 : i32
        %add3A_978 = arith.constant 0 : i32
        %add3A_979 = arith.addi %add3A_978, %add3A_977 : i32
        %swap3A_980 = arith.index_cast %add3A_979 : i32 to index
        %swap3A_981 = tpu.vector_load %arg9[%swap3A_980] {strides = array<i32>} : memref<32768xf32, #tpu.memory_space<vmem>>, vector<16xf32>,
        tpu.vector_store %arg9[%swap3A_980], %sub3A_918 {strides = array<i32>} : memref<32768xf32, #tpu.memory_space<vmem>>, vector<16xf32>,
        %add3A_982 = arith.constant 128 : i32
        %add3A_983 = arith.addi %add3A_982, %add3A_977 : i32
        %swap3A_984 = arith.index_cast %add3A_983 : i32 to index
        %swap3A_985 = tpu.vector_load %arg9[%swap3A_984] {strides = array<i32>} : memref<32768xf32, #tpu.memory_space<vmem>>, vector<16xf32>,
        tpu.vector_store %arg9[%swap3A_984], %sub3A_919 {strides = array<i32>} : memref<32768xf32, #tpu.memory_space<vmem>>, vector<16xf32>,
        %add3A_986 = arith.constant 256 : i32
        %add3A_987 = arith.addi %add3A_986, %add3A_977 : i32
        %swap3A_988 = arith.index_cast %add3A_987 : i32 to index
        %swap3A_989 = tpu.vector_load %arg9[%swap3A_988] {strides = array<i32>} : memref<32768xf32, #tpu.memory_space<vmem>>, vector<16xf32>,
        tpu.vector_store %arg9[%swap3A_988], %sub3A_920 {strides = array<i32>} : memref<32768xf32, #tpu.memory_space<vmem>>, vector<16xf32>,
        %add3A_990 = arith.constant 384 : i32
        %add3A_991 = arith.addi %add3A_990, %add3A_977 : i32
        %swap3A_992 = arith.index_cast %add3A_991 : i32 to index
        %swap3A_993 = tpu.vector_load %arg9[%swap3A_992] {strides = array<i32>} : memref<32768xf32, #tpu.memory_space<vmem>>, vector<16xf32>,
        tpu.vector_store %arg9[%swap3A_992], %sub3A_921 {strides = array<i32>} : memref<32768xf32, #tpu.memory_space<vmem>>, vector<16xf32>,
        %add3A_994 = arith.constant 512 : i32
        %add3A_995 = arith.addi %add3A_994, %add3A_977 : i32
        %swap3A_996 = arith.index_cast %add3A_995 : i32 to index
        %swap3A_997 = tpu.vector_load %arg9[%swap3A_996] {strides = array<i32>} : memref<32768xf32, #tpu.memory_space<vmem>>, vector<16xf32>,
        tpu.vector_store %arg9[%swap3A_996], %sub3A_922 {strides = array<i32>} : memref<32768xf32, #tpu.memory_space<vmem>>, vector<16xf32>,
        %add3A_998 = arith.constant 640 : i32
        %add3A_999 = arith.addi %add3A_998, %add3A_977 : i32
        %swap3A_1000 = arith.index_cast %add3A_999 : i32 to index
        %swap3A_1001 = tpu.vector_load %arg9[%swap3A_1000] {strides = array<i32>} : memref<32768xf32, #tpu.memory_space<vmem>>, vector<16xf32>,
        tpu.vector_store %arg9[%swap3A_1000], %sub3A_923 {strides = array<i32>} : memref<32768xf32, #tpu.memory_space<vmem>>, vector<16xf32>,
        %add3A_1002 = arith.constant 768 : i32
        %add3A_1003 = arith.addi %add3A_1002, %add3A_977 : i32
        %swap3A_1004 = arith.index_cast %add3A_1003 : i32 to index
        %swap3A_1005 = tpu.vector_load %arg9[%swap3A_1004] {strides = array<i32>} : memref<32768xf32, #tpu.memory_space<vmem>>, vector<16xf32>,
        tpu.vector_store %arg9[%swap3A_1004], %sub3A_924 {strides = array<i32>} : memref<32768xf32, #tpu.memory_space<vmem>>, vector<16xf32>,
        %add3A_1006 = arith.constant 896 : i32
        %add3A_1007 = arith.addi %add3A_1006, %add3A_977 : i32
        %swap3A_1008 = arith.index_cast %add3A_1007 : i32 to index
        %swap3A_1009 = tpu.vector_load %arg9[%swap3A_1008] {strides = array<i32>} : memref<32768xf32, #tpu.memory_space<vmem>>, vector<16xf32>,
        tpu.vector_store %arg9[%swap3A_1008], %sub3A_925 {strides = array<i32>} : memref<32768xf32, #tpu.memory_space<vmem>>, vector<16xf32>,
        %add3A_1010 = arith.constant 16384 : i32
        %add3A_1011 = arith.addi %add3A_1010, %add3A_977 : i32
        %swap3A_1012 = arith.index_cast %add3A_1011 : i32 to index
        %swap3A_1013 = tpu.vector_load %arg9[%swap3A_1012] {strides = array<i32>} : memref<32768xf32, #tpu.memory_space<vmem>>, vector<16xf32>,
        tpu.vector_store %arg9[%swap3A_1012], %sub3A_926 {strides = array<i32>} : memref<32768xf32, #tpu.memory_space<vmem>>, vector<16xf32>,
        %add3A_1014 = arith.constant 16512 : i32
        %add3A_1015 = arith.addi %add3A_1014, %add3A_977 : i32
        %swap3A_1016 = arith.index_cast %add3A_1015 : i32 to index
        %swap3A_1017 = tpu.vector_load %arg9[%swap3A_1016] {strides = array<i32>} : memref<32768xf32, #tpu.memory_space<vmem>>, vector<16xf32>,
        tpu.vector_store %arg9[%swap3A_1016], %sub3A_927 {strides = array<i32>} : memref<32768xf32, #tpu.memory_space<vmem>>, vector<16xf32>,
        %add3A_1018 = arith.constant 16640 : i32
        %add3A_1019 = arith.addi %add3A_1018, %add3A_977 : i32
        %swap3A_1020 = arith.index_cast %add3A_1019 : i32 to index
        %swap3A_1021 = tpu.vector_load %arg9[%swap3A_1020] {strides = array<i32>} : memref<32768xf32, #tpu.memory_space<vmem>>, vector<16xf32>,
        tpu.vector_store %arg9[%swap3A_1020], %sub3A_928 {strides = array<i32>} : memref<32768xf32, #tpu.memory_space<vmem>>, vector<16xf32>,
        %add3A_1022 = arith.constant 16768 : i32
        %add3A_1023 = arith.addi %add3A_1022, %add3A_977 : i32
        %swap3A_1024 = arith.index_cast %add3A_1023 : i32 to index
        %swap3A_1025 = tpu.vector_load %arg9[%swap3A_1024] {strides = array<i32>} : memref<32768xf32, #tpu.memory_space<vmem>>, vector<16xf32>,
        tpu.vector_store %arg9[%swap3A_1024], %sub3A_929 {strides = array<i32>} : memref<32768xf32, #tpu.memory_space<vmem>>, vector<16xf32>,
        %add3A_1026 = arith.constant 16896 : i32
        %add3A_1027 = arith.addi %add3A_1026, %add3A_977 : i32
        %swap3A_1028 = arith.index_cast %add3A_1027 : i32 to index
        %swap3A_1029 = tpu.vector_load %arg9[%swap3A_1028] {strides = array<i32>} : memref<32768xf32, #tpu.memory_space<vmem>>, vector<16xf32>,
        tpu.vector_store %arg9[%swap3A_1028], %sub3A_930 {strides = array<i32>} : memref<32768xf32, #tpu.memory_space<vmem>>, vector<16xf32>,
        %add3A_1030 = arith.constant 17024 : i32
        %add3A_1031 = arith.addi %add3A_1030, %add3A_977 : i32
        %swap3A_1032 = arith.index_cast %add3A_1031 : i32 to index
        %swap3A_1033 = tpu.vector_load %arg9[%swap3A_1032] {strides = array<i32>} : memref<32768xf32, #tpu.memory_space<vmem>>, vector<16xf32>,
        tpu.vector_store %arg9[%swap3A_1032], %sub3A_931 {strides = array<i32>} : memref<32768xf32, #tpu.memory_space<vmem>>, vector<16xf32>,
        %add3A_1034 = arith.constant 17152 : i32
        %add3A_1035 = arith.addi %add3A_1034, %add3A_977 : i32
        %swap3A_1036 = arith.index_cast %add3A_1035 : i32 to index
        %swap3A_1037 = tpu.vector_load %arg9[%swap3A_1036] {strides = array<i32>} : memref<32768xf32, #tpu.memory_space<vmem>>, vector<16xf32>,
        tpu.vector_store %arg9[%swap3A_1036], %sub3A_932 {strides = array<i32>} : memref<32768xf32, #tpu.memory_space<vmem>>, vector<16xf32>,
        %add3A_1038 = arith.constant 17280 : i32
        %add3A_1039 = arith.addi %add3A_1038, %add3A_977 : i32
        %swap3A_1040 = arith.index_cast %add3A_1039 : i32 to index
        %swap3A_1041 = tpu.vector_load %arg9[%swap3A_1040] {strides = array<i32>} : memref<32768xf32, #tpu.memory_space<vmem>>, vector<16xf32>,
        tpu.vector_store %arg9[%swap3A_1040], %select_n3A_917 {strides = array<i32>} : memref<32768xf32, #tpu.memory_space<vmem>>, vector<16xf32>,
      }
      %scan3A_143 = arith.constant 32 : i32
      %mul3A_144 = arith.constant 2048 : i32
      %mul3A_145 = arith.muli %add3A_120, %mul3A_144 : i32
      %add3A_146 = arith.addi %mul3A_2, %mul3A_145 : i32
      %mul3A_147 = arith.constant 8 : i32
      %mul3A_148 = arith.muli %add3A_146, %mul3A_147 : i32
      %dma_start3A_149 = arith.constant 0 : i32
      %dma_start3A_150 = tpu.memref_slice %arg9[%dma_start3A_149] : memref<32768xf32, #tpu.memory_space<vmem>> -> memref<16384xf32, #tpu.memory_space<vmem>>
      %dma_start3A_151 = tpu.memref_slice %arg4[%mul3A_148] : memref<16777216xf32, #tpu.memory_space<hbm>> -> memref<16384xf32, #tpu.memory_space<hbm>>
      %dma_start3A_152 = tpu.memref_slice %arg4[%mul3A_148] : memref<16777216xf32, #tpu.memory_space<hbm>> -> memref<16384xf32, #tpu.memory_space<hbm>>
      %dma_start3A_153 = arith.constant 0 : i32
      %dma_start3A_154 = tpu.memref_slice %arg9[%dma_start3A_153] : memref<32768xf32, #tpu.memory_space<vmem>> -> memref<16384xf32, #tpu.memory_space<vmem>>
      tpu.enqueue_dma source(%dma_start3A_154 : memref<16384xf32, #tpu.memory_space<vmem>>) target(%dma_start3A_152 : memref<16384xf32, #tpu.memory_space<hbm>>) target_semaphore(%arg11 : memref<!tpu.dma_semaphore, #tpu.memory_space<semaphore_mem>>)
      %add3A_155 = arith.constant 8388608 : i32
      %add3A_156 = arith.addi %add3A_155, %mul3A_148 : i32
      %dma_start3A_157 = arith.constant 16384 : i32
      %dma_start3A_158 = tpu.memref_slice %arg9[%dma_start3A_157] : memref<32768xf32, #tpu.memory_space<vmem>> -> memref<16384xf32, #tpu.memory_space<vmem>>
      %dma_start3A_159 = tpu.memref_slice %arg4[%add3A_156] : memref<16777216xf32, #tpu.memory_space<hbm>> -> memref<16384xf32, #tpu.memory_space<hbm>>
      %dma_start3A_160 = tpu.memref_slice %arg4[%add3A_156] : memref<16777216xf32, #tpu.memory_space<hbm>> -> memref<16384xf32, #tpu.memory_space<hbm>>
      %dma_start3A_161 = arith.constant 16384 : i32
      %dma_start3A_162 = tpu.memref_slice %arg9[%dma_start3A_161] : memref<32768xf32, #tpu.memory_space<vmem>> -> memref<16384xf32, #tpu.memory_space<vmem>>
      tpu.enqueue_dma source(%dma_start3A_162 : memref<16384xf32, #tpu.memory_space<vmem>>) target(%dma_start3A_160 : memref<16384xf32, #tpu.memory_space<hbm>>) target_semaphore(%arg11 : memref<!tpu.dma_semaphore, #tpu.memory_space<semaphore_mem>>)
    }
    %scan3A_40 = arith.constant 8 : i32
    %add3A_41 = arith.constant 28672 : i32
    %add3A_42 = arith.addi %mul3A_2, %add3A_41 : i32
    %mul3A_43 = arith.constant 8 : i32
    %mul3A_44 = arith.muli %add3A_42, %mul3A_43 : i32
    %dma_wait3A = arith.constant 0 : i32
    %dma_wait3A_45 = tpu.memref_slice %arg8[%dma_wait3A] : memref<32768xf32, #tpu.memory_space<vmem>> -> memref<16384xf32, #tpu.memory_space<vmem>>
    %dma_wait3A_46 = tpu.memref_slice %arg4[%mul3A_44] : memref<16777216xf32, #tpu.memory_space<hbm>> -> memref<16384xf32, #tpu.memory_space<hbm>>
    %dma_wait3A_47 = tpu.memref_slice %arg4[%mul3A_44] : memref<16777216xf32, #tpu.memory_space<hbm>> -> memref<16384xf32, #tpu.memory_space<hbm>>
    %dma_wait3A_48 = arith.constant 0 : i32
    %dma_wait3A_49 = tpu.memref_slice %arg8[%dma_wait3A_48] : memref<32768xf32, #tpu.memory_space<vmem>> -> memref<16384xf32, #tpu.memory_space<vmem>>
    tpu.wait_dma2 semaphore(%arg10 : memref<!tpu.dma_semaphore, #tpu.memory_space<semaphore_mem>>) src(%dma_wait3A_49 : memref<16384xf32, #tpu.memory_space<vmem>>) dst(%dma_wait3A_47 : memref<16384xf32, #tpu.memory_space<hbm>>)
    %add3A_50 = arith.constant 8388608 : i32
    %add3A_51 = arith.addi %add3A_50, %mul3A_44 : i32
    %dma_wait3A_52 = arith.constant 16384 : i32
    %dma_wait3A_53 = tpu.memref_slice %arg8[%dma_wait3A_52] : memref<32768xf32, #tpu.memory_space<vmem>> -> memref<16384xf32, #tpu.memory_space<vmem>>
    %dma_wait3A_54 = tpu.memref_slice %arg4[%add3A_51] : memref<16777216xf32, #tpu.memory_space<hbm>> -> memref<16384xf32, #tpu.memory_space<hbm>>
    %dma_wait3A_55 = tpu.memref_slice %arg4[%add3A_51] : memref<16777216xf32, #tpu.memory_space<hbm>> -> memref<16384xf32, #tpu.memory_space<hbm>>
    %dma_wait3A_56 = arith.constant 16384 : i32
    %dma_wait3A_57 = tpu.memref_slice %arg8[%dma_wait3A_56] : memref<32768xf32, #tpu.memory_space<vmem>> -> memref<16384xf32, #tpu.memory_space<vmem>>
    tpu.wait_dma2 semaphore(%arg10 : memref<!tpu.dma_semaphore, #tpu.memory_space<semaphore_mem>>) src(%dma_wait3A_57 : memref<16384xf32, #tpu.memory_space<vmem>>) dst(%dma_wait3A_55 : memref<16384xf32, #tpu.memory_space<hbm>>)
    %add3A_58 = arith.constant 30720 : i32
    %add3A_59 = arith.addi %mul3A_2, %add3A_58 : i32
    %mul3A_60 = arith.constant 8 : i32
    %mul3A_61 = arith.muli %add3A_59, %mul3A_60 : i32
    %dma_wait3A_62 = arith.constant 0 : i32
    %dma_wait3A_63 = tpu.memref_slice %arg9[%dma_wait3A_62] : memref<32768xf32, #tpu.memory_space<vmem>> -> memref<16384xf32, #tpu.memory_space<vmem>>
    %dma_wait3A_64 = tpu.memref_slice %arg4[%mul3A_61] : memref<16777216xf32, #tpu.memory_space<hbm>> -> memref<16384xf32, #tpu.memory_space<hbm>>
    %dma_wait3A_65 = tpu.memref_slice %arg4[%mul3A_61] : memref<16777216xf32, #tpu.memory_space<hbm>> -> memref<16384xf32, #tpu.memory_space<hbm>>
    %dma_wait3A_66 = arith.constant 0 : i32
    %dma_wait3A_67 = tpu.memref_slice %arg9[%dma_wait3A_66] : memref<32768xf32, #tpu.memory_space<vmem>> -> memref<16384xf32, #tpu.memory_space<vmem>>
    tpu.wait_dma2 semaphore(%arg11 : memref<!tpu.dma_semaphore, #tpu.memory_space<semaphore_mem>>) src(%dma_wait3A_67 : memref<16384xf32, #tpu.memory_space<vmem>>) dst(%dma_wait3A_65 : memref<16384xf32, #tpu.memory_space<hbm>>)
    %add3A_68 = arith.constant 8388608 : i32
    %add3A_69 = arith.addi %add3A_68, %mul3A_61 : i32
    %dma_wait3A_70 = arith.constant 16384 : i32
    %dma_wait3A_71 = tpu.memref_slice %arg9[%dma_wait3A_70] : memref<32768xf32, #tpu.memory_space<vmem>> -> memref<16384xf32, #tpu.memory_space<vmem>>
    %dma_wait3A_72 = tpu.memref_slice %arg4[%add3A_69] : memref<16777216xf32, #tpu.memory_space<hbm>> -> memref<16384xf32, #tpu.memory_space<hbm>>
    %dma_wait3A_73 = tpu.memref_slice %arg4[%add3A_69] : memref<16777216xf32, #tpu.memory_space<hbm>> -> memref<16384xf32, #tpu.memory_space<hbm>>
    %dma_wait3A_74 = arith.constant 16384 : i32
    %dma_wait3A_75 = tpu.memref_slice %arg9[%dma_wait3A_74] : memref<32768xf32, #tpu.memory_space<vmem>> -> memref<16384xf32, #tpu.memory_space<vmem>>
    tpu.wait_dma2 semaphore(%arg11 : memref<!tpu.dma_semaphore, #tpu.memory_space<semaphore_mem>>) src(%dma_wait3A_75 : memref<16384xf32, #tpu.memory_space<vmem>>) dst(%dma_wait3A_73 : memref<16384xf32, #tpu.memory_space<hbm>>)
    return
  }
}

</mosaic_0001>

<sc_bundles>
// kernel: kernel.3.cloned.1.call-start
scs
__scs_entry_jumppad:
0x0: {  	(pc) =	sbr.rel $0x88, $3  }
0x1: {  	(tag) =	ssettag $0x0;
	lr =	simm.s32 $0x1  }
0x2: {  	[smem:$0x3F9F] =	sst lr;
	_ =	strace $0xD0000000  }
0x3: {  	_ = 	snop  }
0x4: {  	_ = 	snop  }
0x5: {  	_ = 	snop  }
0x6: {  	_ = 	snop  }
0x7: {  	_ = 	snop  }
__scs_overlays_trampoline_lowered:
0x8: {  	[smem:$0x3FAE] =	sst s0  }
0x9: {  	[smem:$0x3FAF] =	sst s1  }
0xa: {  	[smem:$0x3FB0] =	sst s2  }
0xb: {  	[smem:$0x3FB1] =	sst s3  }
0xc: {  	[smem:$0x3FB2] =	sst s4  }
0xd: {  	[smem:$0x3FB3] =	sst s5  }
0xe: {  	[smem:$0x3FB4] =	sst s6  }
0xf: {  	[smem:$0x3FB5] =	sst s7  }
0x10: {  	[smem:$0x3FB6] =	sst s8  }
0x11: {  	[smem:$0x3FB7] =	sst s9;
	s0 =	simm.s32 @!p0 $0x0  }
0x12: {  	s1 =	sld [smem:$0x3F9D];
	s0 =	simm.s32 @p0 $0x1  }
0x13: {  	[smem:$0x3FB8] =	sst s0;
	s0 =	simm.s32 @!p1 $0x0  }
0x14: {  	s2 =	sld [smem:$0x3F9C];
	s0 =	simm.s32 @p1 $0x1  }
0x15: {  	[smem:$0x3FB9] =	sst s0;
	s0 =	simm.s32 @!p2 $0x0  }
0x16: {  	s3 =	sld [smem:$0x3FDB];
	s0 =	simm.s32 @p2 $0x1  }
0x17: {  	s4 =	simm.s32 $0x1BF5;
	[smem:$0x3FBB] =	sst s0  }
0x18: {  	s0 =	sld [smem:$0x3F9E];
	_ =	swait.ge [sflag:s4], $0x0  }
0x19: {  	s7 =	sld [smem:$0x3F9F]  }
0x1a: {  	s8 =	sadd.s32 $0xFFFFE003, lr  }
0x1b: {  	s9 =	sadd.s32 $0xFFFFFEF7, lr;
	s5 =	simm.s32 $0xFFFFFFFF;
	p2 =	slt.u32 s8, $0xFFFFF086  }
0x1c: {  	p1 =	slt.u32 s9, $0xF7A;
	s5 =	simm.s32 @!p2 $0x0  }
0x1d: {  	s5 =	simm.s32 @p1 $0x1;
	p0 =	seq.s32 s7, s2  }
0x1e: {  	s7 =	smul.u32 @!p0 $0xF7A, s2;
	p2 =	seq.s32 @!p0 s5, $0x0  }
0x1f: {  	s9 =	smul.u32 $0xF7A, s1;
	s8 =	simm.s32 @!p0 $0x1BF5;
	p2 =	por !p2, p0  }
0x20: {  	[sflag:s8] =	ssyncset.s32 @!p0 $0xFFFFF086;
	s6 =	sadd.s32 @!p0 s3, s7;
	s7 =	simm.s32 @!p0 $0x108  }
0x21: {  	s3 =	sadd.s32 s3, s9;
	s6 =	sadd.s32 @!p0 $0x88, s6;
	s7 =	simm.s32 @p2 $0x1082  }
0x22: {  	[simem:s7], [sflag:s8] =	dma.local @!p0 [hbm:s6], $0xF7A  }
0x23: {  	s9 =	sor.u32 $0xD0000000, s2;
	s6 =	simm.s32 $0x108;
	_ =	swait.ge @!p0 [sflag:s8], $0x0  }
0x24: {  	s3 =	sadd.s32 $0x88, s3;
	s6 =	simm.s32 @!p1 $0x1082;
	[sflag:s4] =	ssyncset.s32 $0xFFFFF086  }
0x25: {  	[simem:s6], [sflag:s4] =	dma.local [hbm:s3], $0xF7A  }
0x26: {  	[smem:$0x3F9F] =	sst s1;
	(tag) =	ssettag s2;
	_ =	strace s9  }
0x27: {  	s1 =	sld [smem:$0x3FAF]  }
0x28: {  	s2 =	sld [smem:$0x3FB0]  }
0x29: {  	s4 =	sld [smem:$0x3FB2]  }
0x2a: {  	p0 =	seq.s32 s5, $0x0;
	s5 =	sld [smem:$0x3FB3]  }
0x2b: {  	s6 =	sld [smem:$0x3FB4]  }
0x2c: {  	s7 =	sld [smem:$0x3FB5]  }
0x2d: {  	s3 =	simm.s32 $0x108;
	s8 =	sld [smem:$0x3FB6]  }
0x2e: {  	s3 =	simm.s32 @!p0 $0x1082;
	s9 =	sld [smem:$0x3FB7]  }
0x2f: {  	lr =	sadd.s32 s0, s3;
	s0 =	sld [smem:$0x3FAE]  }
0x30: {  	s3 =	sld [smem:$0x3FB1]  }
0x31: {  	[smem:$0x3FBA] =	sst s10  }
0x32: {  	s10 =	sld [smem:$0x3FB8];
	_ =	sdelay $0x3  }
0x33: {  	p0 =	seq.s32 s10, $0x1;
	s10 =	sld [smem:$0x3FBA];
	_ =	sdelay $0x3  }
0x34: {  	[smem:$0x3FBA] =	sst s10  }
0x35: {  	s10 =	sld [smem:$0x3FB9];
	_ =	sdelay $0x3  }
0x36: {  	p1 =	seq.s32 s10, $0x1;
	s10 =	sld [smem:$0x3FBA];
	_ =	sdelay $0x3  }
0x37: {  	[smem:$0x3FBA] =	sst s10  }
0x38: {  	s10 =	sld [smem:$0x3FBB]  }
0x39: {  	_ = 	snop;
	(pc) =	sbr.ind lr, $3  }
0x3a: {  	_ = 	snop  }
0x3b: {  	_ = 	snop  }
0x3c: {  	p2 =	seq.s32 s10, $0x1;
	s10 =	sld [smem:$0x3FBA]  }
0x3d: {  	_ =	shalt  }
0x3e: {  	_ =	shalt  }
0x3f: {  	_ =	shalt  }
0x40: {  	_ =	shalt  }
0x41: {  	_ =	shalt  }
0x42: {  	_ =	shalt  }
0x43: {  	_ =	shalt  }
0x44: {  	_ =	shalt  }
0x45: {  	_ =	shalt  }
0x46: {  	_ =	shalt  }
0x47: {  	_ =	shalt  }
0x48: {  	_ =	shalt  }
0x49: {  	_ =	shalt  }
0x4a: {  	_ =	shalt  }
0x4b: {  	_ =	shalt  }
0x4c: {  	_ =	shalt  }
0x4d: {  	_ =	shalt  }
0x4e: {  	_ =	shalt  }
0x4f: {  	_ =	shalt  }
0x50: {  	_ =	shalt  }
0x51: {  	_ =	shalt  }
0x52: {  	_ =	shalt  }
0x53: {  	_ =	shalt  }
0x54: {  	_ =	shalt  }
0x55: {  	_ =	shalt  }
0x56: {  	_ =	shalt  }
0x57: {  	_ =	shalt  }
0x58: {  	_ =	shalt  }
0x59: {  	_ =	shalt  }
0x5a: {  	_ =	shalt  }
0x5b: {  	_ =	shalt  }
0x5c: {  	_ =	shalt  }
0x5d: {  	_ =	shalt  }
0x5e: {  	_ =	shalt  }
0x5f: {  	_ =	shalt  }
0x60: {  	_ =	shalt  }
0x61: {  	_ =	shalt  }
0x62: {  	_ =	shalt  }
0x63: {  	_ =	shalt  }
0x64: {  	_ =	shalt  }
0x65: {  	_ =	shalt  }
0x66: {  	_ =	shalt  }
0x67: {  	_ =	shalt  }
0x68: {  	_ =	shalt  }
0x69: {  	_ =	shalt  }
0x6a: {  	_ =	shalt  }
0x6b: {  	_ =	shalt  }
0x6c: {  	_ =	shalt  }
0x6d: {  	_ =	shalt  }
0x6e: {  	_ =	shalt  }
0x6f: {  	_ =	shalt  }
0x70: {  	_ =	shalt  }
0x71: {  	_ =	shalt  }
0x72: {  	_ =	shalt  }
0x73: {  	_ =	shalt  }
0x74: {  	_ =	shalt  }
0x75: {  	_ =	shalt  }
0x76: {  	_ =	shalt  }
0x77: {  	_ =	shalt  }
0x78: {  	_ =	shalt  }
0x79: {  	_ =	shalt  }
0x7a: {  	_ =	shalt  }
0x7b: {  	_ =	shalt  }
0x7c: {  	_ =	shalt  }
0x7d: {  	_ =	shalt  }
0x7e: {  	_ =	shalt  }
0x7f: {  	_ =	shalt  }
0x80: {  	_ =	shalt  }
0x81: {  	_ =	shalt  }
0x82: {  	_ =	shalt  }
0x83: {  	_ =	shalt  }
0x84: {  	_ =	shalt  }
0x85: {  	_ =	shalt  }
0x86: {  	_ =	shalt  }
0x87: {  	_ =	shalt  }
.Lfunc_end0:
.L_simem_size_0:
called_computation_lowered:
.L_overlay_start_0:
0x88: {  	s2 =	sld [smem:$0x3FD9]  }
0x89: {  	s3 =	sld [smem:$0x3FFE];
	_ =	sdelay $0x1  }
0x8a: {  	s1 =	srdreg.scid  }
0x8b: {  	s0 =	sand.u32 $0x1, s1  }
0x8c: {  	s17 =	sshll.u32 s0, $0xA;
	s2 =	sadd.s32 s3, s2  }
0x8d: {  	s2 =	sadd.s32 s2, s17  }
0x8e: {  	[smem:$0x3FC6] =	sst s2  }
0x8f: {  	_ = 	snop  }
0x90: {  	s2 =	sld [smem:$0x3FC9]  }
0x91: {  	s18 =	sld [smem:$0x3FD0];
	(tm) =	ssettm $0x1  }
0x92: {  	s4 =	sld [smem:$0x3FFB];
	_ =	sdelay $0x3  }
0x93: {  	_ =	strace s4  }
0x94: {  	s4 =	sld [smem:$0x3FFC];
	_ =	sdelay $0x3  }
0x95: {  	_ =	strace s4  }
0x96: {  	s4 =	sld [smem:$0x3FFD];
	_ =	sdelay $0x3  }
0x97: {  	_ =	strace s4  }
0x98: {  	_ =	strace $0x8FFFFFFF  }
0x99: {  	s19 =	sld [smem:$0x3FDB];
	_ =	sdelay $0x1  }
0x9a: {  	s5 =	simm.s32 $_scs_section_size  }
0x9b: {  	s6 =	simm.s32 $_size__tile_overlayer_lowered;
	s7 =	simm.s32 $_tile_overlayer_lowered  }
0x9c: {  	s22 =	simm.s32 $0x1BFF;
	s21 =	sshll.u32 s7, $0x1;
	s4 =	sadd.s32 s5, s19  }
0x9d: {  	s8 =	simm.s32 $0x0;
	s20 =	sshll.u32 s6, $0x1;
	s6 =	sadd.s32 s21, s4  }
0x9e: {  	[timem:s8], [sflag:s22] =	dma.local [hbm:s6], s20  }
0x9f: {  	_ =	swait.ge [sflag:s22], s20  }
0xa0: {  	s5 =	ssub.s32 $0x0, s20;
	[sflag:s22] =	ssyncset.done $0x0  }
0xa1: {  	[sflag:s22] =	ssyncadd.s32 s5;
	_ =	sdelay $0x1  }
0xa2: {  	s23 =	simm.s32 $0x1B8B  }
0xa3: {  	_ =	swait.ge [sflag:s23], $0x1  }
0xa4: {  	[sflag:s23] =	ssyncset.done $0x0  }
0xa5: {  	s25 =	simm.s32 $0x1B8E;
	s24 =	sld [smem:$0x3FFE];
	[sflag:s23] =	ssyncadd.s32 $0xFFFFFFFF  }
0xa6: {  	s26 =	simm.s32 $execute0_lowered;
	[smem:$0x3FD2] =	sst s25  }
0xa7: {  	s6 =	sshll.u32 s26, $0x1;
	_ =	strace $0x80000046;
	[dreg:$0x1] =	wrdreg $0xFFFFFFFF  }
0xa8: {  	s28 =	simm.s32 $_size_execute0_lowered;
	s4 =	sadd.s32 s4, s6;
	[dreg:$0x0] =	wrdreg $0x0  }
0xa9: {  	s6 =	sshll.u32 s28, $0x1;
	[dreg:$0x2] =	wrdreg s4  }
0xaa: {  	[dreg:$0x3] =	wrdreg s6  }
0xab: {  	[dreg:$0x4] =	wrdreg $0xC0  }
0xac: {  	_ =	task [dreg:s8], $0x5FFFF  }
0xad: {  	[dreg:$0x1] =	wrdreg $0xFFFFFFFF  }
0xae: {  	[dreg:$0x0] =	wrdreg $0x60  }
0xaf: {  	[dreg:$0x2] =	wrdreg s2  }
0xb0: {  	[dreg:$0x3] =	wrdreg s24  }
0xb1: {  	[dreg:$0x4] =	wrdreg s18  }
0xb2: {  	[dreg:$0x5] =	wrdreg $0x9  }
0xb3: {  	_ =	task.clear_ibuf [dreg:s8], $0x6FFFF;
	_ =	strace $0x90000046  }
0xb4: {  	s29 =	simm.s32 $0x9;
	_ =	strace $0x80000048  }
0xb5: {  	_ =	swait.ge [sflag:s29], $0x1  }
0xb6: {  	[sflag:s29] =	ssyncadd.s32 $0xFFFFFFFF  }
0xb7: {  	_ =	strace $0x90000048  }
0xb8: {  	_ =	sfence  }
0xb9: {  	s30 =	sld [smem:$0x0];
	_ =	sdelay $0x2  }
0xba: {  	s31 =	sshll.u32 s1, $0xD;
	s1 =	sshrl.u32 s1, $0x2  }
0xbb: {  	s3 =	sand.u32 $0x4000, s31;
	s1 =	sadd.s32 s1, s30  }
0xbc: {  	s0 =	sor.u32 s3, s0;
	s1 =	sshll.u32 s1, $0x11  }
0xbd: {  	s0 =	sor.u32 s1, s0  }
0xbe: {  	s0 =	sadd.s32 $0x8F2B, s0  }
0xbf: {  	[sflag:s0] =	ssyncadd.remote.s32 $0x1  }
0xc0: {  	_ =	sfence.sel $0xFFFF  }
0xc1: {  	[dreg:$0x0] =	wrdreg $0xFFFFFFFF;
	(pc) =	sbr.abs _section_cstart, $3  }
0xc2: {  	[dreg:$0x1] =	wrdreg $0xFFFFFFFF  }
0xc3: {  	_ =	task.clear_ibuf [dreg:s8], $0x2FFFF;
	_ =	strace $0x9FFFFFFF  }
0xc4: {  	(tm) =	ssettm $0x7FFFFFFF  }
0xc5: {  	_ =	shalt  }
tec
execute0_lowered:
.L_overlay_start_1:
0x0: {  	(tag) =	ssettag $0x1  }
0x1: {  	s1 =	rddreg [dreg:$0x0]  }
0x2: {  	s0 =	rddreg [dreg:$0x1]  }
0x3: {  	s3 =	rddreg [dreg:$0x2]  }
0x4: {  	s2 =	srdreg.scid;
	s5 =	stileid.u32;
	s4 =	simm.s32 $0x0  }
0x5: {  	s13 =	simm.s32 $0x3;
	s14 =	simm.s32 $0x900;
	s15 =	simm.s32 $0x1100  }
0x6: {  	s16 =	simm.s32 $0x5100;
	s17 =	simm.s32 $0x4;
	s18 =	simm.s32 $0x9100  }
0x7: {  	s19 =	simm.s32 $0xD100;
	s21 =	simm.s32 $0x2;
	s2 =	sand.u32 $0x1, s2  }
0x8: {  	s5 =	sshll.u32 s5, $0x10;
	[smem:$0x7FF] =	sst s4;
	s6 =	sshll.u32 s2, $0xF  }
0x9: {  	s0 =	sadd.s32 $0x400, s0;
	s2 =	ssub.s32 $0x2, s2;
	s5 =	sor.u32 s6, s5  }
0xa: {  	_ =	strace $0x80000047;
	s29 =	sshrl.u32 s2, $0x1;
	s7 =	sshrl.u32 s5, $0x3  }
0xb: {  	[dreg:$0x4] =	wrdreg s0;
	s30 =	ssub.s32 s2, s29;
	s31 =	sadd.s32 s1, s7  }
0xc: {  	s8 =	sadd.s32 $0x100000, s3;
	s0 =	smax.u32 s30, $0x1;
	[dreg:$0x5] =	wrdreg s31  }
0xd: {  	v0 =	vimm.f32 $0.0e+00;
	s9 =	sor.u32 $0x1000, s5;
	s2 =	simm.s32 $0x0;
	[dreg:$0x6] =	wrdreg s0  }
.LBB2_1:
0xe: {  	[dreg:$0x7] =	wrdreg s2  }
0xf: {  	s0 =	rddreg [dreg:$0x4];
	s29 =	simm.s32 $0x5  }
0x10: {  	[tilespmem:s4], [sflag:$0x5] =	stream.linear.gather [hbm4b:s0+s4], $0x100, $0x38;
	[tilespmem:$0x11100] =	vst v63  }
0x11: {  	_ =	swait.ge [sflag:s29], $0x100  }
0x12: {  	[sflag:s29] =	ssyncset.done $0x0  }
0x13: {  	[sflag:s29] =	ssyncadd.s32 $0xFFFFFF00  }
0x14: {  	v1 =	vld [tilespmem:$0x0]  }
0x15: {  	v2 =	vld [tilespmem:$0x10]  }
0x16: {  	v3 =	vld [tilespmem:$0x20]  }
0x17: {  	v4 =	vld [tilespmem:$0x30]  }
0x18: {  	v5 =	vld [tilespmem:$0x40]  }
0x19: {  	v6 =	vld [tilespmem:$0x50]  }
0x1a: {  	v7 =	vld [tilespmem:$0x60]  }
0x1b: {  	v8 =	vld [tilespmem:$0x70]  }
0x1c: {  	v9 =	vld [tilespmem:$0x80]  }
0x1d: {  	v10 =	vld [tilespmem:$0x90]  }
0x1e: {  	v11 =	vld [tilespmem:$0xA0]  }
0x1f: {  	v12 =	vld [tilespmem:$0xB0]  }
0x20: {  	v13 =	vld [tilespmem:$0xC0]  }
0x21: {  	s31 =	simm.s32 $0x100;
	s23 =	simm.s32 $0x0;
	s30 =	rddreg [dreg:$0x5];
	v14 =	vld [tilespmem:$0xD0]  }
0x22: {  	v15 =	vld [tilespmem:$0xE0];
	[tilespmem:s31], [sflag:$0x3] =	stream.linear.gather [hbm4b:s30+s4], $0x800, $0x38  }
.LBB2_2:
0x23: {  	s25 =	sshll.u32 s23, $0xC  }
0x24: {  	s0 =	sadd.s32 s25, s5  }
0x25: {  	_ =	swait.ge [sflag:s13], $0x800;
	s24 =	sadd.s32 $0x800, s0  }
0x26: {  	[sflag:s13] =	ssyncset.done $0x0;
	s0 =	sshrl.u32 s24, $0x3  }
0x27: {  	p0 =	seq.s32 s23, $0x0;
	[sflag:s13] =	ssyncadd.s32 $0xFFFFF800;
	s0 =	sadd.s32 s1, s0  }
0x28: {  	[tilespmem:s14], [sflag:$0x4] =	stream.linear.gather [hbm4b:s0+s4], $0x800, $0x38;
	[tilespmem:$0x11100] =	vst v63  }
0x29: {  	s0 =	simm.s32 @!p0 $0x1  }
0x2a: {  	_ =	swait.ge @!p0 [sflag:s0], $0x4000  }
0x2b: {  	[sflag:s0] =	ssyncset.done @!p0 $0x0  }
0x2c: {  	[sflag:s0] =	ssyncadd.s32 @!p0 $0xFFFFC000  }
0x2d: {  	_ =	swait.ge @!p0 [sflag:s0], $0x4000  }
0x2e: {  	s26 =	simm.s32 $0x30;
	[sflag:s0] =	ssyncset.done @!p0 $0x0  }
0x2f: {  	s28 =	simm.s32 $0x0;
	s29 =	simm.s32 $0x120;
	[sflag:s0] =	ssyncadd.s32 @!p0 $0xFFFFC000  }
.LBB2_3:
0x30: {  	v16 =	vld [tilespmem:s29+$0xFFFFFFE0];
	_ =	sdelay $0x4  }
0x31: {  	vm0 =	vlt.f32 v1, v16;
	vm5 =	vlt.f32 v2, v16  }
0x32: {  	s11 =	sand.u32 $0x3C00, s28;
	s0 =	sadd.s32 $0xFFFFFFD0, s26;
	vm6 =	vlt.f32 v3, v16;
	vm7 =	vlt.f32 v4, v16;
	v17 =	vsel vm0, $0x3F800000, v0  }
0x33: {  	s20 =	sand.u32 $0x40, s0;
	s30 =	sadd.s32 $0x1100, s11;
	vm8 =	vlt.f32 v5, v16;
	v18 =	vsel vm5, $0x3F800000, v0;
	v19 =	vsub.f32 $1.000000000e+00, v17  }
0x34: {  	s0 =	sor.u32 s20, s30;
	vm9 =	vlt.f32 v6, v16;
	v20 =	vsel vm6, $0x3F800000, v0;
	v17 =	vsub.f32 v17, v18  }
0x35: {  	vm10 =	vlt.f32 v7, v16;
	v21 =	vsel vm7, $0x3F800000, v0;
	v18 =	vsub.f32 v18, v20;
	[tilespmem:s0+$0x0] =	vst v19  }
0x36: {  	vm11 =	vlt.f32 v8, v16;
	v52 =	vsel vm8, $0x3F800000, v0;
	v20 =	vsub.f32 v20, v21;
	[tilespmem:s0+$0x80] =	vst v17  }
0x37: {  	v53 =	vsel vm10, $0x3F800000, v0;
	v54 =	vsel vm11, $0x3F800000, v0;
	v21 =	vsub.f32 v21, v52;
	[tilespmem:s0+$0x100] =	vst v18  }
0x38: {  	v17 =	vsel vm9, $0x3F800000, v0;
	[tilespmem:s0+$0x180] =	vst v20;
	v18 =	vsub.f32 v53, v54  }
0x39: {  	vm12 =	vlt.f32 v9, v16;
	[tilespmem:s0+$0x200] =	vst v21;
	v19 =	vsub.f32 v52, v17  }
0x3a: {  	vm13 =	vlt.f32 v10, v16;
	v55 =	vsel vm12, $0x3F800000, v0;
	v17 =	vsub.f32 v17, v53;
	[tilespmem:s0+$0x380] =	vst v18  }
0x3b: {  	s31 =	sadd.s32 $0x5100, s11;
	vm14 =	vlt.f32 v11, v16;
	v56 =	vsel vm13, $0x3F800000, v0;
	v20 =	vsub.f32 v54, v55;
	[tilespmem:s0+$0x280] =	vst v19  }
0x3c: {  	s2 =	sor.u32 s20, s31;
	vm15 =	vlt.f32 v12, v16;
	v21 =	vsub.f32 v55, v56;
	[tilespmem:s0+$0x300] =	vst v17;
	v17 =	vsel vm14, $0x3F800000, v0;
	s0 =	sadd.s32 $0x5180, s11  }
0x3d: {  	vm4 =	vlt.f32 v13, v16;
	v57 =	vsel vm15, $0x3F800000, v0;
	v19 =	vsub.f32 v56, v17;
	[tilespmem:s2+$0x0] =	vst v20;
	s6 =	sor.u32 s20, s0;
	s2 =	sadd.s32 $0x5200, s11  }
0x3e: {  	s12 =	sadd.s32 $0x5280, s11;
	v58 =	vsel vm4, $0x3F800000, v0;
	vm5 =	vlt.f32 v14, v16;
	v17 =	vsub.f32 v17, v57;
	[tilespmem:s6+$0x0] =	vst v21;
	s10 =	sor.u32 s20, s2  }
0x3f: {  	s7 =	sor.u32 s20, s12;
	vm6 =	vlt.f32 v15, v16;
	v59 =	vsel vm5, $0x3F800000, v0;
	v16 =	vsub.f32 v57, v58;
	s6 =	sadd.s32 $0x5300, s11;
	[tilespmem:s10+$0x0] =	vst v19  }
0x40: {  	v60 =	vsel vm6, $0x3F800000, v0;
	v61 =	vsub.f32 v58, v59;
	s10 =	sor.u32 s20, s6;
	[tilespmem:s7+$0x0] =	vst v17;
	s7 =	sadd.s32 $0x5380, s11  }
0x41: {  	v17 =	vsub.f32 v59, v60;
	[tilespmem:s10+$0x0] =	vst v16;
	s22 =	sor.u32 s20, s7;
	s10 =	sadd.s32 $0x5400, s11  }
0x42: {  	s11 =	sadd.s32 $0x5480, s11;
	[tilespmem:s22+$0x0] =	vst v61;
	s22 =	sor.u32 s20, s10  }
0x43: {  	s20 =	sor.u32 s20, s11;
	[tilespmem:s22+$0x0] =	vst v17  }
0x44: {  	[tilespmem:s20+$0x0] =	vst v60  }
0x45: {  	v16 =	vld [tilespmem:s29+$0xFFFFFFF0];
	_ =	sdelay $0x4  }
0x46: {  	vm7 =	vlt.f32 v1, v16;
	vm8 =	vlt.f32 v2, v16  }
0x47: {  	s22 =	sadd.s32 $0xFFFFFFE0, s26;
	vm9 =	vlt.f32 v3, v16;
	vm10 =	vlt.f32 v4, v16;
	v17 =	vsel vm7, $0x3F800000, v0  }
0x48: {  	s20 =	sand.u32 $0x50, s22;
	vm11 =	vlt.f32 v5, v16;
	v62 =	vsel vm8, $0x3F800000, v0;
	v63 =	vsub.f32 $1.000000000e+00, v17  }
0x49: {  	s22 =	sor.u32 s20, s30;
	vm12 =	vlt.f32 v6, v16;
	v24 =	vsel vm9, $0x3F800000, v0;
	v17 =	vsub.f32 v17, v62  }
0x4a: {  	vm13 =	vlt.f32 v7, v16;
	v25 =	vsel vm10, $0x3F800000, v0;
	v18 =	vsub.f32 v62, v24;
	[tilespmem:s22+$0x0] =	vst v63  }
0x4b: {  	vm14 =	vlt.f32 v8, v16;
	v26 =	vsel vm11, $0x3F800000, v0;
	v20 =	vsub.f32 v24, v25;
	[tilespmem:s22+$0x80] =	vst v17  }
0x4c: {  	v27 =	vsel vm13, $0x3F800000, v0;
	v28 =	vsel vm14, $0x3F800000, v0;
	v21 =	vsub.f32 v25, v26;
	[tilespmem:s22+$0x100] =	vst v18  }
0x4d: {  	v17 =	vsel vm12, $0x3F800000, v0;
	[tilespmem:s22+$0x180] =	vst v20;
	v18 =	vsub.f32 v27, v28  }
0x4e: {  	vm15 =	vlt.f32 v9, v16;
	[tilespmem:s22+$0x200] =	vst v21;
	v19 =	vsub.f32 v26, v17  }
0x4f: {  	vm4 =	vlt.f32 v10, v16;
	v29 =	vsel vm15, $0x3F800000, v0;
	v17 =	vsub.f32 v17, v27;
	[tilespmem:s22+$0x380] =	vst v18  }
0x50: {  	vm5 =	vlt.f32 v11, v16;
	v30 =	vsel vm4, $0x3F800000, v0;
	v20 =	vsub.f32 v28, v29;
	[tilespmem:s22+$0x280] =	vst v19  }
0x51: {  	vm6 =	vlt.f32 v12, v16;
	v21 =	vsub.f32 v29, v30;
	[tilespmem:s22+$0x300] =	vst v17;
	v17 =	vsel vm5, $0x3F800000, v0;
	s22 =	sor.u32 s20, s31  }
0x52: {  	v31 =	vsel vm6, $0x3F800000, v0;
	vm7 =	vlt.f32 v13, v16;
	v19 =	vsub.f32 v30, v17;
	[tilespmem:s22+$0x0] =	vst v20;
	s22 =	sor.u32 s20, s0  }
0x53: {  	vm8 =	vlt.f32 v14, v16;
	v32 =	vsel vm7, $0x3F800000, v0;
	v17 =	vsub.f32 v17, v31;
	[tilespmem:s22+$0x0] =	vst v21;
	s22 =	sor.u32 s20, s2  }
0x54: {  	vm9 =	vlt.f32 v15, v16;
	v33 =	vsel vm8, $0x3F800000, v0;
	v16 =	vsub.f32 v31, v32;
	[tilespmem:s22+$0x0] =	vst v19;
	s22 =	sor.u32 s20, s12  }
0x55: {  	v34 =	vsel vm9, $0x3F800000, v0;
	v35 =	vsub.f32 v32, v33;
	[tilespmem:s22+$0x0] =	vst v17;
	s22 =	sor.u32 s20, s6  }
0x56: {  	v17 =	vsub.f32 v33, v34;
	[tilespmem:s22+$0x0] =	vst v16;
	s22 =	sor.u32 s20, s7  }
0x57: {  	[tilespmem:s22+$0x0] =	vst v35;
	s22 =	sor.u32 s20, s10  }
0x58: {  	s20 =	sor.u32 s20, s11;
	[tilespmem:s22+$0x0] =	vst v17  }
0x59: {  	[tilespmem:s20+$0x0] =	vst v34  }
0x5a: {  	v16 =	vld [tilespmem:s29+$0x0];
	_ =	sdelay $0x4  }
0x5b: {  	vm10 =	vlt.f32 v1, v16;
	vm11 =	vlt.f32 v2, v16  }
0x5c: {  	s22 =	sadd.s32 $0xFFFFFFF0, s26;
	vm12 =	vlt.f32 v3, v16;
	vm13 =	vlt.f32 v4, v16;
	v17 =	vsel vm10, $0x3F800000, v0  }
0x5d: {  	s20 =	sand.u32 $0x60, s22;
	vm14 =	vlt.f32 v5, v16;
	v36 =	vsel vm11, $0x3F800000, v0;
	v37 =	vsub.f32 $1.000000000e+00, v17  }
0x5e: {  	s22 =	sor.u32 s20, s30;
	vm15 =	vlt.f32 v6, v16;
	v38 =	vsel vm12, $0x3F800000, v0;
	v17 =	vsub.f32 v17, v36  }
0x5f: {  	vm4 =	vlt.f32 v7, v16;
	v39 =	vsel vm13, $0x3F800000, v0;
	v18 =	vsub.f32 v36, v38;
	[tilespmem:s22+$0x0] =	vst v37  }
0x60: {  	vm5 =	vlt.f32 v8, v16;
	v40 =	vsel vm14, $0x3F800000, v0;
	v20 =	vsub.f32 v38, v39;
	[tilespmem:s22+$0x80] =	vst v17  }
0x61: {  	v41 =	vsel vm4, $0x3F800000, v0;
	v42 =	vsel vm5, $0x3F800000, v0;
	v21 =	vsub.f32 v39, v40;
	[tilespmem:s22+$0x100] =	vst v18  }
0x62: {  	v17 =	vsel vm15, $0x3F800000, v0;
	[tilespmem:s22+$0x180] =	vst v20;
	v18 =	vsub.f32 v41, v42  }
0x63: {  	vm6 =	vlt.f32 v9, v16;
	[tilespmem:s22+$0x200] =	vst v21;
	v19 =	vsub.f32 v40, v17  }
0x64: {  	vm7 =	vlt.f32 v10, v16;
	v43 =	vsel vm6, $0x3F800000, v0;
	v17 =	vsub.f32 v17, v41;
	[tilespmem:s22+$0x380] =	vst v18  }
0x65: {  	vm8 =	vlt.f32 v11, v16;
	v44 =	vsel vm7, $0x3F800000, v0;
	v20 =	vsub.f32 v42, v43;
	[tilespmem:s22+$0x280] =	vst v19  }
0x66: {  	vm9 =	vlt.f32 v12, v16;
	v21 =	vsub.f32 v43, v44;
	[tilespmem:s22+$0x300] =	vst v17;
	v17 =	vsel vm8, $0x3F800000, v0;
	s22 =	sor.u32 s20, s31  }
0x67: {  	v45 =	vsel vm9, $0x3F800000, v0;
	vm10 =	vlt.f32 v13, v16;
	v19 =	vsub.f32 v44, v17;
	[tilespmem:s22+$0x0] =	vst v20;
	s22 =	sor.u32 s20, s0  }
0x68: {  	vm11 =	vlt.f32 v14, v16;
	v46 =	vsel vm10, $0x3F800000, v0;
	v17 =	vsub.f32 v17, v45;
	[tilespmem:s22+$0x0] =	vst v21;
	s22 =	sor.u32 s20, s2  }
0x69: {  	vm12 =	vlt.f32 v15, v16;
	v47 =	vsel vm11, $0x3F800000, v0;
	v16 =	vsub.f32 v45, v46;
	[tilespmem:s22+$0x0] =	vst v19;
	s22 =	sor.u32 s20, s12  }
0x6a: {  	v48 =	vsel vm12, $0x3F800000, v0;
	v49 =	vsub.f32 v46, v47;
	[tilespmem:s22+$0x0] =	vst v17;
	s22 =	sor.u32 s20, s6  }
0x6b: {  	v17 =	vsub.f32 v47, v48;
	[tilespmem:s22+$0x0] =	vst v16;
	s22 =	sor.u32 s20, s7  }
0x6c: {  	[tilespmem:s22+$0x0] =	vst v49;
	s22 =	sor.u32 s20, s10  }
0x6d: {  	s20 =	sor.u32 s20, s11;
	[tilespmem:s22+$0x0] =	vst v17  }
0x6e: {  	[tilespmem:s20+$0x0] =	vst v48  }
0x6f: {  	v16 =	vld [tilespmem:s29+$0x10];
	_ =	sdelay $0x4  }
0x70: {  	vm13 =	vlt.f32 v1, v16;
	vm14 =	vlt.f32 v2, v16  }
0x71: {  	vm15 =	vlt.f32 v3, v16;
	vm4 =	vlt.f32 v4, v16;
	v17 =	vsel vm13, $0x3F800000, v0  }
0x72: {  	s20 =	sand.u32 $0x70, s26;
	vm5 =	vlt.f32 v5, v16;
	v50 =	vsel vm14, $0x3F800000, v0;
	v51 =	vsub.f32 $1.000000000e+00, v17  }
0x73: {  	s30 =	sor.u32 s20, s30;
	vm6 =	vlt.f32 v6, v16;
	v52 =	vsel vm15, $0x3F800000, v0;
	v17 =	vsub.f32 v17, v50  }
0x74: {  	vm7 =	vlt.f32 v7, v16;
	v53 =	vsel vm4, $0x3F800000, v0;
	v18 =	vsub.f32 v50, v52;
	[tilespmem:s30+$0x0] =	vst v51  }
0x75: {  	vm8 =	vlt.f32 v8, v16;
	v54 =	vsel vm5, $0x3F800000, v0;
	v20 =	vsub.f32 v52, v53;
	[tilespmem:s30+$0x80] =	vst v17  }
0x76: {  	v55 =	vsel vm7, $0x3F800000, v0;
	v56 =	vsel vm8, $0x3F800000, v0;
	v21 =	vsub.f32 v53, v54;
	[tilespmem:s30+$0x100] =	vst v18  }
0x77: {  	v17 =	vsel vm6, $0x3F800000, v0;
	[tilespmem:s30+$0x180] =	vst v20;
	v18 =	vsub.f32 v55, v56  }
0x78: {  	vm9 =	vlt.f32 v9, v16;
	[tilespmem:s30+$0x200] =	vst v21;
	v19 =	vsub.f32 v54, v17  }
0x79: {  	vm10 =	vlt.f32 v10, v16;
	v57 =	vsel vm9, $0x3F800000, v0;
	v17 =	vsub.f32 v17, v55;
	[tilespmem:s30+$0x380] =	vst v18  }
0x7a: {  	vm11 =	vlt.f32 v11, v16;
	v58 =	vsel vm10, $0x3F800000, v0;
	v20 =	vsub.f32 v56, v57;
	[tilespmem:s30+$0x280] =	vst v19  }
0x7b: {  	vm12 =	vlt.f32 v12, v16;
	v21 =	vsub.f32 v57, v58;
	[tilespmem:s30+$0x300] =	vst v17;
	v17 =	vsel vm11, $0x3F800000, v0;
	s30 =	sor.u32 s20, s31  }
0x7c: {  	s0 =	sor.u32 s20, s0;
	v59 =	vsel vm12, $0x3F800000, v0;
	vm13 =	vlt.f32 v13, v16;
	v19 =	vsub.f32 v58, v17;
	[tilespmem:s30+$0x0] =	vst v20  }
0x7d: {  	vm14 =	vlt.f32 v14, v16;
	v60 =	vsel vm13, $0x3F800000, v0;
	s31 =	sor.u32 s20, s2;
	v17 =	vsub.f32 v17, v59;
	[tilespmem:s0+$0x0] =	vst v21  }
0x7e: {  	p0 =	sne.s32 s26, $0x7F0;
	vm15 =	vlt.f32 v15, v16;
	v61 =	vsel vm14, $0x3F800000, v0;
	v16 =	vsub.f32 v59, v60;
	s2 =	sor.u32 s20, s12;
	[tilespmem:s31+$0x0] =	vst v19  }
.Ltmp0:
0x7f: {  	v62 =	vsel vm15, $0x3F800000, v0;
	v63 =	vsub.f32 v60, v61;
	s12 =	sor.u32 s20, s6;
	[tilespmem:s2+$0x0] =	vst v17;
	(pc) =	sbr.rel @p0 .LBB2_3-.Ltmp0, $4  }
0x80: {  	s22 =	sor.u32 s20, s7;
	v17 =	vsub.f32 v61, v62;
	[tilespmem:s12+$0x0] =	vst v16  }
0x81: {  	s30 =	sor.u32 s20, s10;
	[tilespmem:s22+$0x0] =	vst v63  }
0x82: {  	s31 =	sor.u32 s20, s11;
	[tilespmem:s30+$0x0] =	vst v17  }
0x83: {  	s28 =	sadd.s32 $0x200, s28;
	s26 =	sadd.s32 $0x40, s26;
	s29 =	sadd.s32 $0x40, s29;
	[tilespmem:s31+$0x0] =	vst v62  }
0x84: {  	s0 =	sadd.s32 s5, s25  }
0x85: {  	s2 =	sadd.s32 s3, s0  }
0x86: {  	[hbm4b:s2+s4] =	stream.linear.scatter [tilespmem:s15], [sflag:$0x1], $0x4000, $0x38;
	[tilespmem:$0x11100] =	vst v63  }
0x87: {  	p0 =	seq.s32 s23, $0x7;
	s0 =	sadd.s32 s0, s8  }
0x88: {  	[hbm4b:s0+s4] =	stream.linear.scatter [tilespmem:s16], [sflag:$0x1], $0x4000, $0x38;
	[tilespmem:$0x11100] =	vst v63  }
0x89: {  	p1 =	seq.s32 @!p0 s23, $0x0;
	s0 =	sadd.s32 @!p0 s25, s9;
	_ =	swait.ge [sflag:s17], $0x800  }
0x8a: {  	s6 =	simm.s32 @!p0 $0x100;
	s0 =	sshrl.u32 @!p0 s0, $0x3;
	[sflag:s17] =	ssyncset.done $0x0  }
0x8b: {  	s2 =	simm.s32 @!p0 $0x0;
	s0 =	sadd.s32 @!p0 s1, s0;
	[sflag:s17] =	ssyncadd.s32 $0xFFFFF800  }
0x8c: {  	[tilespmem:s6], [sflag:$0x3] =	stream.linear.gather @!p0 [hbm4b:s0+s2], $0x800, $0x38;
	[tilespmem:$0x11100] =	vst v63  }
0x8d: {  	p0 =	por p0, !p1  }
0x8e: {  	_ =	swait.ge @p0 [sflag:s21], $0x4000  }
0x8f: {  	[sflag:s21] =	ssyncset.done @p0 $0x0  }
0x90: {  	[sflag:s21] =	ssyncadd.s32 @p0 $0xFFFFC000  }
0x91: {  	_ =	swait.ge @p0 [sflag:s21], $0x4000  }
0x92: {  	s26 =	simm.s32 $0x0;
	[sflag:s21] =	ssyncset.done @p0 $0x0  }
0x93: {  	s28 =	simm.s32 $0x920;
	s25 =	simm.s32 $0x30;
	[sflag:s21] =	ssyncadd.s32 @p0 $0xFFFFC000  }
.LBB2_5:
0x94: {  	v16 =	vld [tilespmem:s28+$0xFFFFFFE0];
	_ =	sdelay $0x4  }
0x95: {  	vm0 =	vlt.f32 v1, v16;
	vm5 =	vlt.f32 v2, v16  }
0x96: {  	s11 =	sand.u32 $0x3C00, s26;
	s0 =	sadd.s32 $0xFFFFFFD0, s25;
	vm6 =	vlt.f32 v3, v16;
	vm7 =	vlt.f32 v4, v16;
	v17 =	vsel vm0, $0x3F800000, v0  }
0x97: {  	s20 =	sand.u32 $0x40, s0;
	s29 =	sadd.s32 $0x9100, s11;
	vm8 =	vlt.f32 v5, v16;
	v18 =	vsel vm5, $0x3F800000, v0;
	v19 =	vsub.f32 $1.000000000e+00, v17  }
0x98: {  	s0 =	sor.u32 s20, s29;
	vm9 =	vlt.f32 v6, v16;
	v20 =	vsel vm6, $0x3F800000, v0;
	v17 =	vsub.f32 v17, v18  }
0x99: {  	vm10 =	vlt.f32 v7, v16;
	v21 =	vsel vm7, $0x3F800000, v0;
	v18 =	vsub.f32 v18, v20;
	[tilespmem:s0+$0x0] =	vst v19  }
0x9a: {  	vm11 =	vlt.f32 v8, v16;
	v52 =	vsel vm8, $0x3F800000, v0;
	v20 =	vsub.f32 v20, v21;
	[tilespmem:s0+$0x80] =	vst v17  }
0x9b: {  	v53 =	vsel vm10, $0x3F800000, v0;
	v54 =	vsel vm11, $0x3F800000, v0;
	v21 =	vsub.f32 v21, v52;
	[tilespmem:s0+$0x100] =	vst v18  }
0x9c: {  	v17 =	vsel vm9, $0x3F800000, v0;
	[tilespmem:s0+$0x180] =	vst v20;
	v18 =	vsub.f32 v53, v54  }
0x9d: {  	vm12 =	vlt.f32 v9, v16;
	[tilespmem:s0+$0x200] =	vst v21;
	v19 =	vsub.f32 v52, v17  }
0x9e: {  	vm13 =	vlt.f32 v10, v16;
	v55 =	vsel vm12, $0x3F800000, v0;
	v17 =	vsub.f32 v17, v53;
	[tilespmem:s0+$0x380] =	vst v18  }
0x9f: {  	s30 =	sadd.s32 $0xD100, s11;
	vm14 =	vlt.f32 v11, v16;
	v56 =	vsel vm13, $0x3F800000, v0;
	v20 =	vsub.f32 v54, v55;
	[tilespmem:s0+$0x280] =	vst v19  }
0xa0: {  	s2 =	sor.u32 s20, s30;
	vm15 =	vlt.f32 v12, v16;
	v21 =	vsub.f32 v55, v56;
	[tilespmem:s0+$0x300] =	vst v17;
	v17 =	vsel vm14, $0x3F800000, v0;
	s0 =	sadd.s32 $0xD180, s11  }
0xa1: {  	vm4 =	vlt.f32 v13, v16;
	v57 =	vsel vm15, $0x3F800000, v0;
	v19 =	vsub.f32 v56, v17;
	[tilespmem:s2+$0x0] =	vst v20;
	s6 =	sor.u32 s20, s0;
	s2 =	sadd.s32 $0xD200, s11  }
0xa2: {  	s12 =	sadd.s32 $0xD280, s11;
	v58 =	vsel vm4, $0x3F800000, v0;
	vm5 =	vlt.f32 v14, v16;
	v17 =	vsub.f32 v17, v57;
	[tilespmem:s6+$0x0] =	vst v21;
	s22 =	sor.u32 s20, s2  }
0xa3: {  	s7 =	sor.u32 s20, s12;
	vm6 =	vlt.f32 v15, v16;
	v59 =	vsel vm5, $0x3F800000, v0;
	v16 =	vsub.f32 v57, v58;
	s6 =	sadd.s32 $0xD300, s11;
	[tilespmem:s22+$0x0] =	vst v19  }
0xa4: {  	v60 =	vsel vm6, $0x3F800000, v0;
	v61 =	vsub.f32 v58, v59;
	s10 =	sor.u32 s20, s6;
	[tilespmem:s7+$0x0] =	vst v17;
	s7 =	sadd.s32 $0xD380, s11  }
0xa5: {  	v17 =	vsub.f32 v59, v60;
	[tilespmem:s10+$0x0] =	vst v16;
	s22 =	sor.u32 s20, s7;
	s10 =	sadd.s32 $0xD400, s11  }
0xa6: {  	s11 =	sadd.s32 $0xD480, s11;
	[tilespmem:s22+$0x0] =	vst v61;
	s31 =	sor.u32 s20, s10  }
0xa7: {  	s20 =	sor.u32 s20, s11;
	[tilespmem:s31+$0x0] =	vst v17  }
0xa8: {  	[tilespmem:s20+$0x0] =	vst v60  }
0xa9: {  	v16 =	vld [tilespmem:s28+$0xFFFFFFF0];
	_ =	sdelay $0x4  }
0xaa: {  	vm7 =	vlt.f32 v1, v16;
	vm8 =	vlt.f32 v2, v16  }
0xab: {  	s22 =	sadd.s32 $0xFFFFFFE0, s25;
	vm9 =	vlt.f32 v3, v16;
	vm10 =	vlt.f32 v4, v16;
	v17 =	vsel vm7, $0x3F800000, v0  }
0xac: {  	s20 =	sand.u32 $0x50, s22;
	vm11 =	vlt.f32 v5, v16;
	v62 =	vsel vm8, $0x3F800000, v0;
	v63 =	vsub.f32 $1.000000000e+00, v17  }
0xad: {  	s31 =	sor.u32 s20, s29;
	vm12 =	vlt.f32 v6, v16;
	v24 =	vsel vm9, $0x3F800000, v0;
	v17 =	vsub.f32 v17, v62  }
0xae: {  	vm13 =	vlt.f32 v7, v16;
	v25 =	vsel vm10, $0x3F800000, v0;
	v18 =	vsub.f32 v62, v24;
	[tilespmem:s31+$0x0] =	vst v63  }
0xaf: {  	vm14 =	vlt.f32 v8, v16;
	v26 =	vsel vm11, $0x3F800000, v0;
	v20 =	vsub.f32 v24, v25;
	[tilespmem:s31+$0x80] =	vst v17  }
0xb0: {  	v27 =	vsel vm13, $0x3F800000, v0;
	v28 =	vsel vm14, $0x3F800000, v0;
	v21 =	vsub.f32 v25, v26;
	[tilespmem:s31+$0x100] =	vst v18  }
0xb1: {  	v17 =	vsel vm12, $0x3F800000, v0;
	[tilespmem:s31+$0x180] =	vst v20;
	v18 =	vsub.f32 v27, v28  }
0xb2: {  	vm15 =	vlt.f32 v9, v16;
	[tilespmem:s31+$0x200] =	vst v21;
	v19 =	vsub.f32 v26, v17  }
0xb3: {  	vm4 =	vlt.f32 v10, v16;
	v29 =	vsel vm15, $0x3F800000, v0;
	v17 =	vsub.f32 v17, v27;
	[tilespmem:s31+$0x380] =	vst v18  }
0xb4: {  	vm5 =	vlt.f32 v11, v16;
	v30 =	vsel vm4, $0x3F800000, v0;
	v20 =	vsub.f32 v28, v29;
	[tilespmem:s31+$0x280] =	vst v19  }
0xb5: {  	vm6 =	vlt.f32 v12, v16;
	v21 =	vsub.f32 v29, v30;
	[tilespmem:s31+$0x300] =	vst v17;
	v17 =	vsel vm5, $0x3F800000, v0;
	s31 =	sor.u32 s20, s30  }
0xb6: {  	v31 =	vsel vm6, $0x3F800000, v0;
	vm7 =	vlt.f32 v13, v16;
	v19 =	vsub.f32 v30, v17;
	[tilespmem:s31+$0x0] =	vst v20;
	s31 =	sor.u32 s20, s0  }
0xb7: {  	vm8 =	vlt.f32 v14, v16;
	v32 =	vsel vm7, $0x3F800000, v0;
	v17 =	vsub.f32 v17, v31;
	[tilespmem:s31+$0x0] =	vst v21;
	s31 =	sor.u32 s20, s2  }
0xb8: {  	vm9 =	vlt.f32 v15, v16;
	v33 =	vsel vm8, $0x3F800000, v0;
	v16 =	vsub.f32 v31, v32;
	[tilespmem:s31+$0x0] =	vst v19;
	s31 =	sor.u32 s20, s12  }
0xb9: {  	v34 =	vsel vm9, $0x3F800000, v0;
	v35 =	vsub.f32 v32, v33;
	[tilespmem:s31+$0x0] =	vst v17;
	s31 =	sor.u32 s20, s6  }
0xba: {  	v17 =	vsub.f32 v33, v34;
	[tilespmem:s31+$0x0] =	vst v16;
	s31 =	sor.u32 s20, s7  }
0xbb: {  	[tilespmem:s31+$0x0] =	vst v35;
	s31 =	sor.u32 s20, s10  }
0xbc: {  	s20 =	sor.u32 s20, s11;
	[tilespmem:s31+$0x0] =	vst v17  }
0xbd: {  	[tilespmem:s20+$0x0] =	vst v34  }
0xbe: {  	v16 =	vld [tilespmem:s28+$0x0];
	_ =	sdelay $0x4  }
0xbf: {  	vm10 =	vlt.f32 v1, v16;
	vm11 =	vlt.f32 v2, v16  }
0xc0: {  	s22 =	sadd.s32 $0xFFFFFFF0, s25;
	vm12 =	vlt.f32 v3, v16;
	vm13 =	vlt.f32 v4, v16;
	v17 =	vsel vm10, $0x3F800000, v0  }
0xc1: {  	s20 =	sand.u32 $0x60, s22;
	vm14 =	vlt.f32 v5, v16;
	v36 =	vsel vm11, $0x3F800000, v0;
	v37 =	vsub.f32 $1.000000000e+00, v17  }
0xc2: {  	s31 =	sor.u32 s20, s29;
	vm15 =	vlt.f32 v6, v16;
	v38 =	vsel vm12, $0x3F800000, v0;
	v17 =	vsub.f32 v17, v36  }
0xc3: {  	vm4 =	vlt.f32 v7, v16;
	v39 =	vsel vm13, $0x3F800000, v0;
	v18 =	vsub.f32 v36, v38;
	[tilespmem:s31+$0x0] =	vst v37  }
0xc4: {  	vm5 =	vlt.f32 v8, v16;
	v40 =	vsel vm14, $0x3F800000, v0;
	v20 =	vsub.f32 v38, v39;
	[tilespmem:s31+$0x80] =	vst v17  }
0xc5: {  	v41 =	vsel vm4, $0x3F800000, v0;
	v42 =	vsel vm5, $0x3F800000, v0;
	v21 =	vsub.f32 v39, v40;
	[tilespmem:s31+$0x100] =	vst v18  }
0xc6: {  	v17 =	vsel vm15, $0x3F800000, v0;
	[tilespmem:s31+$0x180] =	vst v20;
	v18 =	vsub.f32 v41, v42  }
0xc7: {  	vm6 =	vlt.f32 v9, v16;
	[tilespmem:s31+$0x200] =	vst v21;
	v19 =	vsub.f32 v40, v17  }
0xc8: {  	vm7 =	vlt.f32 v10, v16;
	v43 =	vsel vm6, $0x3F800000, v0;
	v17 =	vsub.f32 v17, v41;
	[tilespmem:s31+$0x380] =	vst v18  }
0xc9: {  	vm8 =	vlt.f32 v11, v16;
	v44 =	vsel vm7, $0x3F800000, v0;
	v20 =	vsub.f32 v42, v43;
	[tilespmem:s31+$0x280] =	vst v19  }
0xca: {  	vm9 =	vlt.f32 v12, v16;
	v21 =	vsub.f32 v43, v44;
	[tilespmem:s31+$0x300] =	vst v17;
	v17 =	vsel vm8, $0x3F800000, v0;
	s31 =	sor.u32 s20, s30  }
0xcb: {  	v45 =	vsel vm9, $0x3F800000, v0;
	vm10 =	vlt.f32 v13, v16;
	v19 =	vsub.f32 v44, v17;
	[tilespmem:s31+$0x0] =	vst v20;
	s31 =	sor.u32 s20, s0  }
0xcc: {  	vm11 =	vlt.f32 v14, v16;
	v46 =	vsel vm10, $0x3F800000, v0;
	v17 =	vsub.f32 v17, v45;
	[tilespmem:s31+$0x0] =	vst v21;
	s31 =	sor.u32 s20, s2  }
0xcd: {  	vm12 =	vlt.f32 v15, v16;
	v47 =	vsel vm11, $0x3F800000, v0;
	v16 =	vsub.f32 v45, v46;
	[tilespmem:s31+$0x0] =	vst v19;
	s31 =	sor.u32 s20, s12  }
0xce: {  	v48 =	vsel vm12, $0x3F800000, v0;
	v49 =	vsub.f32 v46, v47;
	[tilespmem:s31+$0x0] =	vst v17;
	s31 =	sor.u32 s20, s6  }
0xcf: {  	v17 =	vsub.f32 v47, v48;
	[tilespmem:s31+$0x0] =	vst v16;
	s31 =	sor.u32 s20, s7  }
0xd0: {  	[tilespmem:s31+$0x0] =	vst v49;
	s31 =	sor.u32 s20, s10  }
0xd1: {  	s20 =	sor.u32 s20, s11;
	[tilespmem:s31+$0x0] =	vst v17  }
0xd2: {  	[tilespmem:s20+$0x0] =	vst v48  }
0xd3: {  	v16 =	vld [tilespmem:s28+$0x10];
	_ =	sdelay $0x4  }
0xd4: {  	vm13 =	vlt.f32 v1, v16;
	vm14 =	vlt.f32 v2, v16  }
0xd5: {  	vm15 =	vlt.f32 v3, v16;
	vm4 =	vlt.f32 v4, v16;
	v17 =	vsel vm13, $0x3F800000, v0  }
0xd6: {  	s20 =	sand.u32 $0x70, s25;
	vm5 =	vlt.f32 v5, v16;
	v50 =	vsel vm14, $0x3F800000, v0;
	v51 =	vsub.f32 $1.000000000e+00, v17  }
0xd7: {  	s29 =	sor.u32 s20, s29;
	vm6 =	vlt.f32 v6, v16;
	v52 =	vsel vm15, $0x3F800000, v0;
	v17 =	vsub.f32 v17, v50  }
0xd8: {  	vm7 =	vlt.f32 v7, v16;
	v53 =	vsel vm4, $0x3F800000, v0;
	v18 =	vsub.f32 v50, v52;
	[tilespmem:s29+$0x0] =	vst v51  }
0xd9: {  	vm8 =	vlt.f32 v8, v16;
	v54 =	vsel vm5, $0x3F800000, v0;
	v20 =	vsub.f32 v52, v53;
	[tilespmem:s29+$0x80] =	vst v17  }
0xda: {  	v55 =	vsel vm7, $0x3F800000, v0;
	v56 =	vsel vm8, $0x3F800000, v0;
	v21 =	vsub.f32 v53, v54;
	[tilespmem:s29+$0x100] =	vst v18  }
0xdb: {  	v17 =	vsel vm6, $0x3F800000, v0;
	[tilespmem:s29+$0x180] =	vst v20;
	v18 =	vsub.f32 v55, v56  }
0xdc: {  	vm9 =	vlt.f32 v9, v16;
	[tilespmem:s29+$0x200] =	vst v21;
	v19 =	vsub.f32 v54, v17  }
0xdd: {  	vm10 =	vlt.f32 v10, v16;
	v57 =	vsel vm9, $0x3F800000, v0;
	v17 =	vsub.f32 v17, v55;
	[tilespmem:s29+$0x380] =	vst v18  }
0xde: {  	vm11 =	vlt.f32 v11, v16;
	v58 =	vsel vm10, $0x3F800000, v0;
	v20 =	vsub.f32 v56, v57;
	[tilespmem:s29+$0x280] =	vst v19  }
0xdf: {  	s31 =	sor.u32 s20, s30;
	vm12 =	vlt.f32 v12, v16;
	v21 =	vsub.f32 v57, v58;
	[tilespmem:s29+$0x300] =	vst v17;
	v17 =	vsel vm11, $0x3F800000, v0  }
0xe0: {  	s0 =	sor.u32 s20, s0;
	v59 =	vsel vm12, $0x3F800000, v0;
	vm13 =	vlt.f32 v13, v16;
	v19 =	vsub.f32 v58, v17;
	[tilespmem:s31+$0x0] =	vst v20  }
0xe1: {  	s2 =	sor.u32 s20, s2;
	vm14 =	vlt.f32 v14, v16;
	v60 =	vsel vm13, $0x3F800000, v0;
	v17 =	vsub.f32 v17, v59;
	[tilespmem:s0+$0x0] =	vst v21  }
0xe2: {  	p0 =	sne.s32 s25, $0x7F0;
	s12 =	sor.u32 s20, s12;
	vm15 =	vlt.f32 v15, v16;
	v61 =	vsel vm14, $0x3F800000, v0;
	v16 =	vsub.f32 v59, v60;
	[tilespmem:s2+$0x0] =	vst v19  }
.Ltmp1:
0xe3: {  	s22 =	sor.u32 s20, s6;
	v62 =	vsel vm15, $0x3F800000, v0;
	v63 =	vsub.f32 v60, v61;
	[tilespmem:s12+$0x0] =	vst v17;
	(pc) =	sbr.rel @p0 .LBB2_5-.Ltmp1, $4  }
0xe4: {  	s29 =	sor.u32 s20, s7;
	v17 =	vsub.f32 v61, v62;
	[tilespmem:s22+$0x0] =	vst v16  }
0xe5: {  	s30 =	sor.u32 s20, s10;
	[tilespmem:s29+$0x0] =	vst v63  }
0xe6: {  	s31 =	sor.u32 s20, s11;
	[tilespmem:s30+$0x0] =	vst v17  }
0xe7: {  	s26 =	sadd.s32 $0x200, s26;
	s25 =	sadd.s32 $0x40, s25;
	s28 =	sadd.s32 $0x40, s28;
	[tilespmem:s31+$0x0] =	vst v62  }
0xe8: {  	s23 =	sadd.s32 $0x1, s23  }
0xe9: {  	p0 =	sne.s32 s23, $0x8  }
.Ltmp2:
0xea: {  	_ = 	snop;
	(pc) =	sbr.rel @p0 .LBB2_2-.Ltmp2, $4  }
0xeb: {  	s0 =	sadd.s32 s3, s24  }
0xec: {  	[hbm4b:s0+s4] =	stream.linear.scatter [tilespmem:s18], [sflag:$0x2], $0x4000, $0x38;
	[tilespmem:$0x11100] =	vst v63  }
0xed: {  	s31 =	sadd.s32 s24, s8  }
0xee: {  	[hbm4b:s31+s4] =	stream.linear.scatter [tilespmem:s19], [sflag:$0x2], $0x4000, $0x38;
	[tilespmem:$0x11100] =	vst v63  }
0xef: {  	s0 =	simm.s32 $0x1  }
0xf0: {  	_ =	swait.ge [sflag:s0], $0x4000  }
0xf1: {  	[sflag:s0] =	ssyncset.done $0x0  }
0xf2: {  	[sflag:s0] =	ssyncadd.s32 $0xFFFFC000  }
0xf3: {  	_ =	swait.ge [sflag:s0], $0x4000  }
0xf4: {  	[sflag:s0] =	ssyncset.done $0x0  }
0xf5: {  	[sflag:s0] =	ssyncadd.s32 $0xFFFFC000  }
0xf6: {  	_ =	swait.ge [sflag:s21], $0x4000  }
0xf7: {  	[sflag:s21] =	ssyncset.done $0x0  }
0xf8: {  	[sflag:s21] =	ssyncadd.s32 $0xFFFFC000  }
0xf9: {  	_ =	swait.ge [sflag:s21], $0x4000  }
0xfa: {  	s2 =	rddreg [dreg:$0x7]  }
0xfb: {  	s31 =	rddreg [dreg:$0x6];
	s2 =	sadd.s32 $0x1, s2  }
0xfc: {  	p0 =	sne.s32 s2, s31  }
.Ltmp3:
0xfd: {  	_ = 	snop;
	(pc) =	sbr.rel @p0 .LBB2_1-.Ltmp3, $3  }
0xfe: {  	_ =	sdelay $0x1  }
0xff: {  	[sflag:s21] =	ssyncset.done $0x0  }
0x100: {  	[sflag:s21] =	ssyncadd.s32 $0xFFFFC000  }
0x101: {  	_ =	sfence.sel $0x180000  }
0x102: {  	[bflag:$0x0] =	sbarrier.arrive $0xFFFF  }
0x103: {  	_ =	strace $0x90000047  }
0x104: {  	s0 =	stileid.u32;
	[bflag:$0x2] =	sbarrier.arrive $0xFFFF  }
0x105: {  	p0 =	sne.s32 s0, $0x0;
	s0 =	rddreg [dreg:$0x3]  }
0x106: {  	s0 =	sadd.s32 @!p0 $0x100000, s0  }
0x107: {  	[sflag:s0] =	ssyncadd.tile.s32 @!p0 $0x1;
	_ =	shalt  }
.Lfunc_end2:
_tile_overlayer_lowered:
.L_overlay_start_2:
0x108: {  	(tag) =	ssettag $0x2  }
0x109: {  	s0 =	rddreg [dreg:$0x0];
	s2 =	stileid.u32  }
0x10a: {  	s1 =	rddreg [dreg:$0x1];
	p0 =	sne.s32 s2, $0x0  }
0x10b: {  	s3 =	rddreg [dreg:$0x2];
	[bflag:$0x3] =	sbarrier.arrive $0xFFFF;
	s2 =	simm.s32 @!p0 $0x1C05  }
0x10c: {  	[timem:s3], [sflag:s2] =	dma.local @!p0 [hbm:s0], s1  }
0x10d: {  	s0 =	simm.s32 @!p0 $0x5  }
0x10e: {  	_ =	swait.ge @!p0 [sflag:s0], s1  }
0x10f: {  	s1 =	ssub.s32 @!p0 $0x0, s1;
	[sflag:s0] =	ssyncset.done @!p0 $0x0  }
0x110: {  	[sflag:s0] =	ssyncadd.s32 @!p0 s1  }
0x111: {  	[bflag:$0x3] =	sbarrier.arrive $0xFFFF  }
0x112: {  	_ =	shalt  }

</sc_bundles>
